<compile_context>
chip_gen: v7x
topology: tpu7x:2x2x1
jax: 0.10.2.dev20260603
libtpu: 0.0.44.dev20260713+nightly
codegen_flags: <defaults>
</compile_context>

<pallas_src>
import functools

import jax
import jax.numpy as jnp
from jax import lax
from jax.experimental import pallas as pl
from jax.experimental.pallas import tpu as pltpu
from jax.experimental.pallas import tpu_sc as plsc

N = 10000
E = 320000
D = 128
NC = 2
NS = 16
NW = NC * NS
EW = E // NW
C = 80
NCH = EW // C
NPAD = 10240
DEG_SUB = NPAD // NS
NROW = 10240
ROW_SUB = NROW // NS
ZROWS = 128

_MESH = dict(core_axis_name="c", subcore_axis_name="s")


def _sc_degree(dst3):

    @functools.partial(
        pl.kernel,
        mesh=plsc.VectorSubcoreMesh(**_MESH),
        out_type=jax.ShapeDtypeStruct((NC, NPAD), jnp.float32),
        scratch_types=[
            pltpu.VMEM((NCH, C), jnp.int32),
            pltpu.VMEM((C,), jnp.float32),
            pltpu.VMEM((DEG_SUB,), jnp.float32),
            pltpu.VMEM_SHARED((NPAD,), jnp.float32),
            pltpu.SemaphoreType.DMA,
        ],
    )
    def deg_kernel(dst_hbm, out_hbm, dstv, onesv, zerov, dega, sem):
        cid = lax.axis_index("c")
        sid = lax.axis_index("s")
        wid = cid * NS + sid
        ones16 = jnp.ones((16,), jnp.float32)
        zeros16 = jnp.zeros((16,), jnp.float32)
        for i in range(C // 16):
            onesv[pl.ds(i * 16, 16)] = ones16
        for i in range(DEG_SUB // 16):
            zerov[pl.ds(i * 16, 16)] = zeros16
        pltpu.sync_copy(zerov, dega.at[pl.ds(sid * DEG_SUB, DEG_SUB)])
        pltpu.sync_copy(dst_hbm.at[wid], dstv)
        plsc.subcore_barrier()

        def fire(j, carry):
            pltpu.async_copy(onesv, dega.at[dstv.at[j]], sem, add=True)
            return carry

        def drain(j, carry):
            pltpu.make_async_copy(onesv, dega.at[dstv.at[j]], sem).wait()
            return carry

        lax.fori_loop(0, NCH, fire, 0)
        lax.fori_loop(0, NCH, drain, 0)
        plsc.subcore_barrier()
        sl = pl.ds(sid * DEG_SUB, DEG_SUB)
        pltpu.sync_copy(dega.at[sl], out_hbm.at[cid, sl])

    return deg_kernel(dst3)


def _sc_scatter(y, srcflat, dst3, zrows):

    @functools.partial(
        pl.kernel,
        mesh=plsc.VectorSubcoreMesh(**_MESH),
        out_type=jax.ShapeDtypeStruct((NC, NROW, D), jnp.float32),
        scratch_types=[
            pltpu.VMEM((EW,), jnp.int32),
            pltpu.VMEM((NCH, C), jnp.int32),
            pltpu.VMEM((C, D), jnp.float32),
            pltpu.VMEM((C, D), jnp.float32),
            pltpu.VMEM_SHARED((NROW, D), jnp.float32),
            pltpu.SemaphoreType.DMA,
            pltpu.SemaphoreType.DMA,
            pltpu.SemaphoreType.DMA,
            pltpu.SemaphoreType.DMA,
        ],
    )
    def scat_kernel(y_hbm, src_hbm, dst_hbm, z_hbm, out_hbm,
                    srcv, dstv, rows0, rows1, acc, sem0, sem1, ssem0, ssem1):
        cid = lax.axis_index("c")
        sid = lax.axis_index("s")
        wid = cid * NS + sid
        base = sid * ROW_SUB
        for k in range(ROW_SUB // ZROWS):
            sl = pl.ds(base + k * ZROWS, ZROWS)

            @pl.when(cid == 0)
            def _():
                pltpu.sync_copy(y_hbm.at[sl], acc.at[sl])

            @pl.when(cid != 0)
            def _():
                pltpu.sync_copy(z_hbm, acc.at[sl])

        pltpu.sync_copy(src_hbm.at[pl.ds(wid * EW, EW)], srcv)
        pltpu.sync_copy(dst_hbm.at[wid], dstv)
        plsc.subcore_barrier()

        def g_start(j, buf, sem):
            pltpu.async_copy(y_hbm.at[srcv.at[pl.ds(j * C, C)]], buf, sem)

        def g_wait(j, buf, sem):
            pltpu.make_async_copy(y_hbm.at[srcv.at[pl.ds(j * C, C)]], buf,
                                  sem).wait()

        def s_start(j, buf, sem):
            pltpu.async_copy(buf, acc.at[dstv.at[j]], sem, add=True)

        def s_wait(j, buf, sem):
            pltpu.make_async_copy(buf, acc.at[dstv.at[j]], sem).wait()

        g_start(0, rows0, sem0)
        g_wait(0, rows0, sem0)
        s_start(0, rows0, ssem0)
        g_start(1, rows1, sem1)

        def body(i, carry):
            j = 2 * i
            g_wait(j + 1, rows1, sem1)
            s_start(j + 1, rows1, ssem1)
            s_wait(j, rows0, ssem0)
            g_start(j + 2, rows0, sem0)
            g_wait(j + 2, rows0, sem0)
            s_start(j + 2, rows0, ssem0)
            s_wait(j + 1, rows1, ssem1)
            g_start(j + 3, rows1, sem1)
            return carry

        lax.fori_loop(0, (NCH - 3) // 2, body, 0)
        g_wait(NCH - 2, rows1, sem1)
        s_start(NCH - 2, rows1, ssem1)
        s_wait(NCH - 3, rows0, ssem0)
        g_start(NCH - 1, rows0, sem0)
        g_wait(NCH - 1, rows0, sem0)
        s_start(NCH - 1, rows0, ssem0)
        s_wait(NCH - 2, rows1, ssem1)
        s_wait(NCH - 1, rows0, ssem0)
        plsc.subcore_barrier()
        for k in range(ROW_SUB // ZROWS):
            sl = pl.ds(base + k * ZROWS, ZROWS)
            pltpu.sync_copy(acc.at[sl], out_hbm.at[cid, sl])

    return scat_kernel(y, srcflat, dst3, zrows)


def _tc_stage1(x, W1, d0, d1):
    BLK = 1000

    def body(x_ref, w_ref, d0_ref, d1_ref, y_ref):
        dis = lax.rsqrt(d0_ref[...] + d1_ref[...] + 1.0)
        xw = jnp.dot(x_ref[...], w_ref[...], preferred_element_type=jnp.float32)
        y_ref[...] = xw * dis

    return pl.pallas_call(
        body,
        grid=(N // BLK,),
        in_specs=[
            pl.BlockSpec((BLK, D), lambda i: (i, 0)),
            pl.BlockSpec((D, D), lambda i: (0, 0)),
            pl.BlockSpec((BLK, 1), lambda i: (i, 0)),
            pl.BlockSpec((BLK, 1), lambda i: (i, 0)),
        ],
        out_specs=pl.BlockSpec((BLK, D), lambda i: (i, 0)),
        out_shape=jax.ShapeDtypeStruct((NROW, D), jnp.float32),
    )(x, W1, d0, d1)


def _tc_stage2(agg, d0, d1, b1, W2):
    BLK = 1000

    def body(p0_ref, p1_ref, d0_ref, d1_ref, b1_ref, w_ref, y2_ref):
        dis = lax.rsqrt(d0_ref[...] + d1_ref[...] + 1.0)
        h = dis * (p0_ref[0] + p1_ref[0]) + b1_ref[...]
        h = jnp.maximum(h, 0.0)
        y2_ref[...] = jnp.dot(h, w_ref[...], preferred_element_type=jnp.float32) * dis

    return pl.pallas_call(
        body,
        grid=(N // BLK,),
        in_specs=[
            pl.BlockSpec((1, BLK, D), lambda i: (0, i, 0)),
            pl.BlockSpec((1, BLK, D), lambda i: (1, i, 0)),
            pl.BlockSpec((BLK, 1), lambda i: (i, 0)),
            pl.BlockSpec((BLK, 1), lambda i: (i, 0)),
            pl.BlockSpec((1, D), lambda i: (0, 0)),
            pl.BlockSpec((D, D), lambda i: (0, 0)),
        ],
        out_specs=pl.BlockSpec((BLK, D), lambda i: (i, 0)),
        out_shape=jax.ShapeDtypeStruct((NROW, D), jnp.float32),
    )(agg, agg, d0, d1, b1, W2)


def _tc_stage3(agg, d0, d1, b2):
    BLK = 1000

    def body(q0_ref, q1_ref, d0_ref, d1_ref, b2_ref, o_ref):
        dis = lax.rsqrt(d0_ref[...] + d1_ref[...] + 1.0)
        o_ref[...] = dis * (q0_ref[0] + q1_ref[0]) + b2_ref[...]

    return pl.pallas_call(
        body,
        grid=(N // BLK,),
        in_specs=[
            pl.BlockSpec((1, BLK, D), lambda i: (0, i, 0)),
            pl.BlockSpec((1, BLK, D), lambda i: (1, i, 0)),
            pl.BlockSpec((BLK, 1), lambda i: (i, 0)),
            pl.BlockSpec((BLK, 1), lambda i: (i, 0)),
            pl.BlockSpec((1, D), lambda i: (0, 0)),
        ],
        out_specs=pl.BlockSpec((BLK, D), lambda i: (i, 0)),
        out_shape=jax.ShapeDtypeStruct((N, D), jnp.float32),
    )(agg, agg, d0, d1, b2)


def kernel(x, edge_index, W1, b1, W2, b2):
    srcflat = edge_index[0].astype(jnp.int32).reshape(-1)
    dst3 = edge_index[1].astype(jnp.int32).reshape(NW, NCH, C)
    zrows = jnp.zeros((ZROWS, D), jnp.float32)

    degp = _sc_degree(dst3)
    d0 = degp[0, :N].reshape(N, 1)
    d1 = degp[1, :N].reshape(N, 1)
    y1 = _tc_stage1(x, W1, d0, d1)
    agg1 = _sc_scatter(y1, srcflat, dst3, zrows)
    y2 = _tc_stage2(agg1, d0, d1, b1.reshape(1, D), W2)
    agg2 = _sc_scatter(y2, srcflat, dst3, zrows)
    return _tc_stage3(agg2, d0, d1, b2.reshape(1, D))

# --- scband reference (transcript-rebuilt; emitter-appended) ---
"""Pipeline reference for scband-gcn-46428596469830 (READ-ONLY COPY).

The authoritative reference and input builder live on the scoring server;
editing this copy changes nothing except your own understanding.
"""

import jax, jax.numpy as jnp
import numpy as np

N_NODES = 10000
N_EDGES = 320000
D_IN = 128
D_HID = 128
D_OUT = 128


def setup_inputs(seed: int = 0) -> dict:
    key = jax.random.key(seed)
    k1, k2, k3, k4, k5, k6 = jax.random.split(key, 6)
    x = jax.random.normal(k1, (N_NODES, D_IN), dtype=jnp.float32)
    edge_index = jax.random.randint(k2, (2, N_EDGES), 0, N_NODES, dtype=jnp.int64)
    # Glorot init for GCNConv weights, zeros for bias (PyG defaults)
    s1 = (6.0 / (D_IN + D_HID)) ** 0.5
    W1 = jax.random.uniform(k3, (D_IN, D_HID), dtype=jnp.float32, minval=-s1, maxval=s1)
    b1 = jnp.zeros((D_HID,), dtype=jnp.float32)
    s2 = (6.0 / (D_HID + D_OUT)) ** 0.5
    W2 = jax.random.uniform(k4, (D_HID, D_OUT), dtype=jnp.float32, minval=-s2, maxval=s2)
    b2 = jnp.zeros((D_OUT,), dtype=jnp.float32)
    return {"x": x, "edge_index": edge_index, "W1": W1, "b1": b1, "W2": W2, "b2": b2}


def _gcn_conv(x, src, dst, W, b, n_nodes):
    # GCNConv with add_self_loops=True, normalize=True (PyG defaults)
    # src/dst already include self-loops
    deg = jnp.zeros((n_nodes,), dtype=x.dtype).at[dst].add(1.0)
    deg_inv_sqrt = jnp.where(deg > 0, deg ** -0.5, 0.0)
    norm = deg_inv_sqrt[src] * deg_inv_sqrt[dst]
    xw = x @ W
    msg = jnp.take(xw, src, axis=0) * norm[:, None]
    out = jnp.zeros((n_nodes, xw.shape[1]), dtype=x.dtype).at[dst].add(msg)
    return out + b


def reference(x, edge_index, W1, b1, W2, b2):
    n_nodes = x.shape[0]
    loops = jnp.arange(n_nodes, dtype=edge_index.dtype)
    src = jnp.concatenate([edge_index[0], loops])
    dst = jnp.concatenate([edge_index[1], loops])
    h = _gcn_conv(x, src, dst, W1, b1, n_nodes)
    h = jax.nn.relu(h)
    out = _gcn_conv(h, src, dst, W2, b2, n_nodes)
    return out

if __name__ == "__main__":
    import jax
    _d = setup_inputs()
    print(jax.jit(kernel)(*tuple(_d.values())))

</pallas_src>

<mosaic_0001>
#map = affine_map<(d0, d1) -> (0, 0, 0)>
#map1 = affine_map<(d0, d1) -> (0, 0)>
module attributes {stable_mosaic.version = 14 : i64} {
  func.func @deg_kernel(%arg0: i32, %arg1: i32, %arg2: memref<32x125x80xi32, #tpu.memory_space<hbm>>, %arg3: memref<2x10240xf32, #tpu.memory_space<hbm>>, %arg4: memref<125x80xi32, #tpu.memory_space<vmem>>, %arg5: memref<80xf32, #tpu.memory_space<vmem>>, %arg6: memref<640xf32, #tpu.memory_space<vmem>>, %arg7: memref<10240xf32, #tpu.memory_space<vmem_shared>>, %arg8: memref<!tpu.dma_semaphore, #tpu.memory_space<semaphore_mem>>) attributes {dimension_semantics = [#tpu.dimension_semantics<core_parallel>, #tpu.dimension_semantics<subcore_parallel>], iteration_bounds = array<i64: 2, 16>, scalar_prefetch = 0 : i64, scratch_operands = 5 : i64, tpu.core_type = #tpu.core_type<sc_vector_subcore>, window_params = [{transform_indices = #map}, {transform_indices = #map1}]} {
    %mul3A = arith.constant 16 : i32
    %mul3A_0 = arith.muli %arg0, %mul3A : i32
    %add3A = arith.addi %mul3A_0, %arg1 : i32
    %broadcast_in_dim3A = arith.constant 1.000000e+00 : f32
    %broadcast_in_dim3A_1 = vector.broadcast %broadcast_in_dim3A : f32 to vector<16xf32>
    %broadcast_in_dim3A_2 = arith.constant 0.000000e+00 : f32
    %broadcast_in_dim3A_3 = vector.broadcast %broadcast_in_dim3A_2 : f32 to vector<16xf32>
    %swap3A = arith.constant 0 : index
    %swap3A_4 = tpu.vector_load %arg5[%swap3A] {strides = array<i32>} : memref<80xf32, #tpu.memory_space<vmem>>, vector<16xf32>,
    %swap3A_5 = vector.shape_cast %swap3A_4 : vector<16xf32> to vector<16xf32>
    %swap3A_6 = vector.shape_cast %broadcast_in_dim3A_1 : vector<16xf32> to vector<16xf32>
    tpu.vector_store %arg5[%swap3A], %swap3A_6 {strides = array<i32>} : memref<80xf32, #tpu.memory_space<vmem>>, vector<16xf32>,
    %swap3A_7 = arith.constant 16 : index
    %swap3A_8 = tpu.vector_load %arg5[%swap3A_7] {strides = array<i32>} : memref<80xf32, #tpu.memory_space<vmem>>, vector<16xf32>,
    %swap3A_9 = vector.shape_cast %swap3A_8 : vector<16xf32> to vector<16xf32>
    %swap3A_10 = vector.shape_cast %broadcast_in_dim3A_1 : vector<16xf32> to vector<16xf32>
    tpu.vector_store %arg5[%swap3A_7], %swap3A_10 {strides = array<i32>} : memref<80xf32, #tpu.memory_space<vmem>>, vector<16xf32>,
    %swap3A_11 = arith.constant 32 : index
    %swap3A_12 = tpu.vector_load %arg5[%swap3A_11] {strides = array<i32>} : memref<80xf32, #tpu.memory_space<vmem>>, vector<16xf32>,
    %swap3A_13 = vector.shape_cast %swap3A_12 : vector<16xf32> to vector<16xf32>
    %swap3A_14 = vector.shape_cast %broadcast_in_dim3A_1 : vector<16xf32> to vector<16xf32>
    tpu.vector_store %arg5[%swap3A_11], %swap3A_14 {strides = array<i32>} : memref<80xf32, #tpu.memory_space<vmem>>, vector<16xf32>,
    %swap3A_15 = arith.constant 48 : index
    %swap3A_16 = tpu.vector_load %arg5[%swap3A_15] {strides = array<i32>} : memref<80xf32, #tpu.memory_space<vmem>>, vector<16xf32>,
    %swap3A_17 = vector.shape_cast %swap3A_16 : vector<16xf32> to vector<16xf32>
    %swap3A_18 = vector.shape_cast %broadcast_in_dim3A_1 : vector<16xf32> to vector<16xf32>
    tpu.vector_store %arg5[%swap3A_15], %swap3A_18 {strides = array<i32>} : memref<80xf32, #tpu.memory_space<vmem>>, vector<16xf32>,
    %swap3A_19 = arith.constant 64 : index
    %swap3A_20 = tpu.vector_load %arg5[%swap3A_19] {strides = array<i32>} : memref<80xf32, #tpu.memory_space<vmem>>, vector<16xf32>,
    %swap3A_21 = vector.shape_cast %swap3A_20 : vector<16xf32> to vector<16xf32>
    %swap3A_22 = vector.shape_cast %broadcast_in_dim3A_1 : vector<16xf32> to vector<16xf32>
    tpu.vector_store %arg5[%swap3A_19], %swap3A_22 {strides = array<i32>} : memref<80xf32, #tpu.memory_space<vmem>>, vector<16xf32>,
    %swap3A_23 = arith.constant 0 : index
    %swap3A_24 = tpu.vector_load %arg6[%swap3A_23] {strides = array<i32>} : memref<640xf32, #tpu.memory_space<vmem>>, vector<16xf32>,
    %swap3A_25 = vector.shape_cast %swap3A_24 : vector<16xf32> to vector<16xf32>
    %swap3A_26 = vector.shape_cast %broadcast_in_dim3A_3 : vector<16xf32> to vector<16xf32>
    tpu.vector_store %arg6[%swap3A_23], %swap3A_26 {strides = array<i32>} : memref<640xf32, #tpu.memory_space<vmem>>, vector<16xf32>,
    %swap3A_27 = arith.constant 16 : index
    %swap3A_28 = tpu.vector_load %arg6[%swap3A_27] {strides = array<i32>} : memref<640xf32, #tpu.memory_space<vmem>>, vector<16xf32>,
    %swap3A_29 = vector.shape_cast %swap3A_28 : vector<16xf32> to vector<16xf32>
    %swap3A_30 = vector.shape_cast %broadcast_in_dim3A_3 : vector<16xf32> to vector<16xf32>
    tpu.vector_store %arg6[%swap3A_27], %swap3A_30 {strides = array<i32>} : memref<640xf32, #tpu.memory_space<vmem>>, vector<16xf32>,
    %swap3A_31 = arith.constant 32 : index
    %swap3A_32 = tpu.vector_load %arg6[%swap3A_31] {strides = array<i32>} : memref<640xf32, #tpu.memory_space<vmem>>, vector<16xf32>,
    %swap3A_33 = vector.shape_cast %swap3A_32 : vector<16xf32> to vector<16xf32>
    %swap3A_34 = vector.shape_cast %broadcast_in_dim3A_3 : vector<16xf32> to vector<16xf32>
    tpu.vector_store %arg6[%swap3A_31], %swap3A_34 {strides = array<i32>} : memref<640xf32, #tpu.memory_space<vmem>>, vector<16xf32>,
    %swap3A_35 = arith.constant 48 : index
    %swap3A_36 = tpu.vector_load %arg6[%swap3A_35] {strides = array<i32>} : memref<640xf32, #tpu.memory_space<vmem>>, vector<16xf32>,
    %swap3A_37 = vector.shape_cast %swap3A_36 : vector<16xf32> to vector<16xf32>
    %swap3A_38 = vector.shape_cast %broadcast_in_dim3A_3 : vector<16xf32> to vector<16xf32>
    tpu.vector_store %arg6[%swap3A_35], %swap3A_38 {strides = array<i32>} : memref<640xf32, #tpu.memory_space<vmem>>, vector<16xf32>,
    %swap3A_39 = arith.constant 64 : index
    %swap3A_40 = tpu.vector_load %arg6[%swap3A_39] {strides = array<i32>} : memref<640xf32, #tpu.memory_space<vmem>>, vector<16xf32>,
    %swap3A_41 = vector.shape_cast %swap3A_40 : vector<16xf32> to vector<16xf32>
    %swap3A_42 = vector.shape_cast %broadcast_in_dim3A_3 : vector<16xf32> to vector<16xf32>
    tpu.vector_store %arg6[%swap3A_39], %swap3A_42 {strides = array<i32>} : memref<640xf32, #tpu.memory_space<vmem>>, vector<16xf32>,
    %swap3A_43 = arith.constant 80 : index
    %swap3A_44 = tpu.vector_load %arg6[%swap3A_43] {strides = array<i32>} : memref<640xf32, #tpu.memory_space<vmem>>, vector<16xf32>,
    %swap3A_45 = vector.shape_cast %swap3A_44 : vector<16xf32> to vector<16xf32>
    %swap3A_46 = vector.shape_cast %broadcast_in_dim3A_3 : vector<16xf32> to vector<16xf32>
    tpu.vector_store %arg6[%swap3A_43], %swap3A_46 {strides = array<i32>} : memref<640xf32, #tpu.memory_space<vmem>>, vector<16xf32>,
    %swap3A_47 = arith.constant 96 : index
    %swap3A_48 = tpu.vector_load %arg6[%swap3A_47] {strides = array<i32>} : memref<640xf32, #tpu.memory_space<vmem>>, vector<16xf32>,
    %swap3A_49 = vector.shape_cast %swap3A_48 : vector<16xf32> to vector<16xf32>
    %swap3A_50 = vector.shape_cast %broadcast_in_dim3A_3 : vector<16xf32> to vector<16xf32>
    tpu.vector_store %arg6[%swap3A_47], %swap3A_50 {strides = array<i32>} : memref<640xf32, #tpu.memory_space<vmem>>, vector<16xf32>,
    %swap3A_51 = arith.constant 112 : index
    %swap3A_52 = tpu.vector_load %arg6[%swap3A_51] {strides = array<i32>} : memref<640xf32, #tpu.memory_space<vmem>>, vector<16xf32>,
    %swap3A_53 = vector.shape_cast %swap3A_52 : vector<16xf32> to vector<16xf32>
    %swap3A_54 = vector.shape_cast %broadcast_in_dim3A_3 : vector<16xf32> to vector<16xf32>
    tpu.vector_store %arg6[%swap3A_51], %swap3A_54 {strides = array<i32>} : memref<640xf32, #tpu.memory_space<vmem>>, vector<16xf32>,
    %swap3A_55 = arith.constant 128 : index
    %swap3A_56 = tpu.vector_load %arg6[%swap3A_55] {strides = array<i32>} : memref<640xf32, #tpu.memory_space<vmem>>, vector<16xf32>,
    %swap3A_57 = vector.shape_cast %swap3A_56 : vector<16xf32> to vector<16xf32>
    %swap3A_58 = vector.shape_cast %broadcast_in_dim3A_3 : vector<16xf32> to vector<16xf32>
    tpu.vector_store %arg6[%swap3A_55], %swap3A_58 {strides = array<i32>} : memref<640xf32, #tpu.memory_space<vmem>>, vector<16xf32>,
    %swap3A_59 = arith.constant 144 : index
    %swap3A_60 = tpu.vector_load %arg6[%swap3A_59] {strides = array<i32>} : memref<640xf32, #tpu.memory_space<vmem>>, vector<16xf32>,
    %swap3A_61 = vector.shape_cast %swap3A_60 : vector<16xf32> to vector<16xf32>
    %swap3A_62 = vector.shape_cast %broadcast_in_dim3A_3 : vector<16xf32> to vector<16xf32>
    tpu.vector_store %arg6[%swap3A_59], %swap3A_62 {strides = array<i32>} : memref<640xf32, #tpu.memory_space<vmem>>, vector<16xf32>,
    %swap3A_63 = arith.constant 160 : index
    %swap3A_64 = tpu.vector_load %arg6[%swap3A_63] {strides = array<i32>} : memref<640xf32, #tpu.memory_space<vmem>>, vector<16xf32>,
    %swap3A_65 = vector.shape_cast %swap3A_64 : vector<16xf32> to vector<16xf32>
    %swap3A_66 = vector.shape_cast %broadcast_in_dim3A_3 : vector<16xf32> to vector<16xf32>
    tpu.vector_store %arg6[%swap3A_63], %swap3A_66 {strides = array<i32>} : memref<640xf32, #tpu.memory_space<vmem>>, vector<16xf32>,
    %swap3A_67 = arith.constant 176 : index
    %swap3A_68 = tpu.vector_load %arg6[%swap3A_67] {strides = array<i32>} : memref<640xf32, #tpu.memory_space<vmem>>, vector<16xf32>,
    %swap3A_69 = vector.shape_cast %swap3A_68 : vector<16xf32> to vector<16xf32>
    %swap3A_70 = vector.shape_cast %broadcast_in_dim3A_3 : vector<16xf32> to vector<16xf32>
    tpu.vector_store %arg6[%swap3A_67], %swap3A_70 {strides = array<i32>} : memref<640xf32, #tpu.memory_space<vmem>>, vector<16xf32>,
    %swap3A_71 = arith.constant 192 : index
    %swap3A_72 = tpu.vector_load %arg6[%swap3A_71] {strides = array<i32>} : memref<640xf32, #tpu.memory_space<vmem>>, vector<16xf32>,
    %swap3A_73 = vector.shape_cast %swap3A_72 : vector<16xf32> to vector<16xf32>
    %swap3A_74 = vector.shape_cast %broadcast_in_dim3A_3 : vector<16xf32> to vector<16xf32>
    tpu.vector_store %arg6[%swap3A_71], %swap3A_74 {strides = array<i32>} : memref<640xf32, #tpu.memory_space<vmem>>, vector<16xf32>,
    %swap3A_75 = arith.constant 208 : index
    %swap3A_76 = tpu.vector_load %arg6[%swap3A_75] {strides = array<i32>} : memref<640xf32, #tpu.memory_space<vmem>>, vector<16xf32>,
    %swap3A_77 = vector.shape_cast %swap3A_76 : vector<16xf32> to vector<16xf32>
    %swap3A_78 = vector.shape_cast %broadcast_in_dim3A_3 : vector<16xf32> to vector<16xf32>
    tpu.vector_store %arg6[%swap3A_75], %swap3A_78 {strides = array<i32>} : memref<640xf32, #tpu.memory_space<vmem>>, vector<16xf32>,
    %swap3A_79 = arith.constant 224 : index
    %swap3A_80 = tpu.vector_load %arg6[%swap3A_79] {strides = array<i32>} : memref<640xf32, #tpu.memory_space<vmem>>, vector<16xf32>,
    %swap3A_81 = vector.shape_cast %swap3A_80 : vector<16xf32> to vector<16xf32>
    %swap3A_82 = vector.shape_cast %broadcast_in_dim3A_3 : vector<16xf32> to vector<16xf32>
    tpu.vector_store %arg6[%swap3A_79], %swap3A_82 {strides = array<i32>} : memref<640xf32, #tpu.memory_space<vmem>>, vector<16xf32>,
    %swap3A_83 = arith.constant 240 : index
    %swap3A_84 = tpu.vector_load %arg6[%swap3A_83] {strides = array<i32>} : memref<640xf32, #tpu.memory_space<vmem>>, vector<16xf32>,
    %swap3A_85 = vector.shape_cast %swap3A_84 : vector<16xf32> to vector<16xf32>
    %swap3A_86 = vector.shape_cast %broadcast_in_dim3A_3 : vector<16xf32> to vector<16xf32>
    tpu.vector_store %arg6[%swap3A_83], %swap3A_86 {strides = array<i32>} : memref<640xf32, #tpu.memory_space<vmem>>, vector<16xf32>,
    %swap3A_87 = arith.constant 256 : index
    %swap3A_88 = tpu.vector_load %arg6[%swap3A_87] {strides = array<i32>} : memref<640xf32, #tpu.memory_space<vmem>>, vector<16xf32>,
    %swap3A_89 = vector.shape_cast %swap3A_88 : vector<16xf32> to vector<16xf32>
    %swap3A_90 = vector.shape_cast %broadcast_in_dim3A_3 : vector<16xf32> to vector<16xf32>
    tpu.vector_store %arg6[%swap3A_87], %swap3A_90 {strides = array<i32>} : memref<640xf32, #tpu.memory_space<vmem>>, vector<16xf32>,
    %swap3A_91 = arith.constant 272 : index
    %swap3A_92 = tpu.vector_load %arg6[%swap3A_91] {strides = array<i32>} : memref<640xf32, #tpu.memory_space<vmem>>, vector<16xf32>,
    %swap3A_93 = vector.shape_cast %swap3A_92 : vector<16xf32> to vector<16xf32>
    %swap3A_94 = vector.shape_cast %broadcast_in_dim3A_3 : vector<16xf32> to vector<16xf32>
    tpu.vector_store %arg6[%swap3A_91], %swap3A_94 {strides = array<i32>} : memref<640xf32, #tpu.memory_space<vmem>>, vector<16xf32>,
    %swap3A_95 = arith.constant 288 : index
    %swap3A_96 = tpu.vector_load %arg6[%swap3A_95] {strides = array<i32>} : memref<640xf32, #tpu.memory_space<vmem>>, vector<16xf32>,
    %swap3A_97 = vector.shape_cast %swap3A_96 : vector<16xf32> to vector<16xf32>
    %swap3A_98 = vector.shape_cast %broadcast_in_dim3A_3 : vector<16xf32> to vector<16xf32>
    tpu.vector_store %arg6[%swap3A_95], %swap3A_98 {strides = array<i32>} : memref<640xf32, #tpu.memory_space<vmem>>, vector<16xf32>,
    %swap3A_99 = arith.constant 304 : index
    %swap3A_100 = tpu.vector_load %arg6[%swap3A_99] {strides = array<i32>} : memref<640xf32, #tpu.memory_space<vmem>>, vector<16xf32>,
    %swap3A_101 = vector.shape_cast %swap3A_100 : vector<16xf32> to vector<16xf32>
    %swap3A_102 = vector.shape_cast %broadcast_in_dim3A_3 : vector<16xf32> to vector<16xf32>
    tpu.vector_store %arg6[%swap3A_99], %swap3A_102 {strides = array<i32>} : memref<640xf32, #tpu.memory_space<vmem>>, vector<16xf32>,
    %swap3A_103 = arith.constant 320 : index
    %swap3A_104 = tpu.vector_load %arg6[%swap3A_103] {strides = array<i32>} : memref<640xf32, #tpu.memory_space<vmem>>, vector<16xf32>,
    %swap3A_105 = vector.shape_cast %swap3A_104 : vector<16xf32> to vector<16xf32>
    %swap3A_106 = vector.shape_cast %broadcast_in_dim3A_3 : vector<16xf32> to vector<16xf32>
    tpu.vector_store %arg6[%swap3A_103], %swap3A_106 {strides = array<i32>} : memref<640xf32, #tpu.memory_space<vmem>>, vector<16xf32>,
    %swap3A_107 = arith.constant 336 : index
    %swap3A_108 = tpu.vector_load %arg6[%swap3A_107] {strides = array<i32>} : memref<640xf32, #tpu.memory_space<vmem>>, vector<16xf32>,
    %swap3A_109 = vector.shape_cast %swap3A_108 : vector<16xf32> to vector<16xf32>
    %swap3A_110 = vector.shape_cast %broadcast_in_dim3A_3 : vector<16xf32> to vector<16xf32>
    tpu.vector_store %arg6[%swap3A_107], %swap3A_110 {strides = array<i32>} : memref<640xf32, #tpu.memory_space<vmem>>, vector<16xf32>,
    %swap3A_111 = arith.constant 352 : index
    %swap3A_112 = tpu.vector_load %arg6[%swap3A_111] {strides = array<i32>} : memref<640xf32, #tpu.memory_space<vmem>>, vector<16xf32>,
    %swap3A_113 = vector.shape_cast %swap3A_112 : vector<16xf32> to vector<16xf32>
    %swap3A_114 = vector.shape_cast %broadcast_in_dim3A_3 : vector<16xf32> to vector<16xf32>
    tpu.vector_store %arg6[%swap3A_111], %swap3A_114 {strides = array<i32>} : memref<640xf32, #tpu.memory_space<vmem>>, vector<16xf32>,
    %swap3A_115 = arith.constant 368 : index
    %swap3A_116 = tpu.vector_load %arg6[%swap3A_115] {strides = array<i32>} : memref<640xf32, #tpu.memory_space<vmem>>, vector<16xf32>,
    %swap3A_117 = vector.shape_cast %swap3A_116 : vector<16xf32> to vector<16xf32>
    %swap3A_118 = vector.shape_cast %broadcast_in_dim3A_3 : vector<16xf32> to vector<16xf32>
    tpu.vector_store %arg6[%swap3A_115], %swap3A_118 {strides = array<i32>} : memref<640xf32, #tpu.memory_space<vmem>>, vector<16xf32>,
    %swap3A_119 = arith.constant 384 : index
    %swap3A_120 = tpu.vector_load %arg6[%swap3A_119] {strides = array<i32>} : memref<640xf32, #tpu.memory_space<vmem>>, vector<16xf32>,
    %swap3A_121 = vector.shape_cast %swap3A_120 : vector<16xf32> to vector<16xf32>
    %swap3A_122 = vector.shape_cast %broadcast_in_dim3A_3 : vector<16xf32> to vector<16xf32>
    tpu.vector_store %arg6[%swap3A_119], %swap3A_122 {strides = array<i32>} : memref<640xf32, #tpu.memory_space<vmem>>, vector<16xf32>,
    %swap3A_123 = arith.constant 400 : index
    %swap3A_124 = tpu.vector_load %arg6[%swap3A_123] {strides = array<i32>} : memref<640xf32, #tpu.memory_space<vmem>>, vector<16xf32>,
    %swap3A_125 = vector.shape_cast %swap3A_124 : vector<16xf32> to vector<16xf32>
    %swap3A_126 = vector.shape_cast %broadcast_in_dim3A_3 : vector<16xf32> to vector<16xf32>
    tpu.vector_store %arg6[%swap3A_123], %swap3A_126 {strides = array<i32>} : memref<640xf32, #tpu.memory_space<vmem>>, vector<16xf32>,
    %swap3A_127 = arith.constant 416 : index
    %swap3A_128 = tpu.vector_load %arg6[%swap3A_127] {strides = array<i32>} : memref<640xf32, #tpu.memory_space<vmem>>, vector<16xf32>,
    %swap3A_129 = vector.shape_cast %swap3A_128 : vector<16xf32> to vector<16xf32>
    %swap3A_130 = vector.shape_cast %broadcast_in_dim3A_3 : vector<16xf32> to vector<16xf32>
    tpu.vector_store %arg6[%swap3A_127], %swap3A_130 {strides = array<i32>} : memref<640xf32, #tpu.memory_space<vmem>>, vector<16xf32>,
    %swap3A_131 = arith.constant 432 : index
    %swap3A_132 = tpu.vector_load %arg6[%swap3A_131] {strides = array<i32>} : memref<640xf32, #tpu.memory_space<vmem>>, vector<16xf32>,
    %swap3A_133 = vector.shape_cast %swap3A_132 : vector<16xf32> to vector<16xf32>
    %swap3A_134 = vector.shape_cast %broadcast_in_dim3A_3 : vector<16xf32> to vector<16xf32>
    tpu.vector_store %arg6[%swap3A_131], %swap3A_134 {strides = array<i32>} : memref<640xf32, #tpu.memory_space<vmem>>, vector<16xf32>,
    %swap3A_135 = arith.constant 448 : index
    %swap3A_136 = tpu.vector_load %arg6[%swap3A_135] {strides = array<i32>} : memref<640xf32, #tpu.memory_space<vmem>>, vector<16xf32>,
    %swap3A_137 = vector.shape_cast %swap3A_136 : vector<16xf32> to vector<16xf32>
    %swap3A_138 = vector.shape_cast %broadcast_in_dim3A_3 : vector<16xf32> to vector<16xf32>
    tpu.vector_store %arg6[%swap3A_135], %swap3A_138 {strides = array<i32>} : memref<640xf32, #tpu.memory_space<vmem>>, vector<16xf32>,
    %swap3A_139 = arith.constant 464 : index
    %swap3A_140 = tpu.vector_load %arg6[%swap3A_139] {strides = array<i32>} : memref<640xf32, #tpu.memory_space<vmem>>, vector<16xf32>,
    %swap3A_141 = vector.shape_cast %swap3A_140 : vector<16xf32> to vector<16xf32>
    %swap3A_142 = vector.shape_cast %broadcast_in_dim3A_3 : vector<16xf32> to vector<16xf32>
    tpu.vector_store %arg6[%swap3A_139], %swap3A_142 {strides = array<i32>} : memref<640xf32, #tpu.memory_space<vmem>>, vector<16xf32>,
    %swap3A_143 = arith.constant 480 : index
    %swap3A_144 = tpu.vector_load %arg6[%swap3A_143] {strides = array<i32>} : memref<640xf32, #tpu.memory_space<vmem>>, vector<16xf32>,
    %swap3A_145 = vector.shape_cast %swap3A_144 : vector<16xf32> to vector<16xf32>
    %swap3A_146 = vector.shape_cast %broadcast_in_dim3A_3 : vector<16xf32> to vector<16xf32>
    tpu.vector_store %arg6[%swap3A_143], %swap3A_146 {strides = array<i32>} : memref<640xf32, #tpu.memory_space<vmem>>, vector<16xf32>,
    %swap3A_147 = arith.constant 496 : index
    %swap3A_148 = tpu.vector_load %arg6[%swap3A_147] {strides = array<i32>} : memref<640xf32, #tpu.memory_space<vmem>>, vector<16xf32>,
    %swap3A_149 = vector.shape_cast %swap3A_148 : vector<16xf32> to vector<16xf32>
    %swap3A_150 = vector.shape_cast %broadcast_in_dim3A_3 : vector<16xf32> to vector<16xf32>
    tpu.vector_store %arg6[%swap3A_147], %swap3A_150 {strides = array<i32>} : memref<640xf32, #tpu.memory_space<vmem>>, vector<16xf32>,
    %swap3A_151 = arith.constant 512 : index
    %swap3A_152 = tpu.vector_load %arg6[%swap3A_151] {strides = array<i32>} : memref<640xf32, #tpu.memory_space<vmem>>, vector<16xf32>,
    %swap3A_153 = vector.shape_cast %swap3A_152 : vector<16xf32> to vector<16xf32>
    %swap3A_154 = vector.shape_cast %broadcast_in_dim3A_3 : vector<16xf32> to vector<16xf32>
    tpu.vector_store %arg6[%swap3A_151], %swap3A_154 {strides = array<i32>} : memref<640xf32, #tpu.memory_space<vmem>>, vector<16xf32>,
    %swap3A_155 = arith.constant 528 : index
    %swap3A_156 = tpu.vector_load %arg6[%swap3A_155] {strides = array<i32>} : memref<640xf32, #tpu.memory_space<vmem>>, vector<16xf32>,
    %swap3A_157 = vector.shape_cast %swap3A_156 : vector<16xf32> to vector<16xf32>
    %swap3A_158 = vector.shape_cast %broadcast_in_dim3A_3 : vector<16xf32> to vector<16xf32>
    tpu.vector_store %arg6[%swap3A_155], %swap3A_158 {strides = array<i32>} : memref<640xf32, #tpu.memory_space<vmem>>, vector<16xf32>,
    %swap3A_159 = arith.constant 544 : index
    %swap3A_160 = tpu.vector_load %arg6[%swap3A_159] {strides = array<i32>} : memref<640xf32, #tpu.memory_space<vmem>>, vector<16xf32>,
    %swap3A_161 = vector.shape_cast %swap3A_160 : vector<16xf32> to vector<16xf32>
    %swap3A_162 = vector.shape_cast %broadcast_in_dim3A_3 : vector<16xf32> to vector<16xf32>
    tpu.vector_store %arg6[%swap3A_159], %swap3A_162 {strides = array<i32>} : memref<640xf32, #tpu.memory_space<vmem>>, vector<16xf32>,
    %swap3A_163 = arith.constant 560 : index
    %swap3A_164 = tpu.vector_load %arg6[%swap3A_163] {strides = array<i32>} : memref<640xf32, #tpu.memory_space<vmem>>, vector<16xf32>,
    %swap3A_165 = vector.shape_cast %swap3A_164 : vector<16xf32> to vector<16xf32>
    %swap3A_166 = vector.shape_cast %broadcast_in_dim3A_3 : vector<16xf32> to vector<16xf32>
    tpu.vector_store %arg6[%swap3A_163], %swap3A_166 {strides = array<i32>} : memref<640xf32, #tpu.memory_space<vmem>>, vector<16xf32>,
    %swap3A_167 = arith.constant 576 : index
    %swap3A_168 = tpu.vector_load %arg6[%swap3A_167] {strides = array<i32>} : memref<640xf32, #tpu.memory_space<vmem>>, vector<16xf32>,
    %swap3A_169 = vector.shape_cast %swap3A_168 : vector<16xf32> to vector<16xf32>
    %swap3A_170 = vector.shape_cast %broadcast_in_dim3A_3 : vector<16xf32> to vector<16xf32>
    tpu.vector_store %arg6[%swap3A_167], %swap3A_170 {strides = array<i32>} : memref<640xf32, #tpu.memory_space<vmem>>, vector<16xf32>,
    %swap3A_171 = arith.constant 592 : index
    %swap3A_172 = tpu.vector_load %arg6[%swap3A_171] {strides = array<i32>} : memref<640xf32, #tpu.memory_space<vmem>>, vector<16xf32>,
    %swap3A_173 = vector.shape_cast %swap3A_172 : vector<16xf32> to vector<16xf32>
    %swap3A_174 = vector.shape_cast %broadcast_in_dim3A_3 : vector<16xf32> to vector<16xf32>
    tpu.vector_store %arg6[%swap3A_171], %swap3A_174 {strides = array<i32>} : memref<640xf32, #tpu.memory_space<vmem>>, vector<16xf32>,
    %swap3A_175 = arith.constant 608 : index
    %swap3A_176 = tpu.vector_load %arg6[%swap3A_175] {strides = array<i32>} : memref<640xf32, #tpu.memory_space<vmem>>, vector<16xf32>,
    %swap3A_177 = vector.shape_cast %swap3A_176 : vector<16xf32> to vector<16xf32>
    %swap3A_178 = vector.shape_cast %broadcast_in_dim3A_3 : vector<16xf32> to vector<16xf32>
    tpu.vector_store %arg6[%swap3A_175], %swap3A_178 {strides = array<i32>} : memref<640xf32, #tpu.memory_space<vmem>>, vector<16xf32>,
    %swap3A_179 = arith.constant 624 : index
    %swap3A_180 = tpu.vector_load %arg6[%swap3A_179] {strides = array<i32>} : memref<640xf32, #tpu.memory_space<vmem>>, vector<16xf32>,
    %swap3A_181 = vector.shape_cast %swap3A_180 : vector<16xf32> to vector<16xf32>
    %swap3A_182 = vector.shape_cast %broadcast_in_dim3A_3 : vector<16xf32> to vector<16xf32>
    tpu.vector_store %arg6[%swap3A_179], %swap3A_182 {strides = array<i32>} : memref<640xf32, #tpu.memory_space<vmem>>, vector<16xf32>,
    %mul3A_183 = arith.constant 640 : i32
    %mul3A_184 = arith.muli %arg1, %mul3A_183 : i32
    "tpu.region"() ({
      %run_scoped3A = tpu.sem_alloc : memref<!tpu.dma_semaphore, #tpu.memory_space<semaphore_mem>>
      %dma_start3A = tpu.memref_slice %arg7[%mul3A_184] : memref<10240xf32, #tpu.memory_space<vmem_shared>> -> memref<640xf32, #tpu.memory_space<vmem_shared>>
      %dma_start3A_199 = tpu.memref_slice %arg7[%mul3A_184] : memref<10240xf32, #tpu.memory_space<vmem_shared>> -> memref<640xf32, #tpu.memory_space<vmem_shared>>
      tpu.enqueue_dma source(%arg6 : memref<640xf32, #tpu.memory_space<vmem>>) target(%dma_start3A_199 : memref<640xf32, #tpu.memory_space<vmem_shared>>) target_semaphore(%run_scoped3A : memref<!tpu.dma_semaphore, #tpu.memory_space<semaphore_mem>>)
      %dma_wait3A = tpu.memref_slice %arg7[%mul3A_184] : memref<10240xf32, #tpu.memory_space<vmem_shared>> -> memref<640xf32, #tpu.memory_space<vmem_shared>>
      %dma_wait3A_200 = tpu.memref_slice %arg7[%mul3A_184] : memref<10240xf32, #tpu.memory_space<vmem_shared>> -> memref<640xf32, #tpu.memory_space<vmem_shared>>
      tpu.wait_dma2 semaphore(%run_scoped3A : memref<!tpu.dma_semaphore, #tpu.memory_space<semaphore_mem>>) src(%arg6 : memref<640xf32, #tpu.memory_space<vmem>>) dst(%dma_wait3A_200 : memref<640xf32, #tpu.memory_space<vmem_shared>>)
      tpu.yield
    }) : () -> ()
    "tpu.region"() ({
      %run_scoped3A = tpu.sem_alloc : memref<!tpu.dma_semaphore, #tpu.memory_space<semaphore_mem>>
      %dma_start3A = arith.constant 0 : i32
      %dma_start3A_199 = arith.constant 0 : i32
      %dma_start3A_200 = tpu.memref_slice %arg2[%add3A, %dma_start3A, %dma_start3A_199] : memref<32x125x80xi32, #tpu.memory_space<hbm>> -> memref<1x125x80xi32, #tpu.memory_space<hbm>>
      %dma_start3A_201 = tpu.memref_squeeze %dma_start3A_200 : memref<1x125x80xi32, #tpu.memory_space<hbm>> -> memref<125x80xi32, #tpu.memory_space<hbm>>
      %dma_start3A_202 = arith.constant 0 : i32
      %dma_start3A_203 = arith.constant 0 : i32
      %dma_start3A_204 = tpu.memref_slice %arg2[%add3A, %dma_start3A_202, %dma_start3A_203] : memref<32x125x80xi32, #tpu.memory_space<hbm>> -> memref<1x125x80xi32, #tpu.memory_space<hbm>>
      %dma_start3A_205 = tpu.memref_squeeze %dma_start3A_204 : memref<1x125x80xi32, #tpu.memory_space<hbm>> -> memref<125x80xi32, #tpu.memory_space<hbm>>
      tpu.enqueue_dma source(%dma_start3A_205 : memref<125x80xi32, #tpu.memory_space<hbm>>) target(%arg4 : memref<125x80xi32, #tpu.memory_space<vmem>>) target_semaphore(%run_scoped3A : memref<!tpu.dma_semaphore, #tpu.memory_space<semaphore_mem>>)
      %dma_wait3A = arith.constant 0 : i32
      %dma_wait3A_206 = arith.constant 0 : i32
      %dma_wait3A_207 = tpu.memref_slice %arg2[%add3A, %dma_wait3A, %dma_wait3A_206] : memref<32x125x80xi32, #tpu.memory_space<hbm>> -> memref<1x125x80xi32, #tpu.memory_space<hbm>>
      %dma_wait3A_208 = tpu.memref_squeeze %dma_wait3A_207 : memref<1x125x80xi32, #tpu.memory_space<hbm>> -> memref<125x80xi32, #tpu.memory_space<hbm>>
      %dma_wait3A_209 = arith.constant 0 : i32
      %dma_wait3A_210 = arith.constant 0 : i32
      %dma_wait3A_211 = tpu.memref_slice %arg2[%add3A, %dma_wait3A_209, %dma_wait3A_210] : memref<32x125x80xi32, #tpu.memory_space<hbm>> -> memref<1x125x80xi32, #tpu.memory_space<hbm>>
      %dma_wait3A_212 = tpu.memref_squeeze %dma_wait3A_211 : memref<1x125x80xi32, #tpu.memory_space<hbm>> -> memref<125x80xi32, #tpu.memory_space<hbm>>
      tpu.wait_dma2 semaphore(%run_scoped3A : memref<!tpu.dma_semaphore, #tpu.memory_space<semaphore_mem>>) src(%dma_wait3A_212 : memref<125x80xi32, #tpu.memory_space<hbm>>) dst(%arg4 : memref<125x80xi32, #tpu.memory_space<vmem>>)
      tpu.yield
    }) : () -> ()
    %barrier3A = arith.constant 0 : index
    tpu.barrier barrier_id(%barrier3A)
    %scan3A = arith.constant 0 : i32
    %scan3A_185 = arith.constant 0 : i32
    %scan3A_186 = arith.constant 125 : i32
    %scan3A_187 = arith.addi %scan3A_185, %scan3A_186 : i32
    %scan3A_188 = arith.constant 1 : i32
    scf.for %scan3A_199 = %scan3A_185 to %scan3A_187 step %scan3A_188  : i32 {
      %dma_start3A = arith.constant 0 : i32
      %dma_start3A_200 = tpu.memref_slice %arg4[%scan3A_199, %dma_start3A] : memref<125x80xi32, #tpu.memory_space<vmem>> -> memref<1x80xi32, #tpu.memory_space<vmem>>
      %dma_start3A_201 = tpu.memref_squeeze %dma_start3A_200 : memref<1x80xi32, #tpu.memory_space<vmem>> -> memref<80xi32, #tpu.memory_space<vmem>>
      %dma_start3A_202 = arith.constant 0 : i32
      %dma_start3A_203 = tpu.memref_slice %arg7[%dma_start3A_202] : memref<10240xf32, #tpu.memory_space<vmem_shared>> -> memref<10240xf32, #tpu.memory_space<vmem_shared>>
      tpu.enqueue_indirect_dma source(%arg5 : memref<80xf32, #tpu.memory_space<vmem>>) target(%dma_start3A_203 : memref<10240xf32, #tpu.memory_space<vmem_shared>>) offsets(%dma_start3A_201 : memref<80xi32, #tpu.memory_space<vmem>>) semaphore(%arg8 : memref<!tpu.dma_semaphore, #tpu.memory_space<semaphore_mem>>) {add = true}
    }
    %scan3A_189 = arith.constant 125 : i32
    %scan3A_190 = arith.constant 0 : i32
    %scan3A_191 = arith.constant 0 : i32
    %scan3A_192 = arith.constant 125 : i32
    %scan3A_193 = arith.addi %scan3A_191, %scan3A_192 : i32
    %scan3A_194 = arith.constant 1 : i32
    scf.for %scan3A_199 = %scan3A_191 to %scan3A_193 step %scan3A_194  : i32 {
      %dma_wait3A = arith.constant 0 : i32
      %dma_wait3A_200 = tpu.memref_slice %arg4[%scan3A_199, %dma_wait3A] : memref<125x80xi32, #tpu.memory_space<vmem>> -> memref<1x80xi32, #tpu.memory_space<vmem>>
      %dma_wait3A_201 = tpu.memref_squeeze %dma_wait3A_200 : memref<1x80xi32, #tpu.memory_space<vmem>> -> memref<80xi32, #tpu.memory_space<vmem>>
      %dma_wait3A_202 = arith.constant 0 : i32
      %dma_wait3A_203 = tpu.memref_slice %arg7[%dma_wait3A_202] : memref<10240xf32, #tpu.memory_space<vmem_shared>> -> memref<10240xf32, #tpu.memory_space<vmem_shared>>
      tpu.wait_indirect_dma semaphore(%arg8 : memref<!tpu.dma_semaphore, #tpu.memory_space<semaphore_mem>>) src(%arg5 : memref<80xf32, #tpu.memory_space<vmem>>) dst(%dma_wait3A_203 : memref<10240xf32, #tpu.memory_space<vmem_shared>>)
    }
    %scan3A_195 = arith.constant 125 : i32
    %barrier3A_196 = arith.constant 0 : index
    tpu.barrier barrier_id(%barrier3A_196)
    %mul3A_197 = arith.constant 640 : i32
    %mul3A_198 = arith.muli %arg1, %mul3A_197 : i32
    "tpu.region"() ({
      %run_scoped3A = tpu.sem_alloc : memref<!tpu.dma_semaphore, #tpu.memory_space<semaphore_mem>>
      %dma_start3A = tpu.memref_slice %arg3[%arg0, %mul3A_198] : memref<2x10240xf32, #tpu.memory_space<hbm>> -> memref<1x640xf32, #tpu.memory_space<hbm>>
      %dma_start3A_199 = tpu.memref_squeeze %dma_start3A : memref<1x640xf32, #tpu.memory_space<hbm>> -> memref<640xf32, #tpu.memory_space<hbm>>
      %dma_start3A_200 = tpu.memref_slice %arg7[%mul3A_198] : memref<10240xf32, #tpu.memory_space<vmem_shared>> -> memref<640xf32, #tpu.memory_space<vmem_shared>>
      tpu.enqueue_dma source(%dma_start3A_200 : memref<640xf32, #tpu.memory_space<vmem_shared>>) target(%dma_start3A_199 : memref<640xf32, #tpu.memory_space<hbm>>) target_semaphore(%run_scoped3A : memref<!tpu.dma_semaphore, #tpu.memory_space<semaphore_mem>>)
      %dma_wait3A = tpu.memref_slice %arg3[%arg0, %mul3A_198] : memref<2x10240xf32, #tpu.memory_space<hbm>> -> memref<1x640xf32, #tpu.memory_space<hbm>>
      %dma_wait3A_201 = tpu.memref_squeeze %dma_wait3A : memref<1x640xf32, #tpu.memory_space<hbm>> -> memref<640xf32, #tpu.memory_space<hbm>>
      %dma_wait3A_202 = tpu.memref_slice %arg7[%mul3A_198] : memref<10240xf32, #tpu.memory_space<vmem_shared>> -> memref<640xf32, #tpu.memory_space<vmem_shared>>
      tpu.wait_dma2 semaphore(%run_scoped3A : memref<!tpu.dma_semaphore, #tpu.memory_space<semaphore_mem>>) src(%dma_wait3A_202 : memref<640xf32, #tpu.memory_space<vmem_shared>>) dst(%dma_wait3A_201 : memref<640xf32, #tpu.memory_space<hbm>>)
      tpu.yield
    }) : () -> ()
    return
  }
}

#map = affine_map<(d0, d1) -> (0, 0)>
#map1 = affine_map<(d0, d1) -> (0)>
#map2 = affine_map<(d0, d1) -> (0, 0, 0)>
module attributes {stable_mosaic.version = 14 : i64} {
  func.func @scat_kernel(%arg0: i32, %arg1: i32, %arg2: memref<10240x128xf32, #tpu.memory_space<hbm>>, %arg3: memref<320000xi32, #tpu.memory_space<hbm>>, %arg4: memref<32x125x80xi32, #tpu.memory_space<hbm>>, %arg5: memref<128x128xf32, #tpu.memory_space<hbm>>, %arg6: memref<2x10240x128xf32, #tpu.memory_space<hbm>>, %arg7: memref<10000xi32, #tpu.memory_space<vmem>>, %arg8: memref<125x80xi32, #tpu.memory_space<vmem>>, %arg9: memref<80x128xf32, #tpu.memory_space<vmem>>, %arg10: memref<80x128xf32, #tpu.memory_space<vmem>>, %arg11: memref<10240x128xf32, #tpu.memory_space<vmem_shared>>, %arg12: memref<!tpu.dma_semaphore, #tpu.memory_space<semaphore_mem>>, %arg13: memref<!tpu.dma_semaphore, #tpu.memory_space<semaphore_mem>>, %arg14: memref<!tpu.dma_semaphore, #tpu.memory_space<semaphore_mem>>, %arg15: memref<!tpu.dma_semaphore, #tpu.memory_space<semaphore_mem>>) attributes {dimension_semantics = [#tpu.dimension_semantics<core_parallel>, #tpu.dimension_semantics<subcore_parallel>], iteration_bounds = array<i64: 2, 16>, scalar_prefetch = 0 : i64, scratch_operands = 9 : i64, tpu.core_type = #tpu.core_type<sc_vector_subcore>, window_params = [{transform_indices = #map}, {transform_indices = #map1}, {transform_indices = #map2}, {transform_indices = #map}, {transform_indices = #map2}]} {
    %mul3A = arith.constant 16 : i32
    %mul3A_0 = arith.muli %arg0, %mul3A : i32
    %add3A = arith.addi %mul3A_0, %arg1 : i32
    %mul3A_1 = arith.constant 640 : i32
    %mul3A_2 = arith.muli %arg1, %mul3A_1 : i32
    %add3A_3 = arith.constant 0 : i32
    %add3A_4 = arith.addi %mul3A_2, %add3A_3 : i32
    %eq3A = arith.constant 0 : i32
    %eq3A_5 = arith.cmpi eq, %arg0, %eq3A : i32
    %convert_element_type3A = arith.extui %eq3A_5 : i1 to i32
    %cond3A = arith.constant 0 : i32
    %cond3A_6 = arith.cmpi ne, %convert_element_type3A, %cond3A : i32
    scf.if %cond3A_6 {
      "tpu.region"() ({
        %run_scoped3A = tpu.sem_alloc : memref<!tpu.dma_semaphore, #tpu.memory_space<semaphore_mem>>
        %dma_start3A_147 = arith.constant 0 : i32
        %dma_start3A_148 = tpu.memref_slice %arg11[%add3A_4, %dma_start3A_147] : memref<10240x128xf32, #tpu.memory_space<vmem_shared>> -> memref<128x128xf32, #tpu.memory_space<vmem_shared>>
        %dma_start3A_149 = arith.constant 0 : i32
        %dma_start3A_150 = tpu.memref_slice %arg2[%add3A_4, %dma_start3A_149] : memref<10240x128xf32, #tpu.memory_space<hbm>> -> memref<128x128xf32, #tpu.memory_space<hbm>>
        tpu.enqueue_dma source(%dma_start3A_150 : memref<128x128xf32, #tpu.memory_space<hbm>>) target(%dma_start3A_148 : memref<128x128xf32, #tpu.memory_space<vmem_shared>>) target_semaphore(%run_scoped3A : memref<!tpu.dma_semaphore, #tpu.memory_space<semaphore_mem>>)
        %dma_wait3A_151 = arith.constant 0 : i32
        %dma_wait3A_152 = tpu.memref_slice %arg11[%add3A_4, %dma_wait3A_151] : memref<10240x128xf32, #tpu.memory_space<vmem_shared>> -> memref<128x128xf32, #tpu.memory_space<vmem_shared>>
        %dma_wait3A_153 = arith.constant 0 : i32
        %dma_wait3A_154 = tpu.memref_slice %arg2[%add3A_4, %dma_wait3A_153] : memref<10240x128xf32, #tpu.memory_space<hbm>> -> memref<128x128xf32, #tpu.memory_space<hbm>>
        tpu.wait_dma2 semaphore(%run_scoped3A : memref<!tpu.dma_semaphore, #tpu.memory_space<semaphore_mem>>) src(%dma_wait3A_154 : memref<128x128xf32, #tpu.memory_space<hbm>>) dst(%dma_wait3A_152 : memref<128x128xf32, #tpu.memory_space<vmem_shared>>)
        tpu.yield
      }) : () -> ()
    } else {
    }
    %ne3A = arith.constant 0 : i32
    %ne3A_7 = arith.cmpi ne, %arg0, %ne3A : i32
    %convert_element_type3A_8 = arith.extui %ne3A_7 : i1 to i32
    %cond3A_9 = arith.constant 0 : i32
    %cond3A_10 = arith.cmpi ne, %convert_element_type3A_8, %cond3A_9 : i32
    scf.if %cond3A_10 {
      "tpu.region"() ({
        %run_scoped3A = tpu.sem_alloc : memref<!tpu.dma_semaphore, #tpu.memory_space<semaphore_mem>>
        %dma_start3A_147 = arith.constant 0 : i32
        %dma_start3A_148 = tpu.memref_slice %arg11[%add3A_4, %dma_start3A_147] : memref<10240x128xf32, #tpu.memory_space<vmem_shared>> -> memref<128x128xf32, #tpu.memory_space<vmem_shared>>
        tpu.enqueue_dma source(%arg5 : memref<128x128xf32, #tpu.memory_space<hbm>>) target(%dma_start3A_148 : memref<128x128xf32, #tpu.memory_space<vmem_shared>>) target_semaphore(%run_scoped3A : memref<!tpu.dma_semaphore, #tpu.memory_space<semaphore_mem>>)
        %dma_wait3A_149 = arith.constant 0 : i32
        %dma_wait3A_150 = tpu.memref_slice %arg11[%add3A_4, %dma_wait3A_149] : memref<10240x128xf32, #tpu.memory_space<vmem_shared>> -> memref<128x128xf32, #tpu.memory_space<vmem_shared>>
        tpu.wait_dma2 semaphore(%run_scoped3A : memref<!tpu.dma_semaphore, #tpu.memory_space<semaphore_mem>>) src(%arg5 : memref<128x128xf32, #tpu.memory_space<hbm>>) dst(%dma_wait3A_150 : memref<128x128xf32, #tpu.memory_space<vmem_shared>>)
        tpu.yield
      }) : () -> ()
    } else {
    }
    %add3A_11 = arith.constant 128 : i32
    %add3A_12 = arith.addi %mul3A_2, %add3A_11 : i32
    %eq3A_13 = arith.constant 0 : i32
    %eq3A_14 = arith.cmpi eq, %arg0, %eq3A_13 : i32
    %convert_element_type3A_15 = arith.extui %eq3A_14 : i1 to i32
    %cond3A_16 = arith.constant 0 : i32
    %cond3A_17 = arith.cmpi ne, %convert_element_type3A_15, %cond3A_16 : i32
    scf.if %cond3A_17 {
      "tpu.region"() ({
        %run_scoped3A = tpu.sem_alloc : memref<!tpu.dma_semaphore, #tpu.memory_space<semaphore_mem>>
        %dma_start3A_147 = arith.constant 0 : i32
        %dma_start3A_148 = tpu.memref_slice %arg11[%add3A_12, %dma_start3A_147] : memref<10240x128xf32, #tpu.memory_space<vmem_shared>> -> memref<128x128xf32, #tpu.memory_space<vmem_shared>>
        %dma_start3A_149 = arith.constant 0 : i32
        %dma_start3A_150 = tpu.memref_slice %arg2[%add3A_12, %dma_start3A_149] : memref<10240x128xf32, #tpu.memory_space<hbm>> -> memref<128x128xf32, #tpu.memory_space<hbm>>
        tpu.enqueue_dma source(%dma_start3A_150 : memref<128x128xf32, #tpu.memory_space<hbm>>) target(%dma_start3A_148 : memref<128x128xf32, #tpu.memory_space<vmem_shared>>) target_semaphore(%run_scoped3A : memref<!tpu.dma_semaphore, #tpu.memory_space<semaphore_mem>>)
        %dma_wait3A_151 = arith.constant 0 : i32
        %dma_wait3A_152 = tpu.memref_slice %arg11[%add3A_12, %dma_wait3A_151] : memref<10240x128xf32, #tpu.memory_space<vmem_shared>> -> memref<128x128xf32, #tpu.memory_space<vmem_shared>>
        %dma_wait3A_153 = arith.constant 0 : i32
        %dma_wait3A_154 = tpu.memref_slice %arg2[%add3A_12, %dma_wait3A_153] : memref<10240x128xf32, #tpu.memory_space<hbm>> -> memref<128x128xf32, #tpu.memory_space<hbm>>
        tpu.wait_dma2 semaphore(%run_scoped3A : memref<!tpu.dma_semaphore, #tpu.memory_space<semaphore_mem>>) src(%dma_wait3A_154 : memref<128x128xf32, #tpu.memory_space<hbm>>) dst(%dma_wait3A_152 : memref<128x128xf32, #tpu.memory_space<vmem_shared>>)
        tpu.yield
      }) : () -> ()
    } else {
    }
    %ne3A_18 = arith.constant 0 : i32
    %ne3A_19 = arith.cmpi ne, %arg0, %ne3A_18 : i32
    %convert_element_type3A_20 = arith.extui %ne3A_19 : i1 to i32
    %cond3A_21 = arith.constant 0 : i32
    %cond3A_22 = arith.cmpi ne, %convert_element_type3A_20, %cond3A_21 : i32
    scf.if %cond3A_22 {
      "tpu.region"() ({
        %run_scoped3A = tpu.sem_alloc : memref<!tpu.dma_semaphore, #tpu.memory_space<semaphore_mem>>
        %dma_start3A_147 = arith.constant 0 : i32
        %dma_start3A_148 = tpu.memref_slice %arg11[%add3A_12, %dma_start3A_147] : memref<10240x128xf32, #tpu.memory_space<vmem_shared>> -> memref<128x128xf32, #tpu.memory_space<vmem_shared>>
        tpu.enqueue_dma source(%arg5 : memref<128x128xf32, #tpu.memory_space<hbm>>) target(%dma_start3A_148 : memref<128x128xf32, #tpu.memory_space<vmem_shared>>) target_semaphore(%run_scoped3A : memref<!tpu.dma_semaphore, #tpu.memory_space<semaphore_mem>>)
        %dma_wait3A_149 = arith.constant 0 : i32
        %dma_wait3A_150 = tpu.memref_slice %arg11[%add3A_12, %dma_wait3A_149] : memref<10240x128xf32, #tpu.memory_space<vmem_shared>> -> memref<128x128xf32, #tpu.memory_space<vmem_shared>>
        tpu.wait_dma2 semaphore(%run_scoped3A : memref<!tpu.dma_semaphore, #tpu.memory_space<semaphore_mem>>) src(%arg5 : memref<128x128xf32, #tpu.memory_space<hbm>>) dst(%dma_wait3A_150 : memref<128x128xf32, #tpu.memory_space<vmem_shared>>)
        tpu.yield
      }) : () -> ()
    } else {
    }
    %add3A_23 = arith.constant 256 : i32
    %add3A_24 = arith.addi %mul3A_2, %add3A_23 : i32
    %eq3A_25 = arith.constant 0 : i32
    %eq3A_26 = arith.cmpi eq, %arg0, %eq3A_25 : i32
    %convert_element_type3A_27 = arith.extui %eq3A_26 : i1 to i32
    %cond3A_28 = arith.constant 0 : i32
    %cond3A_29 = arith.cmpi ne, %convert_element_type3A_27, %cond3A_28 : i32
    scf.if %cond3A_29 {
      "tpu.region"() ({
        %run_scoped3A = tpu.sem_alloc : memref<!tpu.dma_semaphore, #tpu.memory_space<semaphore_mem>>
        %dma_start3A_147 = arith.constant 0 : i32
        %dma_start3A_148 = tpu.memref_slice %arg11[%add3A_24, %dma_start3A_147] : memref<10240x128xf32, #tpu.memory_space<vmem_shared>> -> memref<128x128xf32, #tpu.memory_space<vmem_shared>>
        %dma_start3A_149 = arith.constant 0 : i32
        %dma_start3A_150 = tpu.memref_slice %arg2[%add3A_24, %dma_start3A_149] : memref<10240x128xf32, #tpu.memory_space<hbm>> -> memref<128x128xf32, #tpu.memory_space<hbm>>
        tpu.enqueue_dma source(%dma_start3A_150 : memref<128x128xf32, #tpu.memory_space<hbm>>) target(%dma_start3A_148 : memref<128x128xf32, #tpu.memory_space<vmem_shared>>) target_semaphore(%run_scoped3A : memref<!tpu.dma_semaphore, #tpu.memory_space<semaphore_mem>>)
        %dma_wait3A_151 = arith.constant 0 : i32
        %dma_wait3A_152 = tpu.memref_slice %arg11[%add3A_24, %dma_wait3A_151] : memref<10240x128xf32, #tpu.memory_space<vmem_shared>> -> memref<128x128xf32, #tpu.memory_space<vmem_shared>>
        %dma_wait3A_153 = arith.constant 0 : i32
        %dma_wait3A_154 = tpu.memref_slice %arg2[%add3A_24, %dma_wait3A_153] : memref<10240x128xf32, #tpu.memory_space<hbm>> -> memref<128x128xf32, #tpu.memory_space<hbm>>
        tpu.wait_dma2 semaphore(%run_scoped3A : memref<!tpu.dma_semaphore, #tpu.memory_space<semaphore_mem>>) src(%dma_wait3A_154 : memref<128x128xf32, #tpu.memory_space<hbm>>) dst(%dma_wait3A_152 : memref<128x128xf32, #tpu.memory_space<vmem_shared>>)
        tpu.yield
      }) : () -> ()
    } else {
    }
    %ne3A_30 = arith.constant 0 : i32
    %ne3A_31 = arith.cmpi ne, %arg0, %ne3A_30 : i32
    %convert_element_type3A_32 = arith.extui %ne3A_31 : i1 to i32
    %cond3A_33 = arith.constant 0 : i32
    %cond3A_34 = arith.cmpi ne, %convert_element_type3A_32, %cond3A_33 : i32
    scf.if %cond3A_34 {
      "tpu.region"() ({
        %run_scoped3A = tpu.sem_alloc : memref<!tpu.dma_semaphore, #tpu.memory_space<semaphore_mem>>
        %dma_start3A_147 = arith.constant 0 : i32
        %dma_start3A_148 = tpu.memref_slice %arg11[%add3A_24, %dma_start3A_147] : memref<10240x128xf32, #tpu.memory_space<vmem_shared>> -> memref<128x128xf32, #tpu.memory_space<vmem_shared>>
        tpu.enqueue_dma source(%arg5 : memref<128x128xf32, #tpu.memory_space<hbm>>) target(%dma_start3A_148 : memref<128x128xf32, #tpu.memory_space<vmem_shared>>) target_semaphore(%run_scoped3A : memref<!tpu.dma_semaphore, #tpu.memory_space<semaphore_mem>>)
        %dma_wait3A_149 = arith.constant 0 : i32
        %dma_wait3A_150 = tpu.memref_slice %arg11[%add3A_24, %dma_wait3A_149] : memref<10240x128xf32, #tpu.memory_space<vmem_shared>> -> memref<128x128xf32, #tpu.memory_space<vmem_shared>>
        tpu.wait_dma2 semaphore(%run_scoped3A : memref<!tpu.dma_semaphore, #tpu.memory_space<semaphore_mem>>) src(%arg5 : memref<128x128xf32, #tpu.memory_space<hbm>>) dst(%dma_wait3A_150 : memref<128x128xf32, #tpu.memory_space<vmem_shared>>)
        tpu.yield
      }) : () -> ()
    } else {
    }
    %add3A_35 = arith.constant 384 : i32
    %add3A_36 = arith.addi %mul3A_2, %add3A_35 : i32
    %eq3A_37 = arith.constant 0 : i32
    %eq3A_38 = arith.cmpi eq, %arg0, %eq3A_37 : i32
    %convert_element_type3A_39 = arith.extui %eq3A_38 : i1 to i32
    %cond3A_40 = arith.constant 0 : i32
    %cond3A_41 = arith.cmpi ne, %convert_element_type3A_39, %cond3A_40 : i32
    scf.if %cond3A_41 {
      "tpu.region"() ({
        %run_scoped3A = tpu.sem_alloc : memref<!tpu.dma_semaphore, #tpu.memory_space<semaphore_mem>>
        %dma_start3A_147 = arith.constant 0 : i32
        %dma_start3A_148 = tpu.memref_slice %arg11[%add3A_36, %dma_start3A_147] : memref<10240x128xf32, #tpu.memory_space<vmem_shared>> -> memref<128x128xf32, #tpu.memory_space<vmem_shared>>
        %dma_start3A_149 = arith.constant 0 : i32
        %dma_start3A_150 = tpu.memref_slice %arg2[%add3A_36, %dma_start3A_149] : memref<10240x128xf32, #tpu.memory_space<hbm>> -> memref<128x128xf32, #tpu.memory_space<hbm>>
        tpu.enqueue_dma source(%dma_start3A_150 : memref<128x128xf32, #tpu.memory_space<hbm>>) target(%dma_start3A_148 : memref<128x128xf32, #tpu.memory_space<vmem_shared>>) target_semaphore(%run_scoped3A : memref<!tpu.dma_semaphore, #tpu.memory_space<semaphore_mem>>)
        %dma_wait3A_151 = arith.constant 0 : i32
        %dma_wait3A_152 = tpu.memref_slice %arg11[%add3A_36, %dma_wait3A_151] : memref<10240x128xf32, #tpu.memory_space<vmem_shared>> -> memref<128x128xf32, #tpu.memory_space<vmem_shared>>
        %dma_wait3A_153 = arith.constant 0 : i32
        %dma_wait3A_154 = tpu.memref_slice %arg2[%add3A_36, %dma_wait3A_153] : memref<10240x128xf32, #tpu.memory_space<hbm>> -> memref<128x128xf32, #tpu.memory_space<hbm>>
        tpu.wait_dma2 semaphore(%run_scoped3A : memref<!tpu.dma_semaphore, #tpu.memory_space<semaphore_mem>>) src(%dma_wait3A_154 : memref<128x128xf32, #tpu.memory_space<hbm>>) dst(%dma_wait3A_152 : memref<128x128xf32, #tpu.memory_space<vmem_shared>>)
        tpu.yield
      }) : () -> ()
    } else {
    }
    %ne3A_42 = arith.constant 0 : i32
    %ne3A_43 = arith.cmpi ne, %arg0, %ne3A_42 : i32
    %convert_element_type3A_44 = arith.extui %ne3A_43 : i1 to i32
    %cond3A_45 = arith.constant 0 : i32
    %cond3A_46 = arith.cmpi ne, %convert_element_type3A_44, %cond3A_45 : i32
    scf.if %cond3A_46 {
      "tpu.region"() ({
        %run_scoped3A = tpu.sem_alloc : memref<!tpu.dma_semaphore, #tpu.memory_space<semaphore_mem>>
        %dma_start3A_147 = arith.constant 0 : i32
        %dma_start3A_148 = tpu.memref_slice %arg11[%add3A_36, %dma_start3A_147] : memref<10240x128xf32, #tpu.memory_space<vmem_shared>> -> memref<128x128xf32, #tpu.memory_space<vmem_shared>>
        tpu.enqueue_dma source(%arg5 : memref<128x128xf32, #tpu.memory_space<hbm>>) target(%dma_start3A_148 : memref<128x128xf32, #tpu.memory_space<vmem_shared>>) target_semaphore(%run_scoped3A : memref<!tpu.dma_semaphore, #tpu.memory_space<semaphore_mem>>)
        %dma_wait3A_149 = arith.constant 0 : i32
        %dma_wait3A_150 = tpu.memref_slice %arg11[%add3A_36, %dma_wait3A_149] : memref<10240x128xf32, #tpu.memory_space<vmem_shared>> -> memref<128x128xf32, #tpu.memory_space<vmem_shared>>
        tpu.wait_dma2 semaphore(%run_scoped3A : memref<!tpu.dma_semaphore, #tpu.memory_space<semaphore_mem>>) src(%arg5 : memref<128x128xf32, #tpu.memory_space<hbm>>) dst(%dma_wait3A_150 : memref<128x128xf32, #tpu.memory_space<vmem_shared>>)
        tpu.yield
      }) : () -> ()
    } else {
    }
    %add3A_47 = arith.constant 512 : i32
    %add3A_48 = arith.addi %mul3A_2, %add3A_47 : i32
    %eq3A_49 = arith.constant 0 : i32
    %eq3A_50 = arith.cmpi eq, %arg0, %eq3A_49 : i32
    %convert_element_type3A_51 = arith.extui %eq3A_50 : i1 to i32
    %cond3A_52 = arith.constant 0 : i32
    %cond3A_53 = arith.cmpi ne, %convert_element_type3A_51, %cond3A_52 : i32
    scf.if %cond3A_53 {
      "tpu.region"() ({
        %run_scoped3A = tpu.sem_alloc : memref<!tpu.dma_semaphore, #tpu.memory_space<semaphore_mem>>
        %dma_start3A_147 = arith.constant 0 : i32
        %dma_start3A_148 = tpu.memref_slice %arg11[%add3A_48, %dma_start3A_147] : memref<10240x128xf32, #tpu.memory_space<vmem_shared>> -> memref<128x128xf32, #tpu.memory_space<vmem_shared>>
        %dma_start3A_149 = arith.constant 0 : i32
        %dma_start3A_150 = tpu.memref_slice %arg2[%add3A_48, %dma_start3A_149] : memref<10240x128xf32, #tpu.memory_space<hbm>> -> memref<128x128xf32, #tpu.memory_space<hbm>>
        tpu.enqueue_dma source(%dma_start3A_150 : memref<128x128xf32, #tpu.memory_space<hbm>>) target(%dma_start3A_148 : memref<128x128xf32, #tpu.memory_space<vmem_shared>>) target_semaphore(%run_scoped3A : memref<!tpu.dma_semaphore, #tpu.memory_space<semaphore_mem>>)
        %dma_wait3A_151 = arith.constant 0 : i32
        %dma_wait3A_152 = tpu.memref_slice %arg11[%add3A_48, %dma_wait3A_151] : memref<10240x128xf32, #tpu.memory_space<vmem_shared>> -> memref<128x128xf32, #tpu.memory_space<vmem_shared>>
        %dma_wait3A_153 = arith.constant 0 : i32
        %dma_wait3A_154 = tpu.memref_slice %arg2[%add3A_48, %dma_wait3A_153] : memref<10240x128xf32, #tpu.memory_space<hbm>> -> memref<128x128xf32, #tpu.memory_space<hbm>>
        tpu.wait_dma2 semaphore(%run_scoped3A : memref<!tpu.dma_semaphore, #tpu.memory_space<semaphore_mem>>) src(%dma_wait3A_154 : memref<128x128xf32, #tpu.memory_space<hbm>>) dst(%dma_wait3A_152 : memref<128x128xf32, #tpu.memory_space<vmem_shared>>)
        tpu.yield
      }) : () -> ()
    } else {
    }
    %ne3A_54 = arith.constant 0 : i32
    %ne3A_55 = arith.cmpi ne, %arg0, %ne3A_54 : i32
    %convert_element_type3A_56 = arith.extui %ne3A_55 : i1 to i32
    %cond3A_57 = arith.constant 0 : i32
    %cond3A_58 = arith.cmpi ne, %convert_element_type3A_56, %cond3A_57 : i32
    scf.if %cond3A_58 {
      "tpu.region"() ({
        %run_scoped3A = tpu.sem_alloc : memref<!tpu.dma_semaphore, #tpu.memory_space<semaphore_mem>>
        %dma_start3A_147 = arith.constant 0 : i32
        %dma_start3A_148 = tpu.memref_slice %arg11[%add3A_48, %dma_start3A_147] : memref<10240x128xf32, #tpu.memory_space<vmem_shared>> -> memref<128x128xf32, #tpu.memory_space<vmem_shared>>
        tpu.enqueue_dma source(%arg5 : memref<128x128xf32, #tpu.memory_space<hbm>>) target(%dma_start3A_148 : memref<128x128xf32, #tpu.memory_space<vmem_shared>>) target_semaphore(%run_scoped3A : memref<!tpu.dma_semaphore, #tpu.memory_space<semaphore_mem>>)
        %dma_wait3A_149 = arith.constant 0 : i32
        %dma_wait3A_150 = tpu.memref_slice %arg11[%add3A_48, %dma_wait3A_149] : memref<10240x128xf32, #tpu.memory_space<vmem_shared>> -> memref<128x128xf32, #tpu.memory_space<vmem_shared>>
        tpu.wait_dma2 semaphore(%run_scoped3A : memref<!tpu.dma_semaphore, #tpu.memory_space<semaphore_mem>>) src(%arg5 : memref<128x128xf32, #tpu.memory_space<hbm>>) dst(%dma_wait3A_150 : memref<128x128xf32, #tpu.memory_space<vmem_shared>>)
        tpu.yield
      }) : () -> ()
    } else {
    }
    %mul3A_59 = arith.constant 10000 : i32
    %mul3A_60 = arith.muli %add3A, %mul3A_59 : i32
    "tpu.region"() ({
      %run_scoped3A = tpu.sem_alloc : memref<!tpu.dma_semaphore, #tpu.memory_space<semaphore_mem>>
      %dma_start3A_147 = tpu.memref_slice %arg3[%mul3A_60] : memref<320000xi32, #tpu.memory_space<hbm>> -> memref<10000xi32, #tpu.memory_space<hbm>>
      %dma_start3A_148 = tpu.memref_slice %arg3[%mul3A_60] : memref<320000xi32, #tpu.memory_space<hbm>> -> memref<10000xi32, #tpu.memory_space<hbm>>
      tpu.enqueue_dma source(%dma_start3A_148 : memref<10000xi32, #tpu.memory_space<hbm>>) target(%arg7 : memref<10000xi32, #tpu.memory_space<vmem>>) target_semaphore(%run_scoped3A : memref<!tpu.dma_semaphore, #tpu.memory_space<semaphore_mem>>)
      %dma_wait3A_149 = tpu.memref_slice %arg3[%mul3A_60] : memref<320000xi32, #tpu.memory_space<hbm>> -> memref<10000xi32, #tpu.memory_space<hbm>>
      %dma_wait3A_150 = tpu.memref_slice %arg3[%mul3A_60] : memref<320000xi32, #tpu.memory_space<hbm>> -> memref<10000xi32, #tpu.memory_space<hbm>>
      tpu.wait_dma2 semaphore(%run_scoped3A : memref<!tpu.dma_semaphore, #tpu.memory_space<semaphore_mem>>) src(%dma_wait3A_150 : memref<10000xi32, #tpu.memory_space<hbm>>) dst(%arg7 : memref<10000xi32, #tpu.memory_space<vmem>>)
      tpu.yield
    }) : () -> ()
    "tpu.region"() ({
      %run_scoped3A = tpu.sem_alloc : memref<!tpu.dma_semaphore, #tpu.memory_space<semaphore_mem>>
      %dma_start3A_147 = arith.constant 0 : i32
      %dma_start3A_148 = arith.constant 0 : i32
      %dma_start3A_149 = tpu.memref_slice %arg4[%add3A, %dma_start3A_147, %dma_start3A_148] : memref<32x125x80xi32, #tpu.memory_space<hbm>> -> memref<1x125x80xi32, #tpu.memory_space<hbm>>
      %dma_start3A_150 = tpu.memref_squeeze %dma_start3A_149 : memref<1x125x80xi32, #tpu.memory_space<hbm>> -> memref<125x80xi32, #tpu.memory_space<hbm>>
      %dma_start3A_151 = arith.constant 0 : i32
      %dma_start3A_152 = arith.constant 0 : i32
      %dma_start3A_153 = tpu.memref_slice %arg4[%add3A, %dma_start3A_151, %dma_start3A_152] : memref<32x125x80xi32, #tpu.memory_space<hbm>> -> memref<1x125x80xi32, #tpu.memory_space<hbm>>
      %dma_start3A_154 = tpu.memref_squeeze %dma_start3A_153 : memref<1x125x80xi32, #tpu.memory_space<hbm>> -> memref<125x80xi32, #tpu.memory_space<hbm>>
      tpu.enqueue_dma source(%dma_start3A_154 : memref<125x80xi32, #tpu.memory_space<hbm>>) target(%arg8 : memref<125x80xi32, #tpu.memory_space<vmem>>) target_semaphore(%run_scoped3A : memref<!tpu.dma_semaphore, #tpu.memory_space<semaphore_mem>>)
      %dma_wait3A_155 = arith.constant 0 : i32
      %dma_wait3A_156 = arith.constant 0 : i32
      %dma_wait3A_157 = tpu.memref_slice %arg4[%add3A, %dma_wait3A_155, %dma_wait3A_156] : memref<32x125x80xi32, #tpu.memory_space<hbm>> -> memref<1x125x80xi32, #tpu.memory_space<hbm>>
      %dma_wait3A_158 = tpu.memref_squeeze %dma_wait3A_157 : memref<1x125x80xi32, #tpu.memory_space<hbm>> -> memref<125x80xi32, #tpu.memory_space<hbm>>
      %dma_wait3A_159 = arith.constant 0 : i32
      %dma_wait3A_160 = arith.constant 0 : i32
      %dma_wait3A_161 = tpu.memref_slice %arg4[%add3A, %dma_wait3A_159, %dma_wait3A_160] : memref<32x125x80xi32, #tpu.memory_space<hbm>> -> memref<1x125x80xi32, #tpu.memory_space<hbm>>
      %dma_wait3A_162 = tpu.memref_squeeze %dma_wait3A_161 : memref<1x125x80xi32, #tpu.memory_space<hbm>> -> memref<125x80xi32, #tpu.memory_space<hbm>>
      tpu.wait_dma2 semaphore(%run_scoped3A : memref<!tpu.dma_semaphore, #tpu.memory_space<semaphore_mem>>) src(%dma_wait3A_162 : memref<125x80xi32, #tpu.memory_space<hbm>>) dst(%arg8 : memref<125x80xi32, #tpu.memory_space<vmem>>)
      tpu.yield
    }) : () -> ()
    %barrier3A = arith.constant 0 : index
    tpu.barrier barrier_id(%barrier3A)
    %dma_start3A = arith.constant 0 : i32
    %dma_start3A_61 = tpu.memref_slice %arg7[%dma_start3A] : memref<10000xi32, #tpu.memory_space<vmem>> -> memref<80xi32, #tpu.memory_space<vmem>>
    %dma_start3A_62 = arith.constant 0 : i32
    %dma_start3A_63 = arith.constant 0 : i32
    %dma_start3A_64 = tpu.memref_slice %arg2[%dma_start3A_62, %dma_start3A_63] : memref<10240x128xf32, #tpu.memory_space<hbm>> -> memref<10240x128xf32, #tpu.memory_space<hbm>>
    tpu.enqueue_indirect_dma source(%dma_start3A_64 : memref<10240x128xf32, #tpu.memory_space<hbm>>) target(%arg9 : memref<80x128xf32, #tpu.memory_space<vmem>>) offsets(%dma_start3A_61 : memref<80xi32, #tpu.memory_space<vmem>>) semaphore(%arg12 : memref<!tpu.dma_semaphore, #tpu.memory_space<semaphore_mem>>)
    %dma_wait3A = arith.constant 0 : i32
    %dma_wait3A_65 = tpu.memref_slice %arg7[%dma_wait3A] : memref<10000xi32, #tpu.memory_space<vmem>> -> memref<80xi32, #tpu.memory_space<vmem>>
    %dma_wait3A_66 = arith.constant 0 : i32
    %dma_wait3A_67 = arith.constant 0 : i32
    %dma_wait3A_68 = tpu.memref_slice %arg2[%dma_wait3A_66, %dma_wait3A_67] : memref<10240x128xf32, #tpu.memory_space<hbm>> -> memref<10240x128xf32, #tpu.memory_space<hbm>>
    tpu.wait_indirect_dma semaphore(%arg12 : memref<!tpu.dma_semaphore, #tpu.memory_space<semaphore_mem>>) src(%dma_wait3A_68 : memref<10240x128xf32, #tpu.memory_space<hbm>>) dst(%arg9 : memref<80x128xf32, #tpu.memory_space<vmem>>)
    %dma_start3A_69 = arith.constant 0 : i32
    %dma_start3A_70 = arith.constant 0 : i32
    %dma_start3A_71 = tpu.memref_slice %arg8[%dma_start3A_69, %dma_start3A_70] : memref<125x80xi32, #tpu.memory_space<vmem>> -> memref<1x80xi32, #tpu.memory_space<vmem>>
    %dma_start3A_72 = tpu.memref_squeeze %dma_start3A_71 : memref<1x80xi32, #tpu.memory_space<vmem>> -> memref<80xi32, #tpu.memory_space<vmem>>
    %dma_start3A_73 = arith.constant 0 : i32
    %dma_start3A_74 = arith.constant 0 : i32
    %dma_start3A_75 = tpu.memref_slice %arg11[%dma_start3A_73, %dma_start3A_74] : memref<10240x128xf32, #tpu.memory_space<vmem_shared>> -> memref<10240x128xf32, #tpu.memory_space<vmem_shared>>
    tpu.enqueue_indirect_dma source(%arg9 : memref<80x128xf32, #tpu.memory_space<vmem>>) target(%dma_start3A_75 : memref<10240x128xf32, #tpu.memory_space<vmem_shared>>) offsets(%dma_start3A_72 : memref<80xi32, #tpu.memory_space<vmem>>) semaphore(%arg14 : memref<!tpu.dma_semaphore, #tpu.memory_space<semaphore_mem>>) {add = true}
    %dma_start3A_76 = arith.constant 80 : i32
    %dma_start3A_77 = tpu.memref_slice %arg7[%dma_start3A_76] : memref<10000xi32, #tpu.memory_space<vmem>> -> memref<80xi32, #tpu.memory_space<vmem>>
    %dma_start3A_78 = arith.constant 0 : i32
    %dma_start3A_79 = arith.constant 0 : i32
    %dma_start3A_80 = tpu.memref_slice %arg2[%dma_start3A_78, %dma_start3A_79] : memref<10240x128xf32, #tpu.memory_space<hbm>> -> memref<10240x128xf32, #tpu.memory_space<hbm>>
    tpu.enqueue_indirect_dma source(%dma_start3A_80 : memref<10240x128xf32, #tpu.memory_space<hbm>>) target(%arg10 : memref<80x128xf32, #tpu.memory_space<vmem>>) offsets(%dma_start3A_77 : memref<80xi32, #tpu.memory_space<vmem>>) semaphore(%arg13 : memref<!tpu.dma_semaphore, #tpu.memory_space<semaphore_mem>>)
    %scan3A = arith.constant 0 : i32
    %scan3A_81 = arith.constant 0 : i32
    %scan3A_82 = arith.constant 61 : i32
    %scan3A_83 = arith.addi %scan3A_81, %scan3A_82 : i32
    %scan3A_84 = arith.constant 1 : i32
    scf.for %scan3A_147 = %scan3A_81 to %scan3A_83 step %scan3A_84  : i32 {
      %mul3A_148 = arith.constant 2 : i32
      %mul3A_149 = arith.muli %mul3A_148, %scan3A_147 : i32
      %add3A_150 = arith.constant 1 : i32
      %add3A_151 = arith.addi %mul3A_149, %add3A_150 : i32
      %mul3A_152 = arith.constant 80 : i32
      %mul3A_153 = arith.muli %add3A_151, %mul3A_152 : i32
      %dma_wait3A_154 = tpu.memref_slice %arg7[%mul3A_153] : memref<10000xi32, #tpu.memory_space<vmem>> -> memref<80xi32, #tpu.memory_space<vmem>>
      %dma_wait3A_155 = arith.constant 0 : i32
      %dma_wait3A_156 = arith.constant 0 : i32
      %dma_wait3A_157 = tpu.memref_slice %arg2[%dma_wait3A_155, %dma_wait3A_156] : memref<10240x128xf32, #tpu.memory_space<hbm>> -> memref<10240x128xf32, #tpu.memory_space<hbm>>
      tpu.wait_indirect_dma semaphore(%arg13 : memref<!tpu.dma_semaphore, #tpu.memory_space<semaphore_mem>>) src(%dma_wait3A_157 : memref<10240x128xf32, #tpu.memory_space<hbm>>) dst(%arg10 : memref<80x128xf32, #tpu.memory_space<vmem>>)
      %add3A_158 = arith.constant 1 : i32
      %add3A_159 = arith.addi %mul3A_149, %add3A_158 : i32
      %dma_start3A_160 = arith.constant 0 : i32
      %dma_start3A_161 = tpu.memref_slice %arg8[%add3A_159, %dma_start3A_160] : memref<125x80xi32, #tpu.memory_space<vmem>> -> memref<1x80xi32, #tpu.memory_space<vmem>>
      %dma_start3A_162 = tpu.memref_squeeze %dma_start3A_161 : memref<1x80xi32, #tpu.memory_space<vmem>> -> memref<80xi32, #tpu.memory_space<vmem>>
      %dma_start3A_163 = arith.constant 0 : i32
      %dma_start3A_164 = arith.constant 0 : i32
      %dma_start3A_165 = tpu.memref_slice %arg11[%dma_start3A_163, %dma_start3A_164] : memref<10240x128xf32, #tpu.memory_space<vmem_shared>> -> memref<10240x128xf32, #tpu.memory_space<vmem_shared>>
      tpu.enqueue_indirect_dma source(%arg10 : memref<80x128xf32, #tpu.memory_space<vmem>>) target(%dma_start3A_165 : memref<10240x128xf32, #tpu.memory_space<vmem_shared>>) offsets(%dma_start3A_162 : memref<80xi32, #tpu.memory_space<vmem>>) semaphore(%arg15 : memref<!tpu.dma_semaphore, #tpu.memory_space<semaphore_mem>>) {add = true}
      %dma_wait3A_166 = arith.constant 0 : i32
      %dma_wait3A_167 = tpu.memref_slice %arg8[%mul3A_149, %dma_wait3A_166] : memref<125x80xi32, #tpu.memory_space<vmem>> -> memref<1x80xi32, #tpu.memory_space<vmem>>
      %dma_wait3A_168 = tpu.memref_squeeze %dma_wait3A_167 : memref<1x80xi32, #tpu.memory_space<vmem>> -> memref<80xi32, #tpu.memory_space<vmem>>
      %dma_wait3A_169 = arith.constant 0 : i32
      %dma_wait3A_170 = arith.constant 0 : i32
      %dma_wait3A_171 = tpu.memref_slice %arg11[%dma_wait3A_169, %dma_wait3A_170] : memref<10240x128xf32, #tpu.memory_space<vmem_shared>> -> memref<10240x128xf32, #tpu.memory_space<vmem_shared>>
      tpu.wait_indirect_dma semaphore(%arg14 : memref<!tpu.dma_semaphore, #tpu.memory_space<semaphore_mem>>) src(%arg9 : memref<80x128xf32, #tpu.memory_space<vmem>>) dst(%dma_wait3A_171 : memref<10240x128xf32, #tpu.memory_space<vmem_shared>>)
      %add3A_172 = arith.constant 2 : i32
      %add3A_173 = arith.addi %mul3A_149, %add3A_172 : i32
      %mul3A_174 = arith.constant 80 : i32
      %mul3A_175 = arith.muli %add3A_173, %mul3A_174 : i32
      %dma_start3A_176 = tpu.memref_slice %arg7[%mul3A_175] : memref<10000xi32, #tpu.memory_space<vmem>> -> memref<80xi32, #tpu.memory_space<vmem>>
      %dma_start3A_177 = arith.constant 0 : i32
      %dma_start3A_178 = arith.constant 0 : i32
      %dma_start3A_179 = tpu.memref_slice %arg2[%dma_start3A_177, %dma_start3A_178] : memref<10240x128xf32, #tpu.memory_space<hbm>> -> memref<10240x128xf32, #tpu.memory_space<hbm>>
      tpu.enqueue_indirect_dma source(%dma_start3A_179 : memref<10240x128xf32, #tpu.memory_space<hbm>>) target(%arg9 : memref<80x128xf32, #tpu.memory_space<vmem>>) offsets(%dma_start3A_176 : memref<80xi32, #tpu.memory_space<vmem>>) semaphore(%arg12 : memref<!tpu.dma_semaphore, #tpu.memory_space<semaphore_mem>>)
      %add3A_180 = arith.constant 2 : i32
      %add3A_181 = arith.addi %mul3A_149, %add3A_180 : i32
      %mul3A_182 = arith.constant 80 : i32
      %mul3A_183 = arith.muli %add3A_181, %mul3A_182 : i32
      %dma_wait3A_184 = tpu.memref_slice %arg7[%mul3A_183] : memref<10000xi32, #tpu.memory_space<vmem>> -> memref<80xi32, #tpu.memory_space<vmem>>
      %dma_wait3A_185 = arith.constant 0 : i32
      %dma_wait3A_186 = arith.constant 0 : i32
      %dma_wait3A_187 = tpu.memref_slice %arg2[%dma_wait3A_185, %dma_wait3A_186] : memref<10240x128xf32, #tpu.memory_space<hbm>> -> memref<10240x128xf32, #tpu.memory_space<hbm>>
      tpu.wait_indirect_dma semaphore(%arg12 : memref<!tpu.dma_semaphore, #tpu.memory_space<semaphore_mem>>) src(%dma_wait3A_187 : memref<10240x128xf32, #tpu.memory_space<hbm>>) dst(%arg9 : memref<80x128xf32, #tpu.memory_space<vmem>>)
      %add3A_188 = arith.constant 2 : i32
      %add3A_189 = arith.addi %mul3A_149, %add3A_188 : i32
      %dma_start3A_190 = arith.constant 0 : i32
      %dma_start3A_191 = tpu.memref_slice %arg8[%add3A_189, %dma_start3A_190] : memref<125x80xi32, #tpu.memory_space<vmem>> -> memref<1x80xi32, #tpu.memory_space<vmem>>
      %dma_start3A_192 = tpu.memref_squeeze %dma_start3A_191 : memref<1x80xi32, #tpu.memory_space<vmem>> -> memref<80xi32, #tpu.memory_space<vmem>>
      %dma_start3A_193 = arith.constant 0 : i32
      %dma_start3A_194 = arith.constant 0 : i32
      %dma_start3A_195 = tpu.memref_slice %arg11[%dma_start3A_193, %dma_start3A_194] : memref<10240x128xf32, #tpu.memory_space<vmem_shared>> -> memref<10240x128xf32, #tpu.memory_space<vmem_shared>>
      tpu.enqueue_indirect_dma source(%arg9 : memref<80x128xf32, #tpu.memory_space<vmem>>) target(%dma_start3A_195 : memref<10240x128xf32, #tpu.memory_space<vmem_shared>>) offsets(%dma_start3A_192 : memref<80xi32, #tpu.memory_space<vmem>>) semaphore(%arg14 : memref<!tpu.dma_semaphore, #tpu.memory_space<semaphore_mem>>) {add = true}
      %add3A_196 = arith.constant 1 : i32
      %add3A_197 = arith.addi %mul3A_149, %add3A_196 : i32
      %dma_wait3A_198 = arith.constant 0 : i32
      %dma_wait3A_199 = tpu.memref_slice %arg8[%add3A_197, %dma_wait3A_198] : memref<125x80xi32, #tpu.memory_space<vmem>> -> memref<1x80xi32, #tpu.memory_space<vmem>>
      %dma_wait3A_200 = tpu.memref_squeeze %dma_wait3A_199 : memref<1x80xi32, #tpu.memory_space<vmem>> -> memref<80xi32, #tpu.memory_space<vmem>>
      %dma_wait3A_201 = arith.constant 0 : i32
      %dma_wait3A_202 = arith.constant 0 : i32
      %dma_wait3A_203 = tpu.memref_slice %arg11[%dma_wait3A_201, %dma_wait3A_202] : memref<10240x128xf32, #tpu.memory_space<vmem_shared>> -> memref<10240x128xf32, #tpu.memory_space<vmem_shared>>
      tpu.wait_indirect_dma semaphore(%arg15 : memref<!tpu.dma_semaphore, #tpu.memory_space<semaphore_mem>>) src(%arg10 : memref<80x128xf32, #tpu.memory_space<vmem>>) dst(%dma_wait3A_203 : memref<10240x128xf32, #tpu.memory_space<vmem_shared>>)
      %add3A_204 = arith.constant 3 : i32
      %add3A_205 = arith.addi %mul3A_149, %add3A_204 : i32
      %mul3A_206 = arith.constant 80 : i32
      %mul3A_207 = arith.muli %add3A_205, %mul3A_206 : i32
      %dma_start3A_208 = tpu.memref_slice %arg7[%mul3A_207] : memref<10000xi32, #tpu.memory_space<vmem>> -> memref<80xi32, #tpu.memory_space<vmem>>
      %dma_start3A_209 = arith.constant 0 : i32
      %dma_start3A_210 = arith.constant 0 : i32
      %dma_start3A_211 = tpu.memref_slice %arg2[%dma_start3A_209, %dma_start3A_210] : memref<10240x128xf32, #tpu.memory_space<hbm>> -> memref<10240x128xf32, #tpu.memory_space<hbm>>
      tpu.enqueue_indirect_dma source(%dma_start3A_211 : memref<10240x128xf32, #tpu.memory_space<hbm>>) target(%arg10 : memref<80x128xf32, #tpu.memory_space<vmem>>) offsets(%dma_start3A_208 : memref<80xi32, #tpu.memory_space<vmem>>) semaphore(%arg13 : memref<!tpu.dma_semaphore, #tpu.memory_space<semaphore_mem>>)
    }
    %scan3A_85 = arith.constant 61 : i32
    %dma_wait3A_86 = arith.constant 9840 : i32
    %dma_wait3A_87 = tpu.memref_slice %arg7[%dma_wait3A_86] : memref<10000xi32, #tpu.memory_space<vmem>> -> memref<80xi32, #tpu.memory_space<vmem>>
    %dma_wait3A_88 = arith.constant 0 : i32
    %dma_wait3A_89 = arith.constant 0 : i32
    %dma_wait3A_90 = tpu.memref_slice %arg2[%dma_wait3A_88, %dma_wait3A_89] : memref<10240x128xf32, #tpu.memory_space<hbm>> -> memref<10240x128xf32, #tpu.memory_space<hbm>>
    tpu.wait_indirect_dma semaphore(%arg13 : memref<!tpu.dma_semaphore, #tpu.memory_space<semaphore_mem>>) src(%dma_wait3A_90 : memref<10240x128xf32, #tpu.memory_space<hbm>>) dst(%arg10 : memref<80x128xf32, #tpu.memory_space<vmem>>)
    %dma_start3A_91 = arith.constant 123 : i32
    %dma_start3A_92 = arith.constant 0 : i32
    %dma_start3A_93 = tpu.memref_slice %arg8[%dma_start3A_91, %dma_start3A_92] : memref<125x80xi32, #tpu.memory_space<vmem>> -> memref<1x80xi32, #tpu.memory_space<vmem>>
    %dma_start3A_94 = tpu.memref_squeeze %dma_start3A_93 : memref<1x80xi32, #tpu.memory_space<vmem>> -> memref<80xi32, #tpu.memory_space<vmem>>
    %dma_start3A_95 = arith.constant 0 : i32
    %dma_start3A_96 = arith.constant 0 : i32
    %dma_start3A_97 = tpu.memref_slice %arg11[%dma_start3A_95, %dma_start3A_96] : memref<10240x128xf32, #tpu.memory_space<vmem_shared>> -> memref<10240x128xf32, #tpu.memory_space<vmem_shared>>
    tpu.enqueue_indirect_dma source(%arg10 : memref<80x128xf32, #tpu.memory_space<vmem>>) target(%dma_start3A_97 : memref<10240x128xf32, #tpu.memory_space<vmem_shared>>) offsets(%dma_start3A_94 : memref<80xi32, #tpu.memory_space<vmem>>) semaphore(%arg15 : memref<!tpu.dma_semaphore, #tpu.memory_space<semaphore_mem>>) {add = true}
    %dma_wait3A_98 = arith.constant 122 : i32
    %dma_wait3A_99 = arith.constant 0 : i32
    %dma_wait3A_100 = tpu.memref_slice %arg8[%dma_wait3A_98, %dma_wait3A_99] : memref<125x80xi32, #tpu.memory_space<vmem>> -> memref<1x80xi32, #tpu.memory_space<vmem>>
    %dma_wait3A_101 = tpu.memref_squeeze %dma_wait3A_100 : memref<1x80xi32, #tpu.memory_space<vmem>> -> memref<80xi32, #tpu.memory_space<vmem>>
    %dma_wait3A_102 = arith.constant 0 : i32
    %dma_wait3A_103 = arith.constant 0 : i32
    %dma_wait3A_104 = tpu.memref_slice %arg11[%dma_wait3A_102, %dma_wait3A_103] : memref<10240x128xf32, #tpu.memory_space<vmem_shared>> -> memref<10240x128xf32, #tpu.memory_space<vmem_shared>>
    tpu.wait_indirect_dma semaphore(%arg14 : memref<!tpu.dma_semaphore, #tpu.memory_space<semaphore_mem>>) src(%arg9 : memref<80x128xf32, #tpu.memory_space<vmem>>) dst(%dma_wait3A_104 : memref<10240x128xf32, #tpu.memory_space<vmem_shared>>)
    %dma_start3A_105 = arith.constant 9920 : i32
    %dma_start3A_106 = tpu.memref_slice %arg7[%dma_start3A_105] : memref<10000xi32, #tpu.memory_space<vmem>> -> memref<80xi32, #tpu.memory_space<vmem>>
    %dma_start3A_107 = arith.constant 0 : i32
    %dma_start3A_108 = arith.constant 0 : i32
    %dma_start3A_109 = tpu.memref_slice %arg2[%dma_start3A_107, %dma_start3A_108] : memref<10240x128xf32, #tpu.memory_space<hbm>> -> memref<10240x128xf32, #tpu.memory_space<hbm>>
    tpu.enqueue_indirect_dma source(%dma_start3A_109 : memref<10240x128xf32, #tpu.memory_space<hbm>>) target(%arg9 : memref<80x128xf32, #tpu.memory_space<vmem>>) offsets(%dma_start3A_106 : memref<80xi32, #tpu.memory_space<vmem>>) semaphore(%arg12 : memref<!tpu.dma_semaphore, #tpu.memory_space<semaphore_mem>>)
    %dma_wait3A_110 = arith.constant 9920 : i32
    %dma_wait3A_111 = tpu.memref_slice %arg7[%dma_wait3A_110] : memref<10000xi32, #tpu.memory_space<vmem>> -> memref<80xi32, #tpu.memory_space<vmem>>
    %dma_wait3A_112 = arith.constant 0 : i32
    %dma_wait3A_113 = arith.constant 0 : i32
    %dma_wait3A_114 = tpu.memref_slice %arg2[%dma_wait3A_112, %dma_wait3A_113] : memref<10240x128xf32, #tpu.memory_space<hbm>> -> memref<10240x128xf32, #tpu.memory_space<hbm>>
    tpu.wait_indirect_dma semaphore(%arg12 : memref<!tpu.dma_semaphore, #tpu.memory_space<semaphore_mem>>) src(%dma_wait3A_114 : memref<10240x128xf32, #tpu.memory_space<hbm>>) dst(%arg9 : memref<80x128xf32, #tpu.memory_space<vmem>>)
    %dma_start3A_115 = arith.constant 124 : i32
    %dma_start3A_116 = arith.constant 0 : i32
    %dma_start3A_117 = tpu.memref_slice %arg8[%dma_start3A_115, %dma_start3A_116] : memref<125x80xi32, #tpu.memory_space<vmem>> -> memref<1x80xi32, #tpu.memory_space<vmem>>
    %dma_start3A_118 = tpu.memref_squeeze %dma_start3A_117 : memref<1x80xi32, #tpu.memory_space<vmem>> -> memref<80xi32, #tpu.memory_space<vmem>>
    %dma_start3A_119 = arith.constant 0 : i32
    %dma_start3A_120 = arith.constant 0 : i32
    %dma_start3A_121 = tpu.memref_slice %arg11[%dma_start3A_119, %dma_start3A_120] : memref<10240x128xf32, #tpu.memory_space<vmem_shared>> -> memref<10240x128xf32, #tpu.memory_space<vmem_shared>>
    tpu.enqueue_indirect_dma source(%arg9 : memref<80x128xf32, #tpu.memory_space<vmem>>) target(%dma_start3A_121 : memref<10240x128xf32, #tpu.memory_space<vmem_shared>>) offsets(%dma_start3A_118 : memref<80xi32, #tpu.memory_space<vmem>>) semaphore(%arg14 : memref<!tpu.dma_semaphore, #tpu.memory_space<semaphore_mem>>) {add = true}
    %dma_wait3A_122 = arith.constant 123 : i32
    %dma_wait3A_123 = arith.constant 0 : i32
    %dma_wait3A_124 = tpu.memref_slice %arg8[%dma_wait3A_122, %dma_wait3A_123] : memref<125x80xi32, #tpu.memory_space<vmem>> -> memref<1x80xi32, #tpu.memory_space<vmem>>
    %dma_wait3A_125 = tpu.memref_squeeze %dma_wait3A_124 : memref<1x80xi32, #tpu.memory_space<vmem>> -> memref<80xi32, #tpu.memory_space<vmem>>
    %dma_wait3A_126 = arith.constant 0 : i32
    %dma_wait3A_127 = arith.constant 0 : i32
    %dma_wait3A_128 = tpu.memref_slice %arg11[%dma_wait3A_126, %dma_wait3A_127] : memref<10240x128xf32, #tpu.memory_space<vmem_shared>> -> memref<10240x128xf32, #tpu.memory_space<vmem_shared>>
    tpu.wait_indirect_dma semaphore(%arg15 : memref<!tpu.dma_semaphore, #tpu.memory_space<semaphore_mem>>) src(%arg10 : memref<80x128xf32, #tpu.memory_space<vmem>>) dst(%dma_wait3A_128 : memref<10240x128xf32, #tpu.memory_space<vmem_shared>>)
    %dma_wait3A_129 = arith.constant 124 : i32
    %dma_wait3A_130 = arith.constant 0 : i32
    %dma_wait3A_131 = tpu.memref_slice %arg8[%dma_wait3A_129, %dma_wait3A_130] : memref<125x80xi32, #tpu.memory_space<vmem>> -> memref<1x80xi32, #tpu.memory_space<vmem>>
    %dma_wait3A_132 = tpu.memref_squeeze %dma_wait3A_131 : memref<1x80xi32, #tpu.memory_space<vmem>> -> memref<80xi32, #tpu.memory_space<vmem>>
    %dma_wait3A_133 = arith.constant 0 : i32
    %dma_wait3A_134 = arith.constant 0 : i32
    %dma_wait3A_135 = tpu.memref_slice %arg11[%dma_wait3A_133, %dma_wait3A_134] : memref<10240x128xf32, #tpu.memory_space<vmem_shared>> -> memref<10240x128xf32, #tpu.memory_space<vmem_shared>>
    tpu.wait_indirect_dma semaphore(%arg14 : memref<!tpu.dma_semaphore, #tpu.memory_space<semaphore_mem>>) src(%arg9 : memref<80x128xf32, #tpu.memory_space<vmem>>) dst(%dma_wait3A_135 : memref<10240x128xf32, #tpu.memory_space<vmem_shared>>)
    %barrier3A_136 = arith.constant 0 : index
    tpu.barrier barrier_id(%barrier3A_136)
    %add3A_137 = arith.constant 0 : i32
    %add3A_138 = arith.addi %mul3A_2, %add3A_137 : i32
    "tpu.region"() ({
      %run_scoped3A = tpu.sem_alloc : memref<!tpu.dma_semaphore, #tpu.memory_space<semaphore_mem>>
      %dma_start3A_147 = arith.constant 0 : i32
      %dma_start3A_148 = tpu.memref_slice %arg6[%arg0, %add3A_138, %dma_start3A_147] : memref<2x10240x128xf32, #tpu.memory_space<hbm>> -> memref<1x128x128xf32, #tpu.memory_space<hbm>>
      %dma_start3A_149 = tpu.memref_squeeze %dma_start3A_148 : memref<1x128x128xf32, #tpu.memory_space<hbm>> -> memref<128x128xf32, #tpu.memory_space<hbm>>
      %dma_start3A_150 = arith.constant 0 : i32
      %dma_start3A_151 = tpu.memref_slice %arg11[%add3A_138, %dma_start3A_150] : memref<10240x128xf32, #tpu.memory_space<vmem_shared>> -> memref<128x128xf32, #tpu.memory_space<vmem_shared>>
      tpu.enqueue_dma source(%dma_start3A_151 : memref<128x128xf32, #tpu.memory_space<vmem_shared>>) target(%dma_start3A_149 : memref<128x128xf32, #tpu.memory_space<hbm>>) target_semaphore(%run_scoped3A : memref<!tpu.dma_semaphore, #tpu.memory_space<semaphore_mem>>)
      %dma_wait3A_152 = arith.constant 0 : i32
      %dma_wait3A_153 = tpu.memref_slice %arg6[%arg0, %add3A_138, %dma_wait3A_152] : memref<2x10240x128xf32, #tpu.memory_space<hbm>> -> memref<1x128x128xf32, #tpu.memory_space<hbm>>
      %dma_wait3A_154 = tpu.memref_squeeze %dma_wait3A_153 : memref<1x128x128xf32, #tpu.memory_space<hbm>> -> memref<128x128xf32, #tpu.memory_space<hbm>>
      %dma_wait3A_155 = arith.constant 0 : i32
      %dma_wait3A_156 = tpu.memref_slice %arg11[%add3A_138, %dma_wait3A_155] : memref<10240x128xf32, #tpu.memory_space<vmem_shared>> -> memref<128x128xf32, #tpu.memory_space<vmem_shared>>
      tpu.wait_dma2 semaphore(%run_scoped3A : memref<!tpu.dma_semaphore, #tpu.memory_space<semaphore_mem>>) src(%dma_wait3A_156 : memref<128x128xf32, #tpu.memory_space<vmem_shared>>) dst(%dma_wait3A_154 : memref<128x128xf32, #tpu.memory_space<hbm>>)
      tpu.yield
    }) : () -> ()
    %add3A_139 = arith.constant 128 : i32
    %add3A_140 = arith.addi %mul3A_2, %add3A_139 : i32
    "tpu.region"() ({
      %run_scoped3A = tpu.sem_alloc : memref<!tpu.dma_semaphore, #tpu.memory_space<semaphore_mem>>
      %dma_start3A_147 = arith.constant 0 : i32
      %dma_start3A_148 = tpu.memref_slice %arg6[%arg0, %add3A_140, %dma_start3A_147] : memref<2x10240x128xf32, #tpu.memory_space<hbm>> -> memref<1x128x128xf32, #tpu.memory_space<hbm>>
      %dma_start3A_149 = tpu.memref_squeeze %dma_start3A_148 : memref<1x128x128xf32, #tpu.memory_space<hbm>> -> memref<128x128xf32, #tpu.memory_space<hbm>>
      %dma_start3A_150 = arith.constant 0 : i32
      %dma_start3A_151 = tpu.memref_slice %arg11[%add3A_140, %dma_start3A_150] : memref<10240x128xf32, #tpu.memory_space<vmem_shared>> -> memref<128x128xf32, #tpu.memory_space<vmem_shared>>
      tpu.enqueue_dma source(%dma_start3A_151 : memref<128x128xf32, #tpu.memory_space<vmem_shared>>) target(%dma_start3A_149 : memref<128x128xf32, #tpu.memory_space<hbm>>) target_semaphore(%run_scoped3A : memref<!tpu.dma_semaphore, #tpu.memory_space<semaphore_mem>>)
      %dma_wait3A_152 = arith.constant 0 : i32
      %dma_wait3A_153 = tpu.memref_slice %arg6[%arg0, %add3A_140, %dma_wait3A_152] : memref<2x10240x128xf32, #tpu.memory_space<hbm>> -> memref<1x128x128xf32, #tpu.memory_space<hbm>>
      %dma_wait3A_154 = tpu.memref_squeeze %dma_wait3A_153 : memref<1x128x128xf32, #tpu.memory_space<hbm>> -> memref<128x128xf32, #tpu.memory_space<hbm>>
      %dma_wait3A_155 = arith.constant 0 : i32
      %dma_wait3A_156 = tpu.memref_slice %arg11[%add3A_140, %dma_wait3A_155] : memref<10240x128xf32, #tpu.memory_space<vmem_shared>> -> memref<128x128xf32, #tpu.memory_space<vmem_shared>>
      tpu.wait_dma2 semaphore(%run_scoped3A : memref<!tpu.dma_semaphore, #tpu.memory_space<semaphore_mem>>) src(%dma_wait3A_156 : memref<128x128xf32, #tpu.memory_space<vmem_shared>>) dst(%dma_wait3A_154 : memref<128x128xf32, #tpu.memory_space<hbm>>)
      tpu.yield
    }) : () -> ()
    %add3A_141 = arith.constant 256 : i32
    %add3A_142 = arith.addi %mul3A_2, %add3A_141 : i32
    "tpu.region"() ({
      %run_scoped3A = tpu.sem_alloc : memref<!tpu.dma_semaphore, #tpu.memory_space<semaphore_mem>>
      %dma_start3A_147 = arith.constant 0 : i32
      %dma_start3A_148 = tpu.memref_slice %arg6[%arg0, %add3A_142, %dma_start3A_147] : memref<2x10240x128xf32, #tpu.memory_space<hbm>> -> memref<1x128x128xf32, #tpu.memory_space<hbm>>
      %dma_start3A_149 = tpu.memref_squeeze %dma_start3A_148 : memref<1x128x128xf32, #tpu.memory_space<hbm>> -> memref<128x128xf32, #tpu.memory_space<hbm>>
      %dma_start3A_150 = arith.constant 0 : i32
      %dma_start3A_151 = tpu.memref_slice %arg11[%add3A_142, %dma_start3A_150] : memref<10240x128xf32, #tpu.memory_space<vmem_shared>> -> memref<128x128xf32, #tpu.memory_space<vmem_shared>>
      tpu.enqueue_dma source(%dma_start3A_151 : memref<128x128xf32, #tpu.memory_space<vmem_shared>>) target(%dma_start3A_149 : memref<128x128xf32, #tpu.memory_space<hbm>>) target_semaphore(%run_scoped3A : memref<!tpu.dma_semaphore, #tpu.memory_space<semaphore_mem>>)
      %dma_wait3A_152 = arith.constant 0 : i32
      %dma_wait3A_153 = tpu.memref_slice %arg6[%arg0, %add3A_142, %dma_wait3A_152] : memref<2x10240x128xf32, #tpu.memory_space<hbm>> -> memref<1x128x128xf32, #tpu.memory_space<hbm>>
      %dma_wait3A_154 = tpu.memref_squeeze %dma_wait3A_153 : memref<1x128x128xf32, #tpu.memory_space<hbm>> -> memref<128x128xf32, #tpu.memory_space<hbm>>
      %dma_wait3A_155 = arith.constant 0 : i32
      %dma_wait3A_156 = tpu.memref_slice %arg11[%add3A_142, %dma_wait3A_155] : memref<10240x128xf32, #tpu.memory_space<vmem_shared>> -> memref<128x128xf32, #tpu.memory_space<vmem_shared>>
      tpu.wait_dma2 semaphore(%run_scoped3A : memref<!tpu.dma_semaphore, #tpu.memory_space<semaphore_mem>>) src(%dma_wait3A_156 : memref<128x128xf32, #tpu.memory_space<vmem_shared>>) dst(%dma_wait3A_154 : memref<128x128xf32, #tpu.memory_space<hbm>>)
      tpu.yield
    }) : () -> ()
    %add3A_143 = arith.constant 384 : i32
    %add3A_144 = arith.addi %mul3A_2, %add3A_143 : i32
    "tpu.region"() ({
      %run_scoped3A = tpu.sem_alloc : memref<!tpu.dma_semaphore, #tpu.memory_space<semaphore_mem>>
      %dma_start3A_147 = arith.constant 0 : i32
      %dma_start3A_148 = tpu.memref_slice %arg6[%arg0, %add3A_144, %dma_start3A_147] : memref<2x10240x128xf32, #tpu.memory_space<hbm>> -> memref<1x128x128xf32, #tpu.memory_space<hbm>>
      %dma_start3A_149 = tpu.memref_squeeze %dma_start3A_148 : memref<1x128x128xf32, #tpu.memory_space<hbm>> -> memref<128x128xf32, #tpu.memory_space<hbm>>
      %dma_start3A_150 = arith.constant 0 : i32
      %dma_start3A_151 = tpu.memref_slice %arg11[%add3A_144, %dma_start3A_150] : memref<10240x128xf32, #tpu.memory_space<vmem_shared>> -> memref<128x128xf32, #tpu.memory_space<vmem_shared>>
      tpu.enqueue_dma source(%dma_start3A_151 : memref<128x128xf32, #tpu.memory_space<vmem_shared>>) target(%dma_start3A_149 : memref<128x128xf32, #tpu.memory_space<hbm>>) target_semaphore(%run_scoped3A : memref<!tpu.dma_semaphore, #tpu.memory_space<semaphore_mem>>)
      %dma_wait3A_152 = arith.constant 0 : i32
      %dma_wait3A_153 = tpu.memref_slice %arg6[%arg0, %add3A_144, %dma_wait3A_152] : memref<2x10240x128xf32, #tpu.memory_space<hbm>> -> memref<1x128x128xf32, #tpu.memory_space<hbm>>
      %dma_wait3A_154 = tpu.memref_squeeze %dma_wait3A_153 : memref<1x128x128xf32, #tpu.memory_space<hbm>> -> memref<128x128xf32, #tpu.memory_space<hbm>>
      %dma_wait3A_155 = arith.constant 0 : i32
      %dma_wait3A_156 = tpu.memref_slice %arg11[%add3A_144, %dma_wait3A_155] : memref<10240x128xf32, #tpu.memory_space<vmem_shared>> -> memref<128x128xf32, #tpu.memory_space<vmem_shared>>
      tpu.wait_dma2 semaphore(%run_scoped3A : memref<!tpu.dma_semaphore, #tpu.memory_space<semaphore_mem>>) src(%dma_wait3A_156 : memref<128x128xf32, #tpu.memory_space<vmem_shared>>) dst(%dma_wait3A_154 : memref<128x128xf32, #tpu.memory_space<hbm>>)
      tpu.yield
    }) : () -> ()
    %add3A_145 = arith.constant 512 : i32
    %add3A_146 = arith.addi %mul3A_2, %add3A_145 : i32
    "tpu.region"() ({
      %run_scoped3A = tpu.sem_alloc : memref<!tpu.dma_semaphore, #tpu.memory_space<semaphore_mem>>
      %dma_start3A_147 = arith.constant 0 : i32
      %dma_start3A_148 = tpu.memref_slice %arg6[%arg0, %add3A_146, %dma_start3A_147] : memref<2x10240x128xf32, #tpu.memory_space<hbm>> -> memref<1x128x128xf32, #tpu.memory_space<hbm>>
      %dma_start3A_149 = tpu.memref_squeeze %dma_start3A_148 : memref<1x128x128xf32, #tpu.memory_space<hbm>> -> memref<128x128xf32, #tpu.memory_space<hbm>>
      %dma_start3A_150 = arith.constant 0 : i32
      %dma_start3A_151 = tpu.memref_slice %arg11[%add3A_146, %dma_start3A_150] : memref<10240x128xf32, #tpu.memory_space<vmem_shared>> -> memref<128x128xf32, #tpu.memory_space<vmem_shared>>
      tpu.enqueue_dma source(%dma_start3A_151 : memref<128x128xf32, #tpu.memory_space<vmem_shared>>) target(%dma_start3A_149 : memref<128x128xf32, #tpu.memory_space<hbm>>) target_semaphore(%run_scoped3A : memref<!tpu.dma_semaphore, #tpu.memory_space<semaphore_mem>>)
      %dma_wait3A_152 = arith.constant 0 : i32
      %dma_wait3A_153 = tpu.memref_slice %arg6[%arg0, %add3A_146, %dma_wait3A_152] : memref<2x10240x128xf32, #tpu.memory_space<hbm>> -> memref<1x128x128xf32, #tpu.memory_space<hbm>>
      %dma_wait3A_154 = tpu.memref_squeeze %dma_wait3A_153 : memref<1x128x128xf32, #tpu.memory_space<hbm>> -> memref<128x128xf32, #tpu.memory_space<hbm>>
      %dma_wait3A_155 = arith.constant 0 : i32
      %dma_wait3A_156 = tpu.memref_slice %arg11[%add3A_146, %dma_wait3A_155] : memref<10240x128xf32, #tpu.memory_space<vmem_shared>> -> memref<128x128xf32, #tpu.memory_space<vmem_shared>>
      tpu.wait_dma2 semaphore(%run_scoped3A : memref<!tpu.dma_semaphore, #tpu.memory_space<semaphore_mem>>) src(%dma_wait3A_156 : memref<128x128xf32, #tpu.memory_space<vmem_shared>>) dst(%dma_wait3A_154 : memref<128x128xf32, #tpu.memory_space<hbm>>)
      tpu.yield
    }) : () -> ()
    return
  }
}

#map = affine_map<(d0, d1) -> (0, 0)>
#map1 = affine_map<(d0, d1) -> (0)>
#map2 = affine_map<(d0, d1) -> (0, 0, 0)>
module attributes {stable_mosaic.version = 14 : i64} {
  func.func @scat_kernel(%arg0: i32, %arg1: i32, %arg2: memref<10240x128xf32, #tpu.memory_space<hbm>>, %arg3: memref<320000xi32, #tpu.memory_space<hbm>>, %arg4: memref<32x125x80xi32, #tpu.memory_space<hbm>>, %arg5: memref<128x128xf32, #tpu.memory_space<hbm>>, %arg6: memref<2x10240x128xf32, #tpu.memory_space<hbm>>, %arg7: memref<10000xi32, #tpu.memory_space<vmem>>, %arg8: memref<125x80xi32, #tpu.memory_space<vmem>>, %arg9: memref<80x128xf32, #tpu.memory_space<vmem>>, %arg10: memref<80x128xf32, #tpu.memory_space<vmem>>, %arg11: memref<10240x128xf32, #tpu.memory_space<vmem_shared>>, %arg12: memref<!tpu.dma_semaphore, #tpu.memory_space<semaphore_mem>>, %arg13: memref<!tpu.dma_semaphore, #tpu.memory_space<semaphore_mem>>, %arg14: memref<!tpu.dma_semaphore, #tpu.memory_space<semaphore_mem>>, %arg15: memref<!tpu.dma_semaphore, #tpu.memory_space<semaphore_mem>>) attributes {dimension_semantics = [#tpu.dimension_semantics<core_parallel>, #tpu.dimension_semantics<subcore_parallel>], iteration_bounds = array<i64: 2, 16>, scalar_prefetch = 0 : i64, scratch_operands = 9 : i64, tpu.core_type = #tpu.core_type<sc_vector_subcore>, window_params = [{transform_indices = #map}, {transform_indices = #map1}, {transform_indices = #map2}, {transform_indices = #map}, {transform_indices = #map2}]} {
    %mul3A = arith.constant 16 : i32
    %mul3A_0 = arith.muli %arg0, %mul3A : i32
    %add3A = arith.addi %mul3A_0, %arg1 : i32
    %mul3A_1 = arith.constant 640 : i32
    %mul3A_2 = arith.muli %arg1, %mul3A_1 : i32
    %add3A_3 = arith.constant 0 : i32
    %add3A_4 = arith.addi %mul3A_2, %add3A_3 : i32
    %eq3A = arith.constant 0 : i32
    %eq3A_5 = arith.cmpi eq, %arg0, %eq3A : i32
    %convert_element_type3A = arith.extui %eq3A_5 : i1 to i32
    %cond3A = arith.constant 0 : i32
    %cond3A_6 = arith.cmpi ne, %convert_element_type3A, %cond3A : i32
    scf.if %cond3A_6 {
      "tpu.region"() ({
        %run_scoped3A = tpu.sem_alloc : memref<!tpu.dma_semaphore, #tpu.memory_space<semaphore_mem>>
        %dma_start3A_147 = arith.constant 0 : i32
        %dma_start3A_148 = tpu.memref_slice %arg11[%add3A_4, %dma_start3A_147] : memref<10240x128xf32, #tpu.memory_space<vmem_shared>> -> memref<128x128xf32, #tpu.memory_space<vmem_shared>>
        %dma_start3A_149 = arith.constant 0 : i32
        %dma_start3A_150 = tpu.memref_slice %arg2[%add3A_4, %dma_start3A_149] : memref<10240x128xf32, #tpu.memory_space<hbm>> -> memref<128x128xf32, #tpu.memory_space<hbm>>
        tpu.enqueue_dma source(%dma_start3A_150 : memref<128x128xf32, #tpu.memory_space<hbm>>) target(%dma_start3A_148 : memref<128x128xf32, #tpu.memory_space<vmem_shared>>) target_semaphore(%run_scoped3A : memref<!tpu.dma_semaphore, #tpu.memory_space<semaphore_mem>>)
        %dma_wait3A_151 = arith.constant 0 : i32
        %dma_wait3A_152 = tpu.memref_slice %arg11[%add3A_4, %dma_wait3A_151] : memref<10240x128xf32, #tpu.memory_space<vmem_shared>> -> memref<128x128xf32, #tpu.memory_space<vmem_shared>>
        %dma_wait3A_153 = arith.constant 0 : i32
        %dma_wait3A_154 = tpu.memref_slice %arg2[%add3A_4, %dma_wait3A_153] : memref<10240x128xf32, #tpu.memory_space<hbm>> -> memref<128x128xf32, #tpu.memory_space<hbm>>
        tpu.wait_dma2 semaphore(%run_scoped3A : memref<!tpu.dma_semaphore, #tpu.memory_space<semaphore_mem>>) src(%dma_wait3A_154 : memref<128x128xf32, #tpu.memory_space<hbm>>) dst(%dma_wait3A_152 : memref<128x128xf32, #tpu.memory_space<vmem_shared>>)
        tpu.yield
      }) : () -> ()
    } else {
    }
    %ne3A = arith.constant 0 : i32
    %ne3A_7 = arith.cmpi ne, %arg0, %ne3A : i32
    %convert_element_type3A_8 = arith.extui %ne3A_7 : i1 to i32
    %cond3A_9 = arith.constant 0 : i32
    %cond3A_10 = arith.cmpi ne, %convert_element_type3A_8, %cond3A_9 : i32
    scf.if %cond3A_10 {
      "tpu.region"() ({
        %run_scoped3A = tpu.sem_alloc : memref<!tpu.dma_semaphore, #tpu.memory_space<semaphore_mem>>
        %dma_start3A_147 = arith.constant 0 : i32
        %dma_start3A_148 = tpu.memref_slice %arg11[%add3A_4, %dma_start3A_147] : memref<10240x128xf32, #tpu.memory_space<vmem_shared>> -> memref<128x128xf32, #tpu.memory_space<vmem_shared>>
        tpu.enqueue_dma source(%arg5 : memref<128x128xf32, #tpu.memory_space<hbm>>) target(%dma_start3A_148 : memref<128x128xf32, #tpu.memory_space<vmem_shared>>) target_semaphore(%run_scoped3A : memref<!tpu.dma_semaphore, #tpu.memory_space<semaphore_mem>>)
        %dma_wait3A_149 = arith.constant 0 : i32
        %dma_wait3A_150 = tpu.memref_slice %arg11[%add3A_4, %dma_wait3A_149] : memref<10240x128xf32, #tpu.memory_space<vmem_shared>> -> memref<128x128xf32, #tpu.memory_space<vmem_shared>>
        tpu.wait_dma2 semaphore(%run_scoped3A : memref<!tpu.dma_semaphore, #tpu.memory_space<semaphore_mem>>) src(%arg5 : memref<128x128xf32, #tpu.memory_space<hbm>>) dst(%dma_wait3A_150 : memref<128x128xf32, #tpu.memory_space<vmem_shared>>)
        tpu.yield
      }) : () -> ()
    } else {
    }
    %add3A_11 = arith.constant 128 : i32
    %add3A_12 = arith.addi %mul3A_2, %add3A_11 : i32
    %eq3A_13 = arith.constant 0 : i32
    %eq3A_14 = arith.cmpi eq, %arg0, %eq3A_13 : i32
    %convert_element_type3A_15 = arith.extui %eq3A_14 : i1 to i32
    %cond3A_16 = arith.constant 0 : i32
    %cond3A_17 = arith.cmpi ne, %convert_element_type3A_15, %cond3A_16 : i32
    scf.if %cond3A_17 {
      "tpu.region"() ({
        %run_scoped3A = tpu.sem_alloc : memref<!tpu.dma_semaphore, #tpu.memory_space<semaphore_mem>>
        %dma_start3A_147 = arith.constant 0 : i32
        %dma_start3A_148 = tpu.memref_slice %arg11[%add3A_12, %dma_start3A_147] : memref<10240x128xf32, #tpu.memory_space<vmem_shared>> -> memref<128x128xf32, #tpu.memory_space<vmem_shared>>
        %dma_start3A_149 = arith.constant 0 : i32
        %dma_start3A_150 = tpu.memref_slice %arg2[%add3A_12, %dma_start3A_149] : memref<10240x128xf32, #tpu.memory_space<hbm>> -> memref<128x128xf32, #tpu.memory_space<hbm>>
        tpu.enqueue_dma source(%dma_start3A_150 : memref<128x128xf32, #tpu.memory_space<hbm>>) target(%dma_start3A_148 : memref<128x128xf32, #tpu.memory_space<vmem_shared>>) target_semaphore(%run_scoped3A : memref<!tpu.dma_semaphore, #tpu.memory_space<semaphore_mem>>)
        %dma_wait3A_151 = arith.constant 0 : i32
        %dma_wait3A_152 = tpu.memref_slice %arg11[%add3A_12, %dma_wait3A_151] : memref<10240x128xf32, #tpu.memory_space<vmem_shared>> -> memref<128x128xf32, #tpu.memory_space<vmem_shared>>
        %dma_wait3A_153 = arith.constant 0 : i32
        %dma_wait3A_154 = tpu.memref_slice %arg2[%add3A_12, %dma_wait3A_153] : memref<10240x128xf32, #tpu.memory_space<hbm>> -> memref<128x128xf32, #tpu.memory_space<hbm>>
        tpu.wait_dma2 semaphore(%run_scoped3A : memref<!tpu.dma_semaphore, #tpu.memory_space<semaphore_mem>>) src(%dma_wait3A_154 : memref<128x128xf32, #tpu.memory_space<hbm>>) dst(%dma_wait3A_152 : memref<128x128xf32, #tpu.memory_space<vmem_shared>>)
        tpu.yield
      }) : () -> ()
    } else {
    }
    %ne3A_18 = arith.constant 0 : i32
    %ne3A_19 = arith.cmpi ne, %arg0, %ne3A_18 : i32
    %convert_element_type3A_20 = arith.extui %ne3A_19 : i1 to i32
    %cond3A_21 = arith.constant 0 : i32
    %cond3A_22 = arith.cmpi ne, %convert_element_type3A_20, %cond3A_21 : i32
    scf.if %cond3A_22 {
      "tpu.region"() ({
        %run_scoped3A = tpu.sem_alloc : memref<!tpu.dma_semaphore, #tpu.memory_space<semaphore_mem>>
        %dma_start3A_147 = arith.constant 0 : i32
        %dma_start3A_148 = tpu.memref_slice %arg11[%add3A_12, %dma_start3A_147] : memref<10240x128xf32, #tpu.memory_space<vmem_shared>> -> memref<128x128xf32, #tpu.memory_space<vmem_shared>>
        tpu.enqueue_dma source(%arg5 : memref<128x128xf32, #tpu.memory_space<hbm>>) target(%dma_start3A_148 : memref<128x128xf32, #tpu.memory_space<vmem_shared>>) target_semaphore(%run_scoped3A : memref<!tpu.dma_semaphore, #tpu.memory_space<semaphore_mem>>)
        %dma_wait3A_149 = arith.constant 0 : i32
        %dma_wait3A_150 = tpu.memref_slice %arg11[%add3A_12, %dma_wait3A_149] : memref<10240x128xf32, #tpu.memory_space<vmem_shared>> -> memref<128x128xf32, #tpu.memory_space<vmem_shared>>
        tpu.wait_dma2 semaphore(%run_scoped3A : memref<!tpu.dma_semaphore, #tpu.memory_space<semaphore_mem>>) src(%arg5 : memref<128x128xf32, #tpu.memory_space<hbm>>) dst(%dma_wait3A_150 : memref<128x128xf32, #tpu.memory_space<vmem_shared>>)
        tpu.yield
      }) : () -> ()
    } else {
    }
    %add3A_23 = arith.constant 256 : i32
    %add3A_24 = arith.addi %mul3A_2, %add3A_23 : i32
    %eq3A_25 = arith.constant 0 : i32
    %eq3A_26 = arith.cmpi eq, %arg0, %eq3A_25 : i32
    %convert_element_type3A_27 = arith.extui %eq3A_26 : i1 to i32
    %cond3A_28 = arith.constant 0 : i32
    %cond3A_29 = arith.cmpi ne, %convert_element_type3A_27, %cond3A_28 : i32
    scf.if %cond3A_29 {
      "tpu.region"() ({
        %run_scoped3A = tpu.sem_alloc : memref<!tpu.dma_semaphore, #tpu.memory_space<semaphore_mem>>
        %dma_start3A_147 = arith.constant 0 : i32
        %dma_start3A_148 = tpu.memref_slice %arg11[%add3A_24, %dma_start3A_147] : memref<10240x128xf32, #tpu.memory_space<vmem_shared>> -> memref<128x128xf32, #tpu.memory_space<vmem_shared>>
        %dma_start3A_149 = arith.constant 0 : i32
        %dma_start3A_150 = tpu.memref_slice %arg2[%add3A_24, %dma_start3A_149] : memref<10240x128xf32, #tpu.memory_space<hbm>> -> memref<128x128xf32, #tpu.memory_space<hbm>>
        tpu.enqueue_dma source(%dma_start3A_150 : memref<128x128xf32, #tpu.memory_space<hbm>>) target(%dma_start3A_148 : memref<128x128xf32, #tpu.memory_space<vmem_shared>>) target_semaphore(%run_scoped3A : memref<!tpu.dma_semaphore, #tpu.memory_space<semaphore_mem>>)
        %dma_wait3A_151 = arith.constant 0 : i32
        %dma_wait3A_152 = tpu.memref_slice %arg11[%add3A_24, %dma_wait3A_151] : memref<10240x128xf32, #tpu.memory_space<vmem_shared>> -> memref<128x128xf32, #tpu.memory_space<vmem_shared>>
        %dma_wait3A_153 = arith.constant 0 : i32
        %dma_wait3A_154 = tpu.memref_slice %arg2[%add3A_24, %dma_wait3A_153] : memref<10240x128xf32, #tpu.memory_space<hbm>> -> memref<128x128xf32, #tpu.memory_space<hbm>>
        tpu.wait_dma2 semaphore(%run_scoped3A : memref<!tpu.dma_semaphore, #tpu.memory_space<semaphore_mem>>) src(%dma_wait3A_154 : memref<128x128xf32, #tpu.memory_space<hbm>>) dst(%dma_wait3A_152 : memref<128x128xf32, #tpu.memory_space<vmem_shared>>)
        tpu.yield
      }) : () -> ()
    } else {
    }
    %ne3A_30 = arith.constant 0 : i32
    %ne3A_31 = arith.cmpi ne, %arg0, %ne3A_30 : i32
    %convert_element_type3A_32 = arith.extui %ne3A_31 : i1 to i32
    %cond3A_33 = arith.constant 0 : i32
    %cond3A_34 = arith.cmpi ne, %convert_element_type3A_32, %cond3A_33 : i32
    scf.if %cond3A_34 {
      "tpu.region"() ({
        %run_scoped3A = tpu.sem_alloc : memref<!tpu.dma_semaphore, #tpu.memory_space<semaphore_mem>>
        %dma_start3A_147 = arith.constant 0 : i32
        %dma_start3A_148 = tpu.memref_slice %arg11[%add3A_24, %dma_start3A_147] : memref<10240x128xf32, #tpu.memory_space<vmem_shared>> -> memref<128x128xf32, #tpu.memory_space<vmem_shared>>
        tpu.enqueue_dma source(%arg5 : memref<128x128xf32, #tpu.memory_space<hbm>>) target(%dma_start3A_148 : memref<128x128xf32, #tpu.memory_space<vmem_shared>>) target_semaphore(%run_scoped3A : memref<!tpu.dma_semaphore, #tpu.memory_space<semaphore_mem>>)
        %dma_wait3A_149 = arith.constant 0 : i32
        %dma_wait3A_150 = tpu.memref_slice %arg11[%add3A_24, %dma_wait3A_149] : memref<10240x128xf32, #tpu.memory_space<vmem_shared>> -> memref<128x128xf32, #tpu.memory_space<vmem_shared>>
        tpu.wait_dma2 semaphore(%run_scoped3A : memref<!tpu.dma_semaphore, #tpu.memory_space<semaphore_mem>>) src(%arg5 : memref<128x128xf32, #tpu.memory_space<hbm>>) dst(%dma_wait3A_150 : memref<128x128xf32, #tpu.memory_space<vmem_shared>>)
        tpu.yield
      }) : () -> ()
    } else {
    }
    %add3A_35 = arith.constant 384 : i32
    %add3A_36 = arith.addi %mul3A_2, %add3A_35 : i32
    %eq3A_37 = arith.constant 0 : i32
    %eq3A_38 = arith.cmpi eq, %arg0, %eq3A_37 : i32
    %convert_element_type3A_39 = arith.extui %eq3A_38 : i1 to i32
    %cond3A_40 = arith.constant 0 : i32
    %cond3A_41 = arith.cmpi ne, %convert_element_type3A_39, %cond3A_40 : i32
    scf.if %cond3A_41 {
      "tpu.region"() ({
        %run_scoped3A = tpu.sem_alloc : memref<!tpu.dma_semaphore, #tpu.memory_space<semaphore_mem>>
        %dma_start3A_147 = arith.constant 0 : i32
        %dma_start3A_148 = tpu.memref_slice %arg11[%add3A_36, %dma_start3A_147] : memref<10240x128xf32, #tpu.memory_space<vmem_shared>> -> memref<128x128xf32, #tpu.memory_space<vmem_shared>>
        %dma_start3A_149 = arith.constant 0 : i32
        %dma_start3A_150 = tpu.memref_slice %arg2[%add3A_36, %dma_start3A_149] : memref<10240x128xf32, #tpu.memory_space<hbm>> -> memref<128x128xf32, #tpu.memory_space<hbm>>
        tpu.enqueue_dma source(%dma_start3A_150 : memref<128x128xf32, #tpu.memory_space<hbm>>) target(%dma_start3A_148 : memref<128x128xf32, #tpu.memory_space<vmem_shared>>) target_semaphore(%run_scoped3A : memref<!tpu.dma_semaphore, #tpu.memory_space<semaphore_mem>>)
        %dma_wait3A_151 = arith.constant 0 : i32
        %dma_wait3A_152 = tpu.memref_slice %arg11[%add3A_36, %dma_wait3A_151] : memref<10240x128xf32, #tpu.memory_space<vmem_shared>> -> memref<128x128xf32, #tpu.memory_space<vmem_shared>>
        %dma_wait3A_153 = arith.constant 0 : i32
        %dma_wait3A_154 = tpu.memref_slice %arg2[%add3A_36, %dma_wait3A_153] : memref<10240x128xf32, #tpu.memory_space<hbm>> -> memref<128x128xf32, #tpu.memory_space<hbm>>
        tpu.wait_dma2 semaphore(%run_scoped3A : memref<!tpu.dma_semaphore, #tpu.memory_space<semaphore_mem>>) src(%dma_wait3A_154 : memref<128x128xf32, #tpu.memory_space<hbm>>) dst(%dma_wait3A_152 : memref<128x128xf32, #tpu.memory_space<vmem_shared>>)
        tpu.yield
      }) : () -> ()
    } else {
    }
    %ne3A_42 = arith.constant 0 : i32
    %ne3A_43 = arith.cmpi ne, %arg0, %ne3A_42 : i32
    %convert_element_type3A_44 = arith.extui %ne3A_43 : i1 to i32
    %cond3A_45 = arith.constant 0 : i32
    %cond3A_46 = arith.cmpi ne, %convert_element_type3A_44, %cond3A_45 : i32
    scf.if %cond3A_46 {
      "tpu.region"() ({
        %run_scoped3A = tpu.sem_alloc : memref<!tpu.dma_semaphore, #tpu.memory_space<semaphore_mem>>
        %dma_start3A_147 = arith.constant 0 : i32
        %dma_start3A_148 = tpu.memref_slice %arg11[%add3A_36, %dma_start3A_147] : memref<10240x128xf32, #tpu.memory_space<vmem_shared>> -> memref<128x128xf32, #tpu.memory_space<vmem_shared>>
        tpu.enqueue_dma source(%arg5 : memref<128x128xf32, #tpu.memory_space<hbm>>) target(%dma_start3A_148 : memref<128x128xf32, #tpu.memory_space<vmem_shared>>) target_semaphore(%run_scoped3A : memref<!tpu.dma_semaphore, #tpu.memory_space<semaphore_mem>>)
        %dma_wait3A_149 = arith.constant 0 : i32
        %dma_wait3A_150 = tpu.memref_slice %arg11[%add3A_36, %dma_wait3A_149] : memref<10240x128xf32, #tpu.memory_space<vmem_shared>> -> memref<128x128xf32, #tpu.memory_space<vmem_shared>>
        tpu.wait_dma2 semaphore(%run_scoped3A : memref<!tpu.dma_semaphore, #tpu.memory_space<semaphore_mem>>) src(%arg5 : memref<128x128xf32, #tpu.memory_space<hbm>>) dst(%dma_wait3A_150 : memref<128x128xf32, #tpu.memory_space<vmem_shared>>)
        tpu.yield
      }) : () -> ()
    } else {
    }
    %add3A_47 = arith.constant 512 : i32
    %add3A_48 = arith.addi %mul3A_2, %add3A_47 : i32
    %eq3A_49 = arith.constant 0 : i32
    %eq3A_50 = arith.cmpi eq, %arg0, %eq3A_49 : i32
    %convert_element_type3A_51 = arith.extui %eq3A_50 : i1 to i32
    %cond3A_52 = arith.constant 0 : i32
    %cond3A_53 = arith.cmpi ne, %convert_element_type3A_51, %cond3A_52 : i32
    scf.if %cond3A_53 {
      "tpu.region"() ({
        %run_scoped3A = tpu.sem_alloc : memref<!tpu.dma_semaphore, #tpu.memory_space<semaphore_mem>>
        %dma_start3A_147 = arith.constant 0 : i32
        %dma_start3A_148 = tpu.memref_slice %arg11[%add3A_48, %dma_start3A_147] : memref<10240x128xf32, #tpu.memory_space<vmem_shared>> -> memref<128x128xf32, #tpu.memory_space<vmem_shared>>
        %dma_start3A_149 = arith.constant 0 : i32
        %dma_start3A_150 = tpu.memref_slice %arg2[%add3A_48, %dma_start3A_149] : memref<10240x128xf32, #tpu.memory_space<hbm>> -> memref<128x128xf32, #tpu.memory_space<hbm>>
        tpu.enqueue_dma source(%dma_start3A_150 : memref<128x128xf32, #tpu.memory_space<hbm>>) target(%dma_start3A_148 : memref<128x128xf32, #tpu.memory_space<vmem_shared>>) target_semaphore(%run_scoped3A : memref<!tpu.dma_semaphore, #tpu.memory_space<semaphore_mem>>)
        %dma_wait3A_151 = arith.constant 0 : i32
        %dma_wait3A_152 = tpu.memref_slice %arg11[%add3A_48, %dma_wait3A_151] : memref<10240x128xf32, #tpu.memory_space<vmem_shared>> -> memref<128x128xf32, #tpu.memory_space<vmem_shared>>
        %dma_wait3A_153 = arith.constant 0 : i32
        %dma_wait3A_154 = tpu.memref_slice %arg2[%add3A_48, %dma_wait3A_153] : memref<10240x128xf32, #tpu.memory_space<hbm>> -> memref<128x128xf32, #tpu.memory_space<hbm>>
        tpu.wait_dma2 semaphore(%run_scoped3A : memref<!tpu.dma_semaphore, #tpu.memory_space<semaphore_mem>>) src(%dma_wait3A_154 : memref<128x128xf32, #tpu.memory_space<hbm>>) dst(%dma_wait3A_152 : memref<128x128xf32, #tpu.memory_space<vmem_shared>>)
        tpu.yield
      }) : () -> ()
    } else {
    }
    %ne3A_54 = arith.constant 0 : i32
    %ne3A_55 = arith.cmpi ne, %arg0, %ne3A_54 : i32
    %convert_element_type3A_56 = arith.extui %ne3A_55 : i1 to i32
    %cond3A_57 = arith.constant 0 : i32
    %cond3A_58 = arith.cmpi ne, %convert_element_type3A_56, %cond3A_57 : i32
    scf.if %cond3A_58 {
      "tpu.region"() ({
        %run_scoped3A = tpu.sem_alloc : memref<!tpu.dma_semaphore, #tpu.memory_space<semaphore_mem>>
        %dma_start3A_147 = arith.constant 0 : i32
        %dma_start3A_148 = tpu.memref_slice %arg11[%add3A_48, %dma_start3A_147] : memref<10240x128xf32, #tpu.memory_space<vmem_shared>> -> memref<128x128xf32, #tpu.memory_space<vmem_shared>>
        tpu.enqueue_dma source(%arg5 : memref<128x128xf32, #tpu.memory_space<hbm>>) target(%dma_start3A_148 : memref<128x128xf32, #tpu.memory_space<vmem_shared>>) target_semaphore(%run_scoped3A : memref<!tpu.dma_semaphore, #tpu.memory_space<semaphore_mem>>)
        %dma_wait3A_149 = arith.constant 0 : i32
        %dma_wait3A_150 = tpu.memref_slice %arg11[%add3A_48, %dma_wait3A_149] : memref<10240x128xf32, #tpu.memory_space<vmem_shared>> -> memref<128x128xf32, #tpu.memory_space<vmem_shared>>
        tpu.wait_dma2 semaphore(%run_scoped3A : memref<!tpu.dma_semaphore, #tpu.memory_space<semaphore_mem>>) src(%arg5 : memref<128x128xf32, #tpu.memory_space<hbm>>) dst(%dma_wait3A_150 : memref<128x128xf32, #tpu.memory_space<vmem_shared>>)
        tpu.yield
      }) : () -> ()
    } else {
    }
    %mul3A_59 = arith.constant 10000 : i32
    %mul3A_60 = arith.muli %add3A, %mul3A_59 : i32
    "tpu.region"() ({
      %run_scoped3A = tpu.sem_alloc : memref<!tpu.dma_semaphore, #tpu.memory_space<semaphore_mem>>
      %dma_start3A_147 = tpu.memref_slice %arg3[%mul3A_60] : memref<320000xi32, #tpu.memory_space<hbm>> -> memref<10000xi32, #tpu.memory_space<hbm>>
      %dma_start3A_148 = tpu.memref_slice %arg3[%mul3A_60] : memref<320000xi32, #tpu.memory_space<hbm>> -> memref<10000xi32, #tpu.memory_space<hbm>>
      tpu.enqueue_dma source(%dma_start3A_148 : memref<10000xi32, #tpu.memory_space<hbm>>) target(%arg7 : memref<10000xi32, #tpu.memory_space<vmem>>) target_semaphore(%run_scoped3A : memref<!tpu.dma_semaphore, #tpu.memory_space<semaphore_mem>>)
      %dma_wait3A_149 = tpu.memref_slice %arg3[%mul3A_60] : memref<320000xi32, #tpu.memory_space<hbm>> -> memref<10000xi32, #tpu.memory_space<hbm>>
      %dma_wait3A_150 = tpu.memref_slice %arg3[%mul3A_60] : memref<320000xi32, #tpu.memory_space<hbm>> -> memref<10000xi32, #tpu.memory_space<hbm>>
      tpu.wait_dma2 semaphore(%run_scoped3A : memref<!tpu.dma_semaphore, #tpu.memory_space<semaphore_mem>>) src(%dma_wait3A_150 : memref<10000xi32, #tpu.memory_space<hbm>>) dst(%arg7 : memref<10000xi32, #tpu.memory_space<vmem>>)
      tpu.yield
    }) : () -> ()
    "tpu.region"() ({
      %run_scoped3A = tpu.sem_alloc : memref<!tpu.dma_semaphore, #tpu.memory_space<semaphore_mem>>
      %dma_start3A_147 = arith.constant 0 : i32
      %dma_start3A_148 = arith.constant 0 : i32
      %dma_start3A_149 = tpu.memref_slice %arg4[%add3A, %dma_start3A_147, %dma_start3A_148] : memref<32x125x80xi32, #tpu.memory_space<hbm>> -> memref<1x125x80xi32, #tpu.memory_space<hbm>>
      %dma_start3A_150 = tpu.memref_squeeze %dma_start3A_149 : memref<1x125x80xi32, #tpu.memory_space<hbm>> -> memref<125x80xi32, #tpu.memory_space<hbm>>
      %dma_start3A_151 = arith.constant 0 : i32
      %dma_start3A_152 = arith.constant 0 : i32
      %dma_start3A_153 = tpu.memref_slice %arg4[%add3A, %dma_start3A_151, %dma_start3A_152] : memref<32x125x80xi32, #tpu.memory_space<hbm>> -> memref<1x125x80xi32, #tpu.memory_space<hbm>>
      %dma_start3A_154 = tpu.memref_squeeze %dma_start3A_153 : memref<1x125x80xi32, #tpu.memory_space<hbm>> -> memref<125x80xi32, #tpu.memory_space<hbm>>
      tpu.enqueue_dma source(%dma_start3A_154 : memref<125x80xi32, #tpu.memory_space<hbm>>) target(%arg8 : memref<125x80xi32, #tpu.memory_space<vmem>>) target_semaphore(%run_scoped3A : memref<!tpu.dma_semaphore, #tpu.memory_space<semaphore_mem>>)
      %dma_wait3A_155 = arith.constant 0 : i32
      %dma_wait3A_156 = arith.constant 0 : i32
      %dma_wait3A_157 = tpu.memref_slice %arg4[%add3A, %dma_wait3A_155, %dma_wait3A_156] : memref<32x125x80xi32, #tpu.memory_space<hbm>> -> memref<1x125x80xi32, #tpu.memory_space<hbm>>
      %dma_wait3A_158 = tpu.memref_squeeze %dma_wait3A_157 : memref<1x125x80xi32, #tpu.memory_space<hbm>> -> memref<125x80xi32, #tpu.memory_space<hbm>>
      %dma_wait3A_159 = arith.constant 0 : i32
      %dma_wait3A_160 = arith.constant 0 : i32
      %dma_wait3A_161 = tpu.memref_slice %arg4[%add3A, %dma_wait3A_159, %dma_wait3A_160] : memref<32x125x80xi32, #tpu.memory_space<hbm>> -> memref<1x125x80xi32, #tpu.memory_space<hbm>>
      %dma_wait3A_162 = tpu.memref_squeeze %dma_wait3A_161 : memref<1x125x80xi32, #tpu.memory_space<hbm>> -> memref<125x80xi32, #tpu.memory_space<hbm>>
      tpu.wait_dma2 semaphore(%run_scoped3A : memref<!tpu.dma_semaphore, #tpu.memory_space<semaphore_mem>>) src(%dma_wait3A_162 : memref<125x80xi32, #tpu.memory_space<hbm>>) dst(%arg8 : memref<125x80xi32, #tpu.memory_space<vmem>>)
      tpu.yield
    }) : () -> ()
    %barrier3A = arith.constant 0 : index
    tpu.barrier barrier_id(%barrier3A)
    %dma_start3A = arith.constant 0 : i32
    %dma_start3A_61 = tpu.memref_slice %arg7[%dma_start3A] : memref<10000xi32, #tpu.memory_space<vmem>> -> memref<80xi32, #tpu.memory_space<vmem>>
    %dma_start3A_62 = arith.constant 0 : i32
    %dma_start3A_63 = arith.constant 0 : i32
    %dma_start3A_64 = tpu.memref_slice %arg2[%dma_start3A_62, %dma_start3A_63] : memref<10240x128xf32, #tpu.memory_space<hbm>> -> memref<10240x128xf32, #tpu.memory_space<hbm>>
    tpu.enqueue_indirect_dma source(%dma_start3A_64 : memref<10240x128xf32, #tpu.memory_space<hbm>>) target(%arg9 : memref<80x128xf32, #tpu.memory_space<vmem>>) offsets(%dma_start3A_61 : memref<80xi32, #tpu.memory_space<vmem>>) semaphore(%arg12 : memref<!tpu.dma_semaphore, #tpu.memory_space<semaphore_mem>>)
    %dma_wait3A = arith.constant 0 : i32
    %dma_wait3A_65 = tpu.memref_slice %arg7[%dma_wait3A] : memref<10000xi32, #tpu.memory_space<vmem>> -> memref<80xi32, #tpu.memory_space<vmem>>
    %dma_wait3A_66 = arith.constant 0 : i32
    %dma_wait3A_67 = arith.constant 0 : i32
    %dma_wait3A_68 = tpu.memref_slice %arg2[%dma_wait3A_66, %dma_wait3A_67] : memref<10240x128xf32, #tpu.memory_space<hbm>> -> memref<10240x128xf32, #tpu.memory_space<hbm>>
    tpu.wait_indirect_dma semaphore(%arg12 : memref<!tpu.dma_semaphore, #tpu.memory_space<semaphore_mem>>) src(%dma_wait3A_68 : memref<10240x128xf32, #tpu.memory_space<hbm>>) dst(%arg9 : memref<80x128xf32, #tpu.memory_space<vmem>>)
    %dma_start3A_69 = arith.constant 0 : i32
    %dma_start3A_70 = arith.constant 0 : i32
    %dma_start3A_71 = tpu.memref_slice %arg8[%dma_start3A_69, %dma_start3A_70] : memref<125x80xi32, #tpu.memory_space<vmem>> -> memref<1x80xi32, #tpu.memory_space<vmem>>
    %dma_start3A_72 = tpu.memref_squeeze %dma_start3A_71 : memref<1x80xi32, #tpu.memory_space<vmem>> -> memref<80xi32, #tpu.memory_space<vmem>>
    %dma_start3A_73 = arith.constant 0 : i32
    %dma_start3A_74 = arith.constant 0 : i32
    %dma_start3A_75 = tpu.memref_slice %arg11[%dma_start3A_73, %dma_start3A_74] : memref<10240x128xf32, #tpu.memory_space<vmem_shared>> -> memref<10240x128xf32, #tpu.memory_space<vmem_shared>>
    tpu.enqueue_indirect_dma source(%arg9 : memref<80x128xf32, #tpu.memory_space<vmem>>) target(%dma_start3A_75 : memref<10240x128xf32, #tpu.memory_space<vmem_shared>>) offsets(%dma_start3A_72 : memref<80xi32, #tpu.memory_space<vmem>>) semaphore(%arg14 : memref<!tpu.dma_semaphore, #tpu.memory_space<semaphore_mem>>) {add = true}
    %dma_start3A_76 = arith.constant 80 : i32
    %dma_start3A_77 = tpu.memref_slice %arg7[%dma_start3A_76] : memref<10000xi32, #tpu.memory_space<vmem>> -> memref<80xi32, #tpu.memory_space<vmem>>
    %dma_start3A_78 = arith.constant 0 : i32
    %dma_start3A_79 = arith.constant 0 : i32
    %dma_start3A_80 = tpu.memref_slice %arg2[%dma_start3A_78, %dma_start3A_79] : memref<10240x128xf32, #tpu.memory_space<hbm>> -> memref<10240x128xf32, #tpu.memory_space<hbm>>
    tpu.enqueue_indirect_dma source(%dma_start3A_80 : memref<10240x128xf32, #tpu.memory_space<hbm>>) target(%arg10 : memref<80x128xf32, #tpu.memory_space<vmem>>) offsets(%dma_start3A_77 : memref<80xi32, #tpu.memory_space<vmem>>) semaphore(%arg13 : memref<!tpu.dma_semaphore, #tpu.memory_space<semaphore_mem>>)
    %scan3A = arith.constant 0 : i32
    %scan3A_81 = arith.constant 0 : i32
    %scan3A_82 = arith.constant 61 : i32
    %scan3A_83 = arith.addi %scan3A_81, %scan3A_82 : i32
    %scan3A_84 = arith.constant 1 : i32
    scf.for %scan3A_147 = %scan3A_81 to %scan3A_83 step %scan3A_84  : i32 {
      %mul3A_148 = arith.constant 2 : i32
      %mul3A_149 = arith.muli %mul3A_148, %scan3A_147 : i32
      %add3A_150 = arith.constant 1 : i32
      %add3A_151 = arith.addi %mul3A_149, %add3A_150 : i32
      %mul3A_152 = arith.constant 80 : i32
      %mul3A_153 = arith.muli %add3A_151, %mul3A_152 : i32
      %dma_wait3A_154 = tpu.memref_slice %arg7[%mul3A_153] : memref<10000xi32, #tpu.memory_space<vmem>> -> memref<80xi32, #tpu.memory_space<vmem>>
      %dma_wait3A_155 = arith.constant 0 : i32
      %dma_wait3A_156 = arith.constant 0 : i32
      %dma_wait3A_157 = tpu.memref_slice %arg2[%dma_wait3A_155, %dma_wait3A_156] : memref<10240x128xf32, #tpu.memory_space<hbm>> -> memref<10240x128xf32, #tpu.memory_space<hbm>>
      tpu.wait_indirect_dma semaphore(%arg13 : memref<!tpu.dma_semaphore, #tpu.memory_space<semaphore_mem>>) src(%dma_wait3A_157 : memref<10240x128xf32, #tpu.memory_space<hbm>>) dst(%arg10 : memref<80x128xf32, #tpu.memory_space<vmem>>)
      %add3A_158 = arith.constant 1 : i32
      %add3A_159 = arith.addi %mul3A_149, %add3A_158 : i32
      %dma_start3A_160 = arith.constant 0 : i32
      %dma_start3A_161 = tpu.memref_slice %arg8[%add3A_159, %dma_start3A_160] : memref<125x80xi32, #tpu.memory_space<vmem>> -> memref<1x80xi32, #tpu.memory_space<vmem>>
      %dma_start3A_162 = tpu.memref_squeeze %dma_start3A_161 : memref<1x80xi32, #tpu.memory_space<vmem>> -> memref<80xi32, #tpu.memory_space<vmem>>
      %dma_start3A_163 = arith.constant 0 : i32
      %dma_start3A_164 = arith.constant 0 : i32
      %dma_start3A_165 = tpu.memref_slice %arg11[%dma_start3A_163, %dma_start3A_164] : memref<10240x128xf32, #tpu.memory_space<vmem_shared>> -> memref<10240x128xf32, #tpu.memory_space<vmem_shared>>
      tpu.enqueue_indirect_dma source(%arg10 : memref<80x128xf32, #tpu.memory_space<vmem>>) target(%dma_start3A_165 : memref<10240x128xf32, #tpu.memory_space<vmem_shared>>) offsets(%dma_start3A_162 : memref<80xi32, #tpu.memory_space<vmem>>) semaphore(%arg15 : memref<!tpu.dma_semaphore, #tpu.memory_space<semaphore_mem>>) {add = true}
      %dma_wait3A_166 = arith.constant 0 : i32
      %dma_wait3A_167 = tpu.memref_slice %arg8[%mul3A_149, %dma_wait3A_166] : memref<125x80xi32, #tpu.memory_space<vmem>> -> memref<1x80xi32, #tpu.memory_space<vmem>>
      %dma_wait3A_168 = tpu.memref_squeeze %dma_wait3A_167 : memref<1x80xi32, #tpu.memory_space<vmem>> -> memref<80xi32, #tpu.memory_space<vmem>>
      %dma_wait3A_169 = arith.constant 0 : i32
      %dma_wait3A_170 = arith.constant 0 : i32
      %dma_wait3A_171 = tpu.memref_slice %arg11[%dma_wait3A_169, %dma_wait3A_170] : memref<10240x128xf32, #tpu.memory_space<vmem_shared>> -> memref<10240x128xf32, #tpu.memory_space<vmem_shared>>
      tpu.wait_indirect_dma semaphore(%arg14 : memref<!tpu.dma_semaphore, #tpu.memory_space<semaphore_mem>>) src(%arg9 : memref<80x128xf32, #tpu.memory_space<vmem>>) dst(%dma_wait3A_171 : memref<10240x128xf32, #tpu.memory_space<vmem_shared>>)
      %add3A_172 = arith.constant 2 : i32
      %add3A_173 = arith.addi %mul3A_149, %add3A_172 : i32
      %mul3A_174 = arith.constant 80 : i32
      %mul3A_175 = arith.muli %add3A_173, %mul3A_174 : i32
      %dma_start3A_176 = tpu.memref_slice %arg7[%mul3A_175] : memref<10000xi32, #tpu.memory_space<vmem>> -> memref<80xi32, #tpu.memory_space<vmem>>
      %dma_start3A_177 = arith.constant 0 : i32
      %dma_start3A_178 = arith.constant 0 : i32
      %dma_start3A_179 = tpu.memref_slice %arg2[%dma_start3A_177, %dma_start3A_178] : memref<10240x128xf32, #tpu.memory_space<hbm>> -> memref<10240x128xf32, #tpu.memory_space<hbm>>
      tpu.enqueue_indirect_dma source(%dma_start3A_179 : memref<10240x128xf32, #tpu.memory_space<hbm>>) target(%arg9 : memref<80x128xf32, #tpu.memory_space<vmem>>) offsets(%dma_start3A_176 : memref<80xi32, #tpu.memory_space<vmem>>) semaphore(%arg12 : memref<!tpu.dma_semaphore, #tpu.memory_space<semaphore_mem>>)
      %add3A_180 = arith.constant 2 : i32
      %add3A_181 = arith.addi %mul3A_149, %add3A_180 : i32
      %mul3A_182 = arith.constant 80 : i32
      %mul3A_183 = arith.muli %add3A_181, %mul3A_182 : i32
      %dma_wait3A_184 = tpu.memref_slice %arg7[%mul3A_183] : memref<10000xi32, #tpu.memory_space<vmem>> -> memref<80xi32, #tpu.memory_space<vmem>>
      %dma_wait3A_185 = arith.constant 0 : i32
      %dma_wait3A_186 = arith.constant 0 : i32
      %dma_wait3A_187 = tpu.memref_slice %arg2[%dma_wait3A_185, %dma_wait3A_186] : memref<10240x128xf32, #tpu.memory_space<hbm>> -> memref<10240x128xf32, #tpu.memory_space<hbm>>
      tpu.wait_indirect_dma semaphore(%arg12 : memref<!tpu.dma_semaphore, #tpu.memory_space<semaphore_mem>>) src(%dma_wait3A_187 : memref<10240x128xf32, #tpu.memory_space<hbm>>) dst(%arg9 : memref<80x128xf32, #tpu.memory_space<vmem>>)
      %add3A_188 = arith.constant 2 : i32
      %add3A_189 = arith.addi %mul3A_149, %add3A_188 : i32
      %dma_start3A_190 = arith.constant 0 : i32
      %dma_start3A_191 = tpu.memref_slice %arg8[%add3A_189, %dma_start3A_190] : memref<125x80xi32, #tpu.memory_space<vmem>> -> memref<1x80xi32, #tpu.memory_space<vmem>>
      %dma_start3A_192 = tpu.memref_squeeze %dma_start3A_191 : memref<1x80xi32, #tpu.memory_space<vmem>> -> memref<80xi32, #tpu.memory_space<vmem>>
      %dma_start3A_193 = arith.constant 0 : i32
      %dma_start3A_194 = arith.constant 0 : i32
      %dma_start3A_195 = tpu.memref_slice %arg11[%dma_start3A_193, %dma_start3A_194] : memref<10240x128xf32, #tpu.memory_space<vmem_shared>> -> memref<10240x128xf32, #tpu.memory_space<vmem_shared>>
      tpu.enqueue_indirect_dma source(%arg9 : memref<80x128xf32, #tpu.memory_space<vmem>>) target(%dma_start3A_195 : memref<10240x128xf32, #tpu.memory_space<vmem_shared>>) offsets(%dma_start3A_192 : memref<80xi32, #tpu.memory_space<vmem>>) semaphore(%arg14 : memref<!tpu.dma_semaphore, #tpu.memory_space<semaphore_mem>>) {add = true}
      %add3A_196 = arith.constant 1 : i32
      %add3A_197 = arith.addi %mul3A_149, %add3A_196 : i32
      %dma_wait3A_198 = arith.constant 0 : i32
      %dma_wait3A_199 = tpu.memref_slice %arg8[%add3A_197, %dma_wait3A_198] : memref<125x80xi32, #tpu.memory_space<vmem>> -> memref<1x80xi32, #tpu.memory_space<vmem>>
      %dma_wait3A_200 = tpu.memref_squeeze %dma_wait3A_199 : memref<1x80xi32, #tpu.memory_space<vmem>> -> memref<80xi32, #tpu.memory_space<vmem>>
      %dma_wait3A_201 = arith.constant 0 : i32
      %dma_wait3A_202 = arith.constant 0 : i32
      %dma_wait3A_203 = tpu.memref_slice %arg11[%dma_wait3A_201, %dma_wait3A_202] : memref<10240x128xf32, #tpu.memory_space<vmem_shared>> -> memref<10240x128xf32, #tpu.memory_space<vmem_shared>>
      tpu.wait_indirect_dma semaphore(%arg15 : memref<!tpu.dma_semaphore, #tpu.memory_space<semaphore_mem>>) src(%arg10 : memref<80x128xf32, #tpu.memory_space<vmem>>) dst(%dma_wait3A_203 : memref<10240x128xf32, #tpu.memory_space<vmem_shared>>)
      %add3A_204 = arith.constant 3 : i32
      %add3A_205 = arith.addi %mul3A_149, %add3A_204 : i32
      %mul3A_206 = arith.constant 80 : i32
      %mul3A_207 = arith.muli %add3A_205, %mul3A_206 : i32
      %dma_start3A_208 = tpu.memref_slice %arg7[%mul3A_207] : memref<10000xi32, #tpu.memory_space<vmem>> -> memref<80xi32, #tpu.memory_space<vmem>>
      %dma_start3A_209 = arith.constant 0 : i32
      %dma_start3A_210 = arith.constant 0 : i32
      %dma_start3A_211 = tpu.memref_slice %arg2[%dma_start3A_209, %dma_start3A_210] : memref<10240x128xf32, #tpu.memory_space<hbm>> -> memref<10240x128xf32, #tpu.memory_space<hbm>>
      tpu.enqueue_indirect_dma source(%dma_start3A_211 : memref<10240x128xf32, #tpu.memory_space<hbm>>) target(%arg10 : memref<80x128xf32, #tpu.memory_space<vmem>>) offsets(%dma_start3A_208 : memref<80xi32, #tpu.memory_space<vmem>>) semaphore(%arg13 : memref<!tpu.dma_semaphore, #tpu.memory_space<semaphore_mem>>)
    }
    %scan3A_85 = arith.constant 61 : i32
    %dma_wait3A_86 = arith.constant 9840 : i32
    %dma_wait3A_87 = tpu.memref_slice %arg7[%dma_wait3A_86] : memref<10000xi32, #tpu.memory_space<vmem>> -> memref<80xi32, #tpu.memory_space<vmem>>
    %dma_wait3A_88 = arith.constant 0 : i32
    %dma_wait3A_89 = arith.constant 0 : i32
    %dma_wait3A_90 = tpu.memref_slice %arg2[%dma_wait3A_88, %dma_wait3A_89] : memref<10240x128xf32, #tpu.memory_space<hbm>> -> memref<10240x128xf32, #tpu.memory_space<hbm>>
    tpu.wait_indirect_dma semaphore(%arg13 : memref<!tpu.dma_semaphore, #tpu.memory_space<semaphore_mem>>) src(%dma_wait3A_90 : memref<10240x128xf32, #tpu.memory_space<hbm>>) dst(%arg10 : memref<80x128xf32, #tpu.memory_space<vmem>>)
    %dma_start3A_91 = arith.constant 123 : i32
    %dma_start3A_92 = arith.constant 0 : i32
    %dma_start3A_93 = tpu.memref_slice %arg8[%dma_start3A_91, %dma_start3A_92] : memref<125x80xi32, #tpu.memory_space<vmem>> -> memref<1x80xi32, #tpu.memory_space<vmem>>
    %dma_start3A_94 = tpu.memref_squeeze %dma_start3A_93 : memref<1x80xi32, #tpu.memory_space<vmem>> -> memref<80xi32, #tpu.memory_space<vmem>>
    %dma_start3A_95 = arith.constant 0 : i32
    %dma_start3A_96 = arith.constant 0 : i32
    %dma_start3A_97 = tpu.memref_slice %arg11[%dma_start3A_95, %dma_start3A_96] : memref<10240x128xf32, #tpu.memory_space<vmem_shared>> -> memref<10240x128xf32, #tpu.memory_space<vmem_shared>>
    tpu.enqueue_indirect_dma source(%arg10 : memref<80x128xf32, #tpu.memory_space<vmem>>) target(%dma_start3A_97 : memref<10240x128xf32, #tpu.memory_space<vmem_shared>>) offsets(%dma_start3A_94 : memref<80xi32, #tpu.memory_space<vmem>>) semaphore(%arg15 : memref<!tpu.dma_semaphore, #tpu.memory_space<semaphore_mem>>) {add = true}
    %dma_wait3A_98 = arith.constant 122 : i32
    %dma_wait3A_99 = arith.constant 0 : i32
    %dma_wait3A_100 = tpu.memref_slice %arg8[%dma_wait3A_98, %dma_wait3A_99] : memref<125x80xi32, #tpu.memory_space<vmem>> -> memref<1x80xi32, #tpu.memory_space<vmem>>
    %dma_wait3A_101 = tpu.memref_squeeze %dma_wait3A_100 : memref<1x80xi32, #tpu.memory_space<vmem>> -> memref<80xi32, #tpu.memory_space<vmem>>
    %dma_wait3A_102 = arith.constant 0 : i32
    %dma_wait3A_103 = arith.constant 0 : i32
    %dma_wait3A_104 = tpu.memref_slice %arg11[%dma_wait3A_102, %dma_wait3A_103] : memref<10240x128xf32, #tpu.memory_space<vmem_shared>> -> memref<10240x128xf32, #tpu.memory_space<vmem_shared>>
    tpu.wait_indirect_dma semaphore(%arg14 : memref<!tpu.dma_semaphore, #tpu.memory_space<semaphore_mem>>) src(%arg9 : memref<80x128xf32, #tpu.memory_space<vmem>>) dst(%dma_wait3A_104 : memref<10240x128xf32, #tpu.memory_space<vmem_shared>>)
    %dma_start3A_105 = arith.constant 9920 : i32
    %dma_start3A_106 = tpu.memref_slice %arg7[%dma_start3A_105] : memref<10000xi32, #tpu.memory_space<vmem>> -> memref<80xi32, #tpu.memory_space<vmem>>
    %dma_start3A_107 = arith.constant 0 : i32
    %dma_start3A_108 = arith.constant 0 : i32
    %dma_start3A_109 = tpu.memref_slice %arg2[%dma_start3A_107, %dma_start3A_108] : memref<10240x128xf32, #tpu.memory_space<hbm>> -> memref<10240x128xf32, #tpu.memory_space<hbm>>
    tpu.enqueue_indirect_dma source(%dma_start3A_109 : memref<10240x128xf32, #tpu.memory_space<hbm>>) target(%arg9 : memref<80x128xf32, #tpu.memory_space<vmem>>) offsets(%dma_start3A_106 : memref<80xi32, #tpu.memory_space<vmem>>) semaphore(%arg12 : memref<!tpu.dma_semaphore, #tpu.memory_space<semaphore_mem>>)
    %dma_wait3A_110 = arith.constant 9920 : i32
    %dma_wait3A_111 = tpu.memref_slice %arg7[%dma_wait3A_110] : memref<10000xi32, #tpu.memory_space<vmem>> -> memref<80xi32, #tpu.memory_space<vmem>>
    %dma_wait3A_112 = arith.constant 0 : i32
    %dma_wait3A_113 = arith.constant 0 : i32
    %dma_wait3A_114 = tpu.memref_slice %arg2[%dma_wait3A_112, %dma_wait3A_113] : memref<10240x128xf32, #tpu.memory_space<hbm>> -> memref<10240x128xf32, #tpu.memory_space<hbm>>
    tpu.wait_indirect_dma semaphore(%arg12 : memref<!tpu.dma_semaphore, #tpu.memory_space<semaphore_mem>>) src(%dma_wait3A_114 : memref<10240x128xf32, #tpu.memory_space<hbm>>) dst(%arg9 : memref<80x128xf32, #tpu.memory_space<vmem>>)
    %dma_start3A_115 = arith.constant 124 : i32
    %dma_start3A_116 = arith.constant 0 : i32
    %dma_start3A_117 = tpu.memref_slice %arg8[%dma_start3A_115, %dma_start3A_116] : memref<125x80xi32, #tpu.memory_space<vmem>> -> memref<1x80xi32, #tpu.memory_space<vmem>>
    %dma_start3A_118 = tpu.memref_squeeze %dma_start3A_117 : memref<1x80xi32, #tpu.memory_space<vmem>> -> memref<80xi32, #tpu.memory_space<vmem>>
    %dma_start3A_119 = arith.constant 0 : i32
    %dma_start3A_120 = arith.constant 0 : i32
    %dma_start3A_121 = tpu.memref_slice %arg11[%dma_start3A_119, %dma_start3A_120] : memref<10240x128xf32, #tpu.memory_space<vmem_shared>> -> memref<10240x128xf32, #tpu.memory_space<vmem_shared>>
    tpu.enqueue_indirect_dma source(%arg9 : memref<80x128xf32, #tpu.memory_space<vmem>>) target(%dma_start3A_121 : memref<10240x128xf32, #tpu.memory_space<vmem_shared>>) offsets(%dma_start3A_118 : memref<80xi32, #tpu.memory_space<vmem>>) semaphore(%arg14 : memref<!tpu.dma_semaphore, #tpu.memory_space<semaphore_mem>>) {add = true}
    %dma_wait3A_122 = arith.constant 123 : i32
    %dma_wait3A_123 = arith.constant 0 : i32
    %dma_wait3A_124 = tpu.memref_slice %arg8[%dma_wait3A_122, %dma_wait3A_123] : memref<125x80xi32, #tpu.memory_space<vmem>> -> memref<1x80xi32, #tpu.memory_space<vmem>>
    %dma_wait3A_125 = tpu.memref_squeeze %dma_wait3A_124 : memref<1x80xi32, #tpu.memory_space<vmem>> -> memref<80xi32, #tpu.memory_space<vmem>>
    %dma_wait3A_126 = arith.constant 0 : i32
    %dma_wait3A_127 = arith.constant 0 : i32
    %dma_wait3A_128 = tpu.memref_slice %arg11[%dma_wait3A_126, %dma_wait3A_127] : memref<10240x128xf32, #tpu.memory_space<vmem_shared>> -> memref<10240x128xf32, #tpu.memory_space<vmem_shared>>
    tpu.wait_indirect_dma semaphore(%arg15 : memref<!tpu.dma_semaphore, #tpu.memory_space<semaphore_mem>>) src(%arg10 : memref<80x128xf32, #tpu.memory_space<vmem>>) dst(%dma_wait3A_128 : memref<10240x128xf32, #tpu.memory_space<vmem_shared>>)
    %dma_wait3A_129 = arith.constant 124 : i32
    %dma_wait3A_130 = arith.constant 0 : i32
    %dma_wait3A_131 = tpu.memref_slice %arg8[%dma_wait3A_129, %dma_wait3A_130] : memref<125x80xi32, #tpu.memory_space<vmem>> -> memref<1x80xi32, #tpu.memory_space<vmem>>
    %dma_wait3A_132 = tpu.memref_squeeze %dma_wait3A_131 : memref<1x80xi32, #tpu.memory_space<vmem>> -> memref<80xi32, #tpu.memory_space<vmem>>
    %dma_wait3A_133 = arith.constant 0 : i32
    %dma_wait3A_134 = arith.constant 0 : i32
    %dma_wait3A_135 = tpu.memref_slice %arg11[%dma_wait3A_133, %dma_wait3A_134] : memref<10240x128xf32, #tpu.memory_space<vmem_shared>> -> memref<10240x128xf32, #tpu.memory_space<vmem_shared>>
    tpu.wait_indirect_dma semaphore(%arg14 : memref<!tpu.dma_semaphore, #tpu.memory_space<semaphore_mem>>) src(%arg9 : memref<80x128xf32, #tpu.memory_space<vmem>>) dst(%dma_wait3A_135 : memref<10240x128xf32, #tpu.memory_space<vmem_shared>>)
    %barrier3A_136 = arith.constant 0 : index
    tpu.barrier barrier_id(%barrier3A_136)
    %add3A_137 = arith.constant 0 : i32
    %add3A_138 = arith.addi %mul3A_2, %add3A_137 : i32
    "tpu.region"() ({
      %run_scoped3A = tpu.sem_alloc : memref<!tpu.dma_semaphore, #tpu.memory_space<semaphore_mem>>
      %dma_start3A_147 = arith.constant 0 : i32
      %dma_start3A_148 = tpu.memref_slice %arg6[%arg0, %add3A_138, %dma_start3A_147] : memref<2x10240x128xf32, #tpu.memory_space<hbm>> -> memref<1x128x128xf32, #tpu.memory_space<hbm>>
      %dma_start3A_149 = tpu.memref_squeeze %dma_start3A_148 : memref<1x128x128xf32, #tpu.memory_space<hbm>> -> memref<128x128xf32, #tpu.memory_space<hbm>>
      %dma_start3A_150 = arith.constant 0 : i32
      %dma_start3A_151 = tpu.memref_slice %arg11[%add3A_138, %dma_start3A_150] : memref<10240x128xf32, #tpu.memory_space<vmem_shared>> -> memref<128x128xf32, #tpu.memory_space<vmem_shared>>
      tpu.enqueue_dma source(%dma_start3A_151 : memref<128x128xf32, #tpu.memory_space<vmem_shared>>) target(%dma_start3A_149 : memref<128x128xf32, #tpu.memory_space<hbm>>) target_semaphore(%run_scoped3A : memref<!tpu.dma_semaphore, #tpu.memory_space<semaphore_mem>>)
      %dma_wait3A_152 = arith.constant 0 : i32
      %dma_wait3A_153 = tpu.memref_slice %arg6[%arg0, %add3A_138, %dma_wait3A_152] : memref<2x10240x128xf32, #tpu.memory_space<hbm>> -> memref<1x128x128xf32, #tpu.memory_space<hbm>>
      %dma_wait3A_154 = tpu.memref_squeeze %dma_wait3A_153 : memref<1x128x128xf32, #tpu.memory_space<hbm>> -> memref<128x128xf32, #tpu.memory_space<hbm>>
      %dma_wait3A_155 = arith.constant 0 : i32
      %dma_wait3A_156 = tpu.memref_slice %arg11[%add3A_138, %dma_wait3A_155] : memref<10240x128xf32, #tpu.memory_space<vmem_shared>> -> memref<128x128xf32, #tpu.memory_space<vmem_shared>>
      tpu.wait_dma2 semaphore(%run_scoped3A : memref<!tpu.dma_semaphore, #tpu.memory_space<semaphore_mem>>) src(%dma_wait3A_156 : memref<128x128xf32, #tpu.memory_space<vmem_shared>>) dst(%dma_wait3A_154 : memref<128x128xf32, #tpu.memory_space<hbm>>)
      tpu.yield
    }) : () -> ()
    %add3A_139 = arith.constant 128 : i32
    %add3A_140 = arith.addi %mul3A_2, %add3A_139 : i32
    "tpu.region"() ({
      %run_scoped3A = tpu.sem_alloc : memref<!tpu.dma_semaphore, #tpu.memory_space<semaphore_mem>>
      %dma_start3A_147 = arith.constant 0 : i32
      %dma_start3A_148 = tpu.memref_slice %arg6[%arg0, %add3A_140, %dma_start3A_147] : memref<2x10240x128xf32, #tpu.memory_space<hbm>> -> memref<1x128x128xf32, #tpu.memory_space<hbm>>
      %dma_start3A_149 = tpu.memref_squeeze %dma_start3A_148 : memref<1x128x128xf32, #tpu.memory_space<hbm>> -> memref<128x128xf32, #tpu.memory_space<hbm>>
      %dma_start3A_150 = arith.constant 0 : i32
      %dma_start3A_151 = tpu.memref_slice %arg11[%add3A_140, %dma_start3A_150] : memref<10240x128xf32, #tpu.memory_space<vmem_shared>> -> memref<128x128xf32, #tpu.memory_space<vmem_shared>>
      tpu.enqueue_dma source(%dma_start3A_151 : memref<128x128xf32, #tpu.memory_space<vmem_shared>>) target(%dma_start3A_149 : memref<128x128xf32, #tpu.memory_space<hbm>>) target_semaphore(%run_scoped3A : memref<!tpu.dma_semaphore, #tpu.memory_space<semaphore_mem>>)
      %dma_wait3A_152 = arith.constant 0 : i32
      %dma_wait3A_153 = tpu.memref_slice %arg6[%arg0, %add3A_140, %dma_wait3A_152] : memref<2x10240x128xf32, #tpu.memory_space<hbm>> -> memref<1x128x128xf32, #tpu.memory_space<hbm>>
      %dma_wait3A_154 = tpu.memref_squeeze %dma_wait3A_153 : memref<1x128x128xf32, #tpu.memory_space<hbm>> -> memref<128x128xf32, #tpu.memory_space<hbm>>
      %dma_wait3A_155 = arith.constant 0 : i32
      %dma_wait3A_156 = tpu.memref_slice %arg11[%add3A_140, %dma_wait3A_155] : memref<10240x128xf32, #tpu.memory_space<vmem_shared>> -> memref<128x128xf32, #tpu.memory_space<vmem_shared>>
      tpu.wait_dma2 semaphore(%run_scoped3A : memref<!tpu.dma_semaphore, #tpu.memory_space<semaphore_mem>>) src(%dma_wait3A_156 : memref<128x128xf32, #tpu.memory_space<vmem_shared>>) dst(%dma_wait3A_154 : memref<128x128xf32, #tpu.memory_space<hbm>>)
      tpu.yield
    }) : () -> ()
    %add3A_141 = arith.constant 256 : i32
    %add3A_142 = arith.addi %mul3A_2, %add3A_141 : i32
    "tpu.region"() ({
      %run_scoped3A = tpu.sem_alloc : memref<!tpu.dma_semaphore, #tpu.memory_space<semaphore_mem>>
      %dma_start3A_147 = arith.constant 0 : i32
      %dma_start3A_148 = tpu.memref_slice %arg6[%arg0, %add3A_142, %dma_start3A_147] : memref<2x10240x128xf32, #tpu.memory_space<hbm>> -> memref<1x128x128xf32, #tpu.memory_space<hbm>>
      %dma_start3A_149 = tpu.memref_squeeze %dma_start3A_148 : memref<1x128x128xf32, #tpu.memory_space<hbm>> -> memref<128x128xf32, #tpu.memory_space<hbm>>
      %dma_start3A_150 = arith.constant 0 : i32
      %dma_start3A_151 = tpu.memref_slice %arg11[%add3A_142, %dma_start3A_150] : memref<10240x128xf32, #tpu.memory_space<vmem_shared>> -> memref<128x128xf32, #tpu.memory_space<vmem_shared>>
      tpu.enqueue_dma source(%dma_start3A_151 : memref<128x128xf32, #tpu.memory_space<vmem_shared>>) target(%dma_start3A_149 : memref<128x128xf32, #tpu.memory_space<hbm>>) target_semaphore(%run_scoped3A : memref<!tpu.dma_semaphore, #tpu.memory_space<semaphore_mem>>)
      %dma_wait3A_152 = arith.constant 0 : i32
      %dma_wait3A_153 = tpu.memref_slice %arg6[%arg0, %add3A_142, %dma_wait3A_152] : memref<2x10240x128xf32, #tpu.memory_space<hbm>> -> memref<1x128x128xf32, #tpu.memory_space<hbm>>
      %dma_wait3A_154 = tpu.memref_squeeze %dma_wait3A_153 : memref<1x128x128xf32, #tpu.memory_space<hbm>> -> memref<128x128xf32, #tpu.memory_space<hbm>>
      %dma_wait3A_155 = arith.constant 0 : i32
      %dma_wait3A_156 = tpu.memref_slice %arg11[%add3A_142, %dma_wait3A_155] : memref<10240x128xf32, #tpu.memory_space<vmem_shared>> -> memref<128x128xf32, #tpu.memory_space<vmem_shared>>
      tpu.wait_dma2 semaphore(%run_scoped3A : memref<!tpu.dma_semaphore, #tpu.memory_space<semaphore_mem>>) src(%dma_wait3A_156 : memref<128x128xf32, #tpu.memory_space<vmem_shared>>) dst(%dma_wait3A_154 : memref<128x128xf32, #tpu.memory_space<hbm>>)
      tpu.yield
    }) : () -> ()
    %add3A_143 = arith.constant 384 : i32
    %add3A_144 = arith.addi %mul3A_2, %add3A_143 : i32
    "tpu.region"() ({
      %run_scoped3A = tpu.sem_alloc : memref<!tpu.dma_semaphore, #tpu.memory_space<semaphore_mem>>
      %dma_start3A_147 = arith.constant 0 : i32
      %dma_start3A_148 = tpu.memref_slice %arg6[%arg0, %add3A_144, %dma_start3A_147] : memref<2x10240x128xf32, #tpu.memory_space<hbm>> -> memref<1x128x128xf32, #tpu.memory_space<hbm>>
      %dma_start3A_149 = tpu.memref_squeeze %dma_start3A_148 : memref<1x128x128xf32, #tpu.memory_space<hbm>> -> memref<128x128xf32, #tpu.memory_space<hbm>>
      %dma_start3A_150 = arith.constant 0 : i32
      %dma_start3A_151 = tpu.memref_slice %arg11[%add3A_144, %dma_start3A_150] : memref<10240x128xf32, #tpu.memory_space<vmem_shared>> -> memref<128x128xf32, #tpu.memory_space<vmem_shared>>
      tpu.enqueue_dma source(%dma_start3A_151 : memref<128x128xf32, #tpu.memory_space<vmem_shared>>) target(%dma_start3A_149 : memref<128x128xf32, #tpu.memory_space<hbm>>) target_semaphore(%run_scoped3A : memref<!tpu.dma_semaphore, #tpu.memory_space<semaphore_mem>>)
      %dma_wait3A_152 = arith.constant 0 : i32
      %dma_wait3A_153 = tpu.memref_slice %arg6[%arg0, %add3A_144, %dma_wait3A_152] : memref<2x10240x128xf32, #tpu.memory_space<hbm>> -> memref<1x128x128xf32, #tpu.memory_space<hbm>>
      %dma_wait3A_154 = tpu.memref_squeeze %dma_wait3A_153 : memref<1x128x128xf32, #tpu.memory_space<hbm>> -> memref<128x128xf32, #tpu.memory_space<hbm>>
      %dma_wait3A_155 = arith.constant 0 : i32
      %dma_wait3A_156 = tpu.memref_slice %arg11[%add3A_144, %dma_wait3A_155] : memref<10240x128xf32, #tpu.memory_space<vmem_shared>> -> memref<128x128xf32, #tpu.memory_space<vmem_shared>>
      tpu.wait_dma2 semaphore(%run_scoped3A : memref<!tpu.dma_semaphore, #tpu.memory_space<semaphore_mem>>) src(%dma_wait3A_156 : memref<128x128xf32, #tpu.memory_space<vmem_shared>>) dst(%dma_wait3A_154 : memref<128x128xf32, #tpu.memory_space<hbm>>)
      tpu.yield
    }) : () -> ()
    %add3A_145 = arith.constant 512 : i32
    %add3A_146 = arith.addi %mul3A_2, %add3A_145 : i32
    "tpu.region"() ({
      %run_scoped3A = tpu.sem_alloc : memref<!tpu.dma_semaphore, #tpu.memory_space<semaphore_mem>>
      %dma_start3A_147 = arith.constant 0 : i32
      %dma_start3A_148 = tpu.memref_slice %arg6[%arg0, %add3A_146, %dma_start3A_147] : memref<2x10240x128xf32, #tpu.memory_space<hbm>> -> memref<1x128x128xf32, #tpu.memory_space<hbm>>
      %dma_start3A_149 = tpu.memref_squeeze %dma_start3A_148 : memref<1x128x128xf32, #tpu.memory_space<hbm>> -> memref<128x128xf32, #tpu.memory_space<hbm>>
      %dma_start3A_150 = arith.constant 0 : i32
      %dma_start3A_151 = tpu.memref_slice %arg11[%add3A_146, %dma_start3A_150] : memref<10240x128xf32, #tpu.memory_space<vmem_shared>> -> memref<128x128xf32, #tpu.memory_space<vmem_shared>>
      tpu.enqueue_dma source(%dma_start3A_151 : memref<128x128xf32, #tpu.memory_space<vmem_shared>>) target(%dma_start3A_149 : memref<128x128xf32, #tpu.memory_space<hbm>>) target_semaphore(%run_scoped3A : memref<!tpu.dma_semaphore, #tpu.memory_space<semaphore_mem>>)
      %dma_wait3A_152 = arith.constant 0 : i32
      %dma_wait3A_153 = tpu.memref_slice %arg6[%arg0, %add3A_146, %dma_wait3A_152] : memref<2x10240x128xf32, #tpu.memory_space<hbm>> -> memref<1x128x128xf32, #tpu.memory_space<hbm>>
      %dma_wait3A_154 = tpu.memref_squeeze %dma_wait3A_153 : memref<1x128x128xf32, #tpu.memory_space<hbm>> -> memref<128x128xf32, #tpu.memory_space<hbm>>
      %dma_wait3A_155 = arith.constant 0 : i32
      %dma_wait3A_156 = tpu.memref_slice %arg11[%add3A_146, %dma_wait3A_155] : memref<10240x128xf32, #tpu.memory_space<vmem_shared>> -> memref<128x128xf32, #tpu.memory_space<vmem_shared>>
      tpu.wait_dma2 semaphore(%run_scoped3A : memref<!tpu.dma_semaphore, #tpu.memory_space<semaphore_mem>>) src(%dma_wait3A_156 : memref<128x128xf32, #tpu.memory_space<vmem_shared>>) dst(%dma_wait3A_154 : memref<128x128xf32, #tpu.memory_space<hbm>>)
      tpu.yield
    }) : () -> ()
    return
  }
}

module attributes {stable_mosaic.version = 14 : i64} {
  func.func @body(%arg0: i32, %arg1: memref<1000x128xf32, #tpu.memory_space<vmem>>, %arg2: memref<128x128xf32, #tpu.memory_space<vmem>>, %arg3: memref<1000x1xf32, #tpu.memory_space<vmem>>, %arg4: memref<1000x1xf32, #tpu.memory_space<vmem>>, %arg5: memref<1000x128xf32, #tpu.memory_space<vmem>>) attributes {dimension_semantics = [#tpu.dimension_semantics<arbitrary>], iteration_bounds = array<i64: 10>, scalar_prefetch = 0 : i64, scratch_operands = 0 : i64, tpu.core_type = #tpu.core_type<tc>, window_params = [{transform_indices = @transform_0, window_bounds = array<i64: 1000, 128>}, {pipeline_mode = #tpu.pipeline_mode<synchronous>, transform_indices = @transform_1, window_bounds = array<i64: 128, 128>}, {transform_indices = @transform_2, window_bounds = array<i64: 1000, 1>}, {transform_indices = @transform_3, window_bounds = array<i64: 1000, 1>}, {transform_indices = @transform_4, window_bounds = array<i64: 1000, 128>}]} {
    %get3A = arith.constant 0 : index
    %get3A_0 = arith.constant 0 : index
    %get3A_1 = vector.load %arg3[%get3A, %get3A_0] : memref<1000x1xf32, #tpu.memory_space<vmem>>, vector<1000x1xf32>
    %get3A_2 = arith.constant 0 : index
    %get3A_3 = arith.constant 0 : index
    %get3A_4 = vector.load %arg4[%get3A_2, %get3A_3] : memref<1000x1xf32, #tpu.memory_space<vmem>>, vector<1000x1xf32>
    %add3A = arith.addf %get3A_1, %get3A_4 : vector<1000x1xf32>
    %add3A_5 = arith.constant 1.000000e+00 : f32
    %add3A_6 = vector.broadcast %add3A_5 : f32 to vector<1000x1xf32>
    %add3A_7 = arith.addf %add3A, %add3A_6 : vector<1000x1xf32>
    %rsqrt3A = math.rsqrt %add3A_7 : vector<1000x1xf32>
    %get3A_8 = arith.constant 0 : index
    %get3A_9 = arith.constant 0 : index
    %get3A_10 = vector.load %arg1[%get3A_8, %get3A_9] : memref<1000x128xf32, #tpu.memory_space<vmem>>, vector<1000x128xf32>
    %get3A_11 = arith.constant 0 : index
    %get3A_12 = arith.constant 0 : index
    %get3A_13 = vector.load %arg2[%get3A_11, %get3A_12] : memref<128x128xf32, #tpu.memory_space<vmem>>, vector<128x128xf32>
    %dot_general3A = arith.constant dense<0.000000e+00> : vector<1000x128xf32>
    %dot_general3A_14 = tpu.matmul %get3A_10, %get3A_13, %dot_general3A {dimension_numbers = #tpu.dot_dimension_numbers<[1], [0], [0], [1], [0, 0, 1, 1], [], []>, transpose_lhs_hint = false} : vector<1000x128xf32>, vector<128x128xf32>, vector<1000x128xf32> -> vector<1000x128xf32>
    %mul3A = vector.broadcast %rsqrt3A : vector<1000x1xf32> to vector<1000x128xf32>
    %mul3A_15 = arith.mulf %dot_general3A_14, %mul3A : vector<1000x128xf32>
    %swap3A = arith.constant 0 : index
    %swap3A_16 = arith.constant 0 : index
    %swap3A_17 = vector.load %arg5[%swap3A, %swap3A_16] : memref<1000x128xf32, #tpu.memory_space<vmem>>, vector<1000x128xf32>
    tpu.vector_store %arg5[%swap3A, %swap3A_16], %mul3A_15 {strides = array<i32>} : memref<1000x128xf32, #tpu.memory_space<vmem>>, vector<1000x128xf32>,
    return
  }
  func.func @transform_0(%arg0: i32) -> (i32, i32) {
    %c0_i32 = arith.constant 0 : i32
    %c0_i32_0 = arith.constant 0 : i32
    return %arg0, %c0_i32 : i32, i32
  }
  func.func @transform_1(%arg0: i32) -> (i32, i32) {
    %c0_i32 = arith.constant 0 : i32
    %c0_i32_0 = arith.constant 0 : i32
    %c0_i32_1 = arith.constant 0 : i32
    return %c0_i32, %c0_i32_0 : i32, i32
  }
  func.func @transform_2(%arg0: i32) -> (i32, i32) {
    %c0_i32 = arith.constant 0 : i32
    %c0_i32_0 = arith.constant 0 : i32
    return %arg0, %c0_i32 : i32, i32
  }
  func.func @transform_3(%arg0: i32) -> (i32, i32) {
    %c0_i32 = arith.constant 0 : i32
    %c0_i32_0 = arith.constant 0 : i32
    return %arg0, %c0_i32 : i32, i32
  }
  func.func @transform_4(%arg0: i32) -> (i32, i32) {
    %c0_i32 = arith.constant 0 : i32
    %c0_i32_0 = arith.constant 0 : i32
    return %arg0, %c0_i32 : i32, i32
  }
}

module attributes {stable_mosaic.version = 14 : i64} {
  func.func @body(%arg0: i32, %arg1: memref<1x1000x128xf32, #tpu.memory_space<vmem>>, %arg2: memref<1x1000x128xf32, #tpu.memory_space<vmem>>, %arg3: memref<1000x1xf32, #tpu.memory_space<vmem>>, %arg4: memref<1000x1xf32, #tpu.memory_space<vmem>>, %arg5: memref<1x128xf32, #tpu.memory_space<vmem>>, %arg6: memref<128x128xf32, #tpu.memory_space<vmem>>, %arg7: memref<1000x128xf32, #tpu.memory_space<vmem>>) attributes {dimension_semantics = [#tpu.dimension_semantics<arbitrary>], iteration_bounds = array<i64: 10>, scalar_prefetch = 0 : i64, scratch_operands = 0 : i64, tpu.core_type = #tpu.core_type<tc>, window_params = [{transform_indices = @transform_0, window_bounds = array<i64: 1, 1000, 128>}, {transform_indices = @transform_1, window_bounds = array<i64: 1, 1000, 128>}, {transform_indices = @transform_2, window_bounds = array<i64: 1000, 1>}, {transform_indices = @transform_3, window_bounds = array<i64: 1000, 1>}, {pipeline_mode = #tpu.pipeline_mode<synchronous>, transform_indices = @transform_4, window_bounds = array<i64: 1, 128>}, {pipeline_mode = #tpu.pipeline_mode<synchronous>, transform_indices = @transform_5, window_bounds = array<i64: 128, 128>}, {transform_indices = @transform_6, window_bounds = array<i64: 1000, 128>}]} {
    %get3A = arith.constant 0 : index
    %get3A_0 = arith.constant 0 : index
    %get3A_1 = vector.load %arg3[%get3A, %get3A_0] : memref<1000x1xf32, #tpu.memory_space<vmem>>, vector<1000x1xf32>
    %get3A_2 = arith.constant 0 : index
    %get3A_3 = arith.constant 0 : index
    %get3A_4 = vector.load %arg4[%get3A_2, %get3A_3] : memref<1000x1xf32, #tpu.memory_space<vmem>>, vector<1000x1xf32>
    %add3A = arith.addf %get3A_1, %get3A_4 : vector<1000x1xf32>
    %add3A_5 = arith.constant 1.000000e+00 : f32
    %add3A_6 = vector.broadcast %add3A_5 : f32 to vector<1000x1xf32>
    %add3A_7 = arith.addf %add3A, %add3A_6 : vector<1000x1xf32>
    %rsqrt3A = math.rsqrt %add3A_7 : vector<1000x1xf32>
    %get3A_8 = arith.constant 0 : index
    %get3A_9 = arith.constant 0 : index
    %get3A_10 = arith.constant 0 : index
    %get3A_11 = vector.load %arg1[%get3A_8, %get3A_9, %get3A_10] : memref<1x1000x128xf32, #tpu.memory_space<vmem>>, vector<1x1000x128xf32>
    %get3A_12 = vector.shape_cast %get3A_11 : vector<1x1000x128xf32> to vector<1000x128xf32>
    %get3A_13 = arith.constant 0 : index
    %get3A_14 = arith.constant 0 : index
    %get3A_15 = arith.constant 0 : index
    %get3A_16 = vector.load %arg2[%get3A_13, %get3A_14, %get3A_15] : memref<1x1000x128xf32, #tpu.memory_space<vmem>>, vector<1x1000x128xf32>
    %get3A_17 = vector.shape_cast %get3A_16 : vector<1x1000x128xf32> to vector<1000x128xf32>
    %add3A_18 = arith.addf %get3A_12, %get3A_17 : vector<1000x128xf32>
    %mul3A = vector.broadcast %rsqrt3A : vector<1000x1xf32> to vector<1000x128xf32>
    %mul3A_19 = arith.mulf %mul3A, %add3A_18 : vector<1000x128xf32>
    %get3A_20 = arith.constant 0 : index
    %get3A_21 = arith.constant 0 : index
    %get3A_22 = vector.load %arg5[%get3A_20, %get3A_21] : memref<1x128xf32, #tpu.memory_space<vmem>>, vector<1x128xf32>
    %add3A_23 = vector.broadcast %get3A_22 : vector<1x128xf32> to vector<1000x128xf32>
    %add3A_24 = arith.addf %mul3A_19, %add3A_23 : vector<1000x128xf32>
    %max3A = arith.constant 0.000000e+00 : f32
    %max3A_25 = vector.broadcast %max3A : f32 to vector<1000x128xf32>
    %max3A_26 = arith.maximumf %add3A_24, %max3A_25 : vector<1000x128xf32>
    %get3A_27 = arith.constant 0 : index
    %get3A_28 = arith.constant 0 : index
    %get3A_29 = vector.load %arg6[%get3A_27, %get3A_28] : memref<128x128xf32, #tpu.memory_space<vmem>>, vector<128x128xf32>
    %dot_general3A = arith.constant dense<0.000000e+00> : vector<1000x128xf32>
    %dot_general3A_30 = tpu.matmul %max3A_26, %get3A_29, %dot_general3A {dimension_numbers = #tpu.dot_dimension_numbers<[1], [0], [0], [1], [0, 0, 1, 1], [], []>, transpose_lhs_hint = false} : vector<1000x128xf32>, vector<128x128xf32>, vector<1000x128xf32> -> vector<1000x128xf32>
    %mul3A_31 = vector.broadcast %rsqrt3A : vector<1000x1xf32> to vector<1000x128xf32>
    %mul3A_32 = arith.mulf %dot_general3A_30, %mul3A_31 : vector<1000x128xf32>
    %swap3A = arith.constant 0 : index
    %swap3A_33 = arith.constant 0 : index
    %swap3A_34 = vector.load %arg7[%swap3A, %swap3A_33] : memref<1000x128xf32, #tpu.memory_space<vmem>>, vector<1000x128xf32>
    tpu.vector_store %arg7[%swap3A, %swap3A_33], %mul3A_32 {strides = array<i32>} : memref<1000x128xf32, #tpu.memory_space<vmem>>, vector<1000x128xf32>,
    return
  }
  func.func @transform_0(%arg0: i32) -> (i32, i32, i32) {
    %c0_i32 = arith.constant 0 : i32
    %c0_i32_0 = arith.constant 0 : i32
    %c0_i32_1 = arith.constant 0 : i32
    return %c0_i32, %arg0, %c0_i32_0 : i32, i32, i32
  }
  func.func @transform_1(%arg0: i32) -> (i32, i32, i32) {
    %c1_i32 = arith.constant 1 : i32
    %c0_i32 = arith.constant 0 : i32
    %c0_i32_0 = arith.constant 0 : i32
    return %c1_i32, %arg0, %c0_i32 : i32, i32, i32
  }
  func.func @transform_2(%arg0: i32) -> (i32, i32) {
    %c0_i32 = arith.constant 0 : i32
    %c0_i32_0 = arith.constant 0 : i32
    return %arg0, %c0_i32 : i32, i32
  }
  func.func @transform_3(%arg0: i32) -> (i32, i32) {
    %c0_i32 = arith.constant 0 : i32
    %c0_i32_0 = arith.constant 0 : i32
    return %arg0, %c0_i32 : i32, i32
  }
  func.func @transform_4(%arg0: i32) -> (i32, i32) {
    %c0_i32 = arith.constant 0 : i32
    %c0_i32_0 = arith.constant 0 : i32
    %c0_i32_1 = arith.constant 0 : i32
    return %c0_i32, %c0_i32_0 : i32, i32
  }
  func.func @transform_5(%arg0: i32) -> (i32, i32) {
    %c0_i32 = arith.constant 0 : i32
    %c0_i32_0 = arith.constant 0 : i32
    %c0_i32_1 = arith.constant 0 : i32
    return %c0_i32, %c0_i32_0 : i32, i32
  }
  func.func @transform_6(%arg0: i32) -> (i32, i32) {
    %c0_i32 = arith.constant 0 : i32
    %c0_i32_0 = arith.constant 0 : i32
    return %arg0, %c0_i32 : i32, i32
  }
}

module attributes {stable_mosaic.version = 14 : i64} {
  func.func @body(%arg0: i32, %arg1: memref<1x1000x128xf32, #tpu.memory_space<vmem>>, %arg2: memref<1x1000x128xf32, #tpu.memory_space<vmem>>, %arg3: memref<1000x1xf32, #tpu.memory_space<vmem>>, %arg4: memref<1000x1xf32, #tpu.memory_space<vmem>>, %arg5: memref<1x128xf32, #tpu.memory_space<vmem>>, %arg6: memref<1000x128xf32, #tpu.memory_space<vmem>>) attributes {dimension_semantics = [#tpu.dimension_semantics<arbitrary>], iteration_bounds = array<i64: 10>, scalar_prefetch = 0 : i64, scratch_operands = 0 : i64, tpu.core_type = #tpu.core_type<tc>, window_params = [{transform_indices = @transform_0, window_bounds = array<i64: 1, 1000, 128>}, {transform_indices = @transform_1, window_bounds = array<i64: 1, 1000, 128>}, {transform_indices = @transform_2, window_bounds = array<i64: 1000, 1>}, {transform_indices = @transform_3, window_bounds = array<i64: 1000, 1>}, {pipeline_mode = #tpu.pipeline_mode<synchronous>, transform_indices = @transform_4, window_bounds = array<i64: 1, 128>}, {transform_indices = @transform_5, window_bounds = array<i64: 1000, 128>}]} {
    %get3A = arith.constant 0 : index
    %get3A_0 = arith.constant 0 : index
    %get3A_1 = vector.load %arg3[%get3A, %get3A_0] : memref<1000x1xf32, #tpu.memory_space<vmem>>, vector<1000x1xf32>
    %get3A_2 = arith.constant 0 : index
    %get3A_3 = arith.constant 0 : index
    %get3A_4 = vector.load %arg4[%get3A_2, %get3A_3] : memref<1000x1xf32, #tpu.memory_space<vmem>>, vector<1000x1xf32>
    %add3A = arith.addf %get3A_1, %get3A_4 : vector<1000x1xf32>
    %add3A_5 = arith.constant 1.000000e+00 : f32
    %add3A_6 = vector.broadcast %add3A_5 : f32 to vector<1000x1xf32>
    %add3A_7 = arith.addf %add3A, %add3A_6 : vector<1000x1xf32>
    %rsqrt3A = math.rsqrt %add3A_7 : vector<1000x1xf32>
    %get3A_8 = arith.constant 0 : index
    %get3A_9 = arith.constant 0 : index
    %get3A_10 = arith.constant 0 : index
    %get3A_11 = vector.load %arg1[%get3A_8, %get3A_9, %get3A_10] : memref<1x1000x128xf32, #tpu.memory_space<vmem>>, vector<1x1000x128xf32>
    %get3A_12 = vector.shape_cast %get3A_11 : vector<1x1000x128xf32> to vector<1000x128xf32>
    %get3A_13 = arith.constant 0 : index
    %get3A_14 = arith.constant 0 : index
    %get3A_15 = arith.constant 0 : index
    %get3A_16 = vector.load %arg2[%get3A_13, %get3A_14, %get3A_15] : memref<1x1000x128xf32, #tpu.memory_space<vmem>>, vector<1x1000x128xf32>
    %get3A_17 = vector.shape_cast %get3A_16 : vector<1x1000x128xf32> to vector<1000x128xf32>
    %add3A_18 = arith.addf %get3A_12, %get3A_17 : vector<1000x128xf32>
    %mul3A = vector.broadcast %rsqrt3A : vector<1000x1xf32> to vector<1000x128xf32>
    %mul3A_19 = arith.mulf %mul3A, %add3A_18 : vector<1000x128xf32>
    %get3A_20 = arith.constant 0 : index
    %get3A_21 = arith.constant 0 : index
    %get3A_22 = vector.load %arg5[%get3A_20, %get3A_21] : memref<1x128xf32, #tpu.memory_space<vmem>>, vector<1x128xf32>
    %add3A_23 = vector.broadcast %get3A_22 : vector<1x128xf32> to vector<1000x128xf32>
    %add3A_24 = arith.addf %mul3A_19, %add3A_23 : vector<1000x128xf32>
    %swap3A = arith.constant 0 : index
    %swap3A_25 = arith.constant 0 : index
    %swap3A_26 = vector.load %arg6[%swap3A, %swap3A_25] : memref<1000x128xf32, #tpu.memory_space<vmem>>, vector<1000x128xf32>
    tpu.vector_store %arg6[%swap3A, %swap3A_25], %add3A_24 {strides = array<i32>} : memref<1000x128xf32, #tpu.memory_space<vmem>>, vector<1000x128xf32>,
    return
  }
  func.func @transform_0(%arg0: i32) -> (i32, i32, i32) {
    %c0_i32 = arith.constant 0 : i32
    %c0_i32_0 = arith.constant 0 : i32
    %c0_i32_1 = arith.constant 0 : i32
    return %c0_i32, %arg0, %c0_i32_0 : i32, i32, i32
  }
  func.func @transform_1(%arg0: i32) -> (i32, i32, i32) {
    %c1_i32 = arith.constant 1 : i32
    %c0_i32 = arith.constant 0 : i32
    %c0_i32_0 = arith.constant 0 : i32
    return %c1_i32, %arg0, %c0_i32 : i32, i32, i32
  }
  func.func @transform_2(%arg0: i32) -> (i32, i32) {
    %c0_i32 = arith.constant 0 : i32
    %c0_i32_0 = arith.constant 0 : i32
    return %arg0, %c0_i32 : i32, i32
  }
  func.func @transform_3(%arg0: i32) -> (i32, i32) {
    %c0_i32 = arith.constant 0 : i32
    %c0_i32_0 = arith.constant 0 : i32
    return %arg0, %c0_i32 : i32, i32
  }
  func.func @transform_4(%arg0: i32) -> (i32, i32) {
    %c0_i32 = arith.constant 0 : i32
    %c0_i32_0 = arith.constant 0 : i32
    %c0_i32_1 = arith.constant 0 : i32
    return %c0_i32, %c0_i32_0 : i32, i32
  }
  func.func @transform_5(%arg0: i32) -> (i32, i32) {
    %c0_i32 = arith.constant 0 : i32
    %c0_i32_0 = arith.constant 0 : i32
    return %arg0, %c0_i32 : i32, i32
  }
}

</mosaic_0001>

<sc_bundles>
// kernel: kernel.11.cloned.1.call-start
scs
__scs_entry_jumppad:
0x0: {  	(pc) =	sbr.rel $0x88, $3  }
0x1: {  	(tag) =	ssettag $0x0;
	lr =	simm.s32 $0x1  }
0x2: {  	[smem:$0x3F9B] =	sst lr;
	_ =	strace $0xD0000000  }
0x3: {  	_ = 	snop  }
0x4: {  	_ = 	snop  }
0x5: {  	_ = 	snop  }
0x6: {  	_ = 	snop  }
0x7: {  	_ = 	snop  }
__scs_overlays_trampoline_lowered:
0x8: {  	[smem:$0x3FAA] =	sst s0  }
0x9: {  	[smem:$0x3FAB] =	sst s1  }
0xa: {  	[smem:$0x3FAC] =	sst s2  }
0xb: {  	[smem:$0x3FAD] =	sst s3  }
0xc: {  	[smem:$0x3FAE] =	sst s4  }
0xd: {  	[smem:$0x3FAF] =	sst s5  }
0xe: {  	[smem:$0x3FB0] =	sst s6  }
0xf: {  	[smem:$0x3FB1] =	sst s7  }
0x10: {  	[smem:$0x3FB2] =	sst s8  }
0x11: {  	[smem:$0x3FB3] =	sst s9;
	s0 =	simm.s32 @!p0 $0x0  }
0x12: {  	s1 =	sld [smem:$0x3F99];
	s0 =	simm.s32 @p0 $0x1  }
0x13: {  	[smem:$0x3FB4] =	sst s0;
	s0 =	simm.s32 @!p1 $0x0  }
0x14: {  	s2 =	sld [smem:$0x3F98];
	s0 =	simm.s32 @p1 $0x1  }
0x15: {  	[smem:$0x3FB5] =	sst s0;
	s0 =	simm.s32 @!p2 $0x0  }
0x16: {  	s3 =	sld [smem:$0x3FDB];
	s0 =	simm.s32 @p2 $0x1  }
0x17: {  	s4 =	simm.s32 $0x1BF5;
	[smem:$0x3FB7] =	sst s0  }
0x18: {  	s0 =	sld [smem:$0x3F9A];
	_ =	swait.ge [sflag:s4], $0x0  }
0x19: {  	s7 =	sld [smem:$0x3F9B]  }
0x1a: {  	s8 =	sadd.s32 $0xFFFFE003, lr  }
0x1b: {  	s9 =	sadd.s32 $0xFFFFFEF7, lr;
	s5 =	simm.s32 $0xFFFFFFFF;
	p2 =	slt.u32 s8, $0xFFFFF086  }
0x1c: {  	p1 =	slt.u32 s9, $0xF7A;
	s5 =	simm.s32 @!p2 $0x0  }
0x1d: {  	s5 =	simm.s32 @p1 $0x1;
	p0 =	seq.s32 s7, s2  }
0x1e: {  	s7 =	smul.u32 @!p0 $0xF7A, s2;
	p2 =	seq.s32 @!p0 s5, $0x0  }
0x1f: {  	s9 =	smul.u32 $0xF7A, s1;
	s8 =	simm.s32 @!p0 $0x1BF5;
	p2 =	por !p2, p0  }
0x20: {  	[sflag:s8] =	ssyncset.s32 @!p0 $0xFFFFF086;
	s6 =	sadd.s32 @!p0 s3, s7;
	s7 =	simm.s32 @!p0 $0x108  }
0x21: {  	s3 =	sadd.s32 s3, s9;
	s6 =	sadd.s32 @!p0 $0x88, s6;
	s7 =	simm.s32 @p2 $0x1082  }
0x22: {  	[simem:s7], [sflag:s8] =	dma.local @!p0 [hbm:s6], $0xF7A  }
0x23: {  	s9 =	sor.u32 $0xD0000000, s2;
	s6 =	simm.s32 $0x108;
	_ =	swait.ge @!p0 [sflag:s8], $0x0  }
0x24: {  	s3 =	sadd.s32 $0x88, s3;
	s6 =	simm.s32 @!p1 $0x1082;
	[sflag:s4] =	ssyncset.s32 $0xFFFFF086  }
0x25: {  	[simem:s6], [sflag:s4] =	dma.local [hbm:s3], $0xF7A  }
0x26: {  	[smem:$0x3F9B] =	sst s1;
	(tag) =	ssettag s2;
	_ =	strace s9  }
0x27: {  	s1 =	sld [smem:$0x3FAB]  }
0x28: {  	s2 =	sld [smem:$0x3FAC]  }
0x29: {  	s4 =	sld [smem:$0x3FAE]  }
0x2a: {  	p0 =	seq.s32 s5, $0x0;
	s5 =	sld [smem:$0x3FAF]  }
0x2b: {  	s6 =	sld [smem:$0x3FB0]  }
0x2c: {  	s7 =	sld [smem:$0x3FB1]  }
0x2d: {  	s3 =	simm.s32 $0x108;
	s8 =	sld [smem:$0x3FB2]  }
0x2e: {  	s3 =	simm.s32 @!p0 $0x1082;
	s9 =	sld [smem:$0x3FB3]  }
0x2f: {  	lr =	sadd.s32 s0, s3;
	s0 =	sld [smem:$0x3FAA]  }
0x30: {  	s3 =	sld [smem:$0x3FAD]  }
0x31: {  	[smem:$0x3FB6] =	sst s10  }
0x32: {  	s10 =	sld [smem:$0x3FB4];
	_ =	sdelay $0x3  }
0x33: {  	p0 =	seq.s32 s10, $0x1;
	s10 =	sld [smem:$0x3FB6];
	_ =	sdelay $0x3  }
0x34: {  	[smem:$0x3FB6] =	sst s10  }
0x35: {  	s10 =	sld [smem:$0x3FB5];
	_ =	sdelay $0x3  }
0x36: {  	p1 =	seq.s32 s10, $0x1;
	s10 =	sld [smem:$0x3FB6];
	_ =	sdelay $0x3  }
0x37: {  	[smem:$0x3FB6] =	sst s10  }
0x38: {  	s10 =	sld [smem:$0x3FB7]  }
0x39: {  	_ = 	snop;
	(pc) =	sbr.ind lr, $3  }
0x3a: {  	_ = 	snop  }
0x3b: {  	_ = 	snop  }
0x3c: {  	p2 =	seq.s32 s10, $0x1;
	s10 =	sld [smem:$0x3FB6]  }
0x3d: {  	_ =	shalt  }
0x3e: {  	_ =	shalt  }
0x3f: {  	_ =	shalt  }
0x40: {  	_ =	shalt  }
0x41: {  	_ =	shalt  }
0x42: {  	_ =	shalt  }
0x43: {  	_ =	shalt  }
0x44: {  	_ =	shalt  }
0x45: {  	_ =	shalt  }
0x46: {  	_ =	shalt  }
0x47: {  	_ =	shalt  }
0x48: {  	_ =	shalt  }
0x49: {  	_ =	shalt  }
0x4a: {  	_ =	shalt  }
0x4b: {  	_ =	shalt  }
0x4c: {  	_ =	shalt  }
0x4d: {  	_ =	shalt  }
0x4e: {  	_ =	shalt  }
0x4f: {  	_ =	shalt  }
0x50: {  	_ =	shalt  }
0x51: {  	_ =	shalt  }
0x52: {  	_ =	shalt  }
0x53: {  	_ =	shalt  }
0x54: {  	_ =	shalt  }
0x55: {  	_ =	shalt  }
0x56: {  	_ =	shalt  }
0x57: {  	_ =	shalt  }
0x58: {  	_ =	shalt  }
0x59: {  	_ =	shalt  }
0x5a: {  	_ =	shalt  }
0x5b: {  	_ =	shalt  }
0x5c: {  	_ =	shalt  }
0x5d: {  	_ =	shalt  }
0x5e: {  	_ =	shalt  }
0x5f: {  	_ =	shalt  }
0x60: {  	_ =	shalt  }
0x61: {  	_ =	shalt  }
0x62: {  	_ =	shalt  }
0x63: {  	_ =	shalt  }
0x64: {  	_ =	shalt  }
0x65: {  	_ =	shalt  }
0x66: {  	_ =	shalt  }
0x67: {  	_ =	shalt  }
0x68: {  	_ =	shalt  }
0x69: {  	_ =	shalt  }
0x6a: {  	_ =	shalt  }
0x6b: {  	_ =	shalt  }
0x6c: {  	_ =	shalt  }
0x6d: {  	_ =	shalt  }
0x6e: {  	_ =	shalt  }
0x6f: {  	_ =	shalt  }
0x70: {  	_ =	shalt  }
0x71: {  	_ =	shalt  }
0x72: {  	_ =	shalt  }
0x73: {  	_ =	shalt  }
0x74: {  	_ =	shalt  }
0x75: {  	_ =	shalt  }
0x76: {  	_ =	shalt  }
0x77: {  	_ =	shalt  }
0x78: {  	_ =	shalt  }
0x79: {  	_ =	shalt  }
0x7a: {  	_ =	shalt  }
0x7b: {  	_ =	shalt  }
0x7c: {  	_ =	shalt  }
0x7d: {  	_ =	shalt  }
0x7e: {  	_ =	shalt  }
0x7f: {  	_ =	shalt  }
0x80: {  	_ =	shalt  }
0x81: {  	_ =	shalt  }
0x82: {  	_ =	shalt  }
0x83: {  	_ =	shalt  }
0x84: {  	_ =	shalt  }
0x85: {  	_ =	shalt  }
0x86: {  	_ =	shalt  }
0x87: {  	_ =	shalt  }
.Lfunc_end0:
.L_simem_size_0:
called_computation.1_lowered:
.L_overlay_start_0:
0x88: {  	s2 =	sld [smem:$0x3FD9]  }
0x89: {  	s3 =	sld [smem:$0x3FFE];
	_ =	sdelay $0x1  }
0x8a: {  	s1 =	srdreg.scid  }
0x8b: {  	s0 =	sand.u32 $0x1, s1  }
0x8c: {  	s17 =	sshll.u32 s0, $0xA;
	s2 =	sadd.s32 s3, s2  }
0x8d: {  	s2 =	sadd.s32 s2, s17  }
0x8e: {  	[smem:$0x3FC2] =	sst s2  }
0x8f: {  	_ = 	snop  }
0x90: {  	s2 =	sld [smem:$0x3FD0];
	(tm) =	ssettm $0x1  }
0x91: {  	s18 =	sld [smem:$0x3FFB];
	_ =	sdelay $0x3  }
0x92: {  	_ =	strace s18  }
0x93: {  	s3 =	sld [smem:$0x3FFC];
	_ =	sdelay $0x3  }
0x94: {  	_ =	strace s3  }
0x95: {  	s3 =	sld [smem:$0x3FFD];
	_ =	sdelay $0x3  }
0x96: {  	_ =	strace s3  }
0x97: {  	_ =	strace $0x8FFFFFFF  }
0x98: {  	s19 =	sld [smem:$0x3FDB];
	_ =	sdelay $0x1  }
0x99: {  	s4 =	simm.s32 $_scs_section_size  }
0x9a: {  	s5 =	simm.s32 $_size__tile_overlayer_lowered;
	s6 =	simm.s32 $_tile_overlayer_lowered  }
0x9b: {  	s22 =	simm.s32 $0x1BFF;
	s21 =	sshll.u32 s6, $0x1;
	s3 =	sadd.s32 s4, s19  }
0x9c: {  	s7 =	simm.s32 $0x0;
	s20 =	sshll.u32 s5, $0x1;
	s5 =	sadd.s32 s21, s3  }
0x9d: {  	[timem:s7], [sflag:s22] =	dma.local [hbm:s5], s20  }
0x9e: {  	_ =	swait.ge [sflag:s22], s20  }
0x9f: {  	s4 =	ssub.s32 $0x0, s20;
	[sflag:s22] =	ssyncset.done $0x0  }
0xa0: {  	[sflag:s22] =	ssyncadd.s32 s4;
	_ =	sdelay $0x1  }
0xa1: {  	s23 =	simm.s32 $0x1B8B  }
0xa2: {  	_ =	swait.ge [sflag:s23], $0x1  }
0xa3: {  	[sflag:s23] =	ssyncset.done $0x0  }
0xa4: {  	s25 =	simm.s32 $0x1B8E;
	s24 =	sld [smem:$0x3FFE];
	[sflag:s23] =	ssyncadd.s32 $0xFFFFFFFF  }
0xa5: {  	s26 =	simm.s32 $execute0_lowered;
	[smem:$0x3FD2] =	sst s25  }
0xa6: {  	s5 =	sshll.u32 s26, $0x1;
	_ =	strace $0x80000049;
	[dreg:$0x1] =	wrdreg $0xFFFFFFFF  }
0xa7: {  	s28 =	simm.s32 $_size_execute0_lowered;
	s3 =	sadd.s32 s3, s5;
	[dreg:$0x0] =	wrdreg $0x0  }
0xa8: {  	s5 =	sshll.u32 s28, $0x1;
	[dreg:$0x2] =	wrdreg s3  }
0xa9: {  	[dreg:$0x3] =	wrdreg s5  }
0xaa: {  	[dreg:$0x4] =	wrdreg $0xC0  }
0xab: {  	_ =	task [dreg:s7], $0x5FFFF  }
0xac: {  	[dreg:$0x1] =	wrdreg $0xFFFFFFFF  }
0xad: {  	[dreg:$0x0] =	wrdreg $0x60  }
0xae: {  	[dreg:$0x2] =	wrdreg s24  }
0xaf: {  	[dreg:$0x3] =	wrdreg s2  }
0xb0: {  	[dreg:$0x4] =	wrdreg $0xB7800  }
0xb1: {  	[dreg:$0x5] =	wrdreg $0x9  }
0xb2: {  	_ =	task.clear_ibuf [dreg:s7], $0x6FFFF;
	_ =	strace $0x90000049  }
0xb3: {  	s29 =	simm.s32 $0x9;
	_ =	strace $0x8000004B  }
0xb4: {  	_ =	swait.ge [sflag:s29], $0x1  }
0xb5: {  	[sflag:s29] =	ssyncadd.s32 $0xFFFFFFFF  }
0xb6: {  	_ =	strace $0x9000004B  }
0xb7: {  	_ =	sfence  }
0xb8: {  	s30 =	sld [smem:$0x0];
	_ =	sdelay $0x2  }
0xb9: {  	s31 =	sshll.u32 s1, $0xD;
	s1 =	sshrl.u32 s1, $0x2  }
0xba: {  	s3 =	sand.u32 $0x4000, s31;
	s1 =	sadd.s32 s1, s30  }
0xbb: {  	s0 =	sor.u32 s3, s0;
	s1 =	sshll.u32 s1, $0x11  }
0xbc: {  	s0 =	sor.u32 s1, s0  }
0xbd: {  	s0 =	sadd.s32 $0x8F2B, s0  }
0xbe: {  	[sflag:s0] =	ssyncadd.remote.s32 $0x1  }
0xbf: {  	_ =	sfence.sel $0xFFFF  }
0xc0: {  	[dreg:$0x0] =	wrdreg $0xFFFFFFFF;
	(pc) =	sbr.abs _section_cstart, $3  }
0xc1: {  	[dreg:$0x1] =	wrdreg $0xFFFFFFFF  }
0xc2: {  	_ =	task.clear_ibuf [dreg:s7], $0x2FFFF;
	_ =	strace $0x9FFFFFFF  }
0xc3: {  	(tm) =	ssettm $0x7FFFFFFF  }
tec
execute0_lowered:
.L_overlay_start_1:
0x0: {  	(tag) =	ssettag $0x1  }
0x1: {  	s6 =	rddreg [dreg:$0x0]  }
0x2: {  	s0 =	srdreg.scid;
	s10 =	rddreg [dreg:$0x1]  }
0x3: {  	s2 =	rddreg [dreg:$0x2];
	s1 =	stileid.u32  }
0x4: {  	s3 =	simm.s32 $0x0;
	s30 =	simm.s32 $0x8F80;
	s11 =	smul.u32 $0x280, s1  }
0x5: {  	s31 =	simm.s32 $0x2;
	s0 =	sand.u32 $0x1, s0;
	s8 =	smul.u32 $0x50000, s1  }
0x6: {  	[smem:$0x7FF] =	sst s3;
	s13 =	sadd.s32 $0x34200, s6;
	s23 =	smul.u32 $0x14000, s1  }
0x7: {  	s4 =	sshll.u32 s0, $0x4;
	_ =	strace $0x8000004A;
	s7 =	ssub.s32 $0x2, s0  }
0x8: {  	s21 =	smul.u32 $0x140000, s0;
	p0 =	sne.s32 s0, $0x0;
	s0 =	simm.s32 $0x3  }
0x9: {  	s9 =	sor.u32 s1, s4;
	s4 =	sadd.s32 $0xBA00, s6;
	s24 =	sshrl.u32 s7, $0x1  }
0xa: {  	s25 =	sshrl.u32 s8, $0x2;
	s15 =	sadd.s32 $0x80, s11;
	s17 =	sadd.s32 $0x100, s11  }
0xb: {  	s19 =	sadd.s32 $0x180, s11;
	s22 =	sadd.s32 $0x200, s11;
	s5 =	smul.u32 $0x4E2, s9  }
0xc: {  	s14 =	ssub.s32 s7, s24;
	s16 =	sshll.u32 s15, $0x7;
	s18 =	sshll.u32 s17, $0x7  }
0xd: {  	s20 =	sshll.u32 s19, $0x7;
	s26 =	sshll.u32 s9, $0xB;
	s24 =	sshll.u32 s22, $0x7  }
0xe: {  	s23 =	sadd.s32 s23, s21;
	s19 =	sshll.u32 s19, $0x4;
	s7 =	sadd.s32 s16, s2  }
0xf: {  	s8 =	sadd.s32 s18, s2;
	s9 =	sadd.s32 s20, s2;
	s10 =	sadd.s32 s10, s26  }
0x10: {  	s26 =	sadd.s32 s21, s18;
	s28 =	sadd.s32 s21, s20;
	s29 =	sadd.s32 s21, s24  }
0x11: {  	s11 =	sadd.s32 s24, s2;
	s18 =	sshll.u32 s17, $0x4;
	s20 =	sadd.s32 s4, s19  }
0x12: {  	s19 =	smax.u32 s14, $0x1;
	s12 =	sadd.s32 s5, s6;
	s5 =	sadd.s32 $0x33A00, s6  }
0x13: {  	s6 =	sadd.s32 s25, s2;
	[dreg:$0x4] =	wrdreg s10;
	s10 =	smul.u32 $0x2800, s1  }
0x14: {  	s25 =	sadd.s32 s21, s16;
	s16 =	sshll.u32 s15, $0x4;
	[dreg:$0x8] =	wrdreg s20  }
0x15: {  	s21 =	sshll.u32 s22, $0x4;
	s22 =	sshrl.u32 s23, $0x3;
	s24 =	sshrl.u32 s26, $0x3  }
0x16: {  	s26 =	sshrl.u32 s29, $0x3;
	s29 =	simm.s32 $0x1;
	s17 =	sadd.s32 $0x1C00, s12  }
0x17: {  	s23 =	sshrl.u32 s25, $0x3;
	s25 =	sshrl.u32 s28, $0x3;
	s28 =	simm.s32 $0x6780  }
0x18: {  	s12 =	simm.s32 $0x0;
	s10 =	sadd.s32 s4, s10;
	s20 =	sadd.s32 s13, s23  }
0x19: {  	s23 =	sadd.s32 s13, s26;
	[dreg:$0x5] =	wrdreg s10;
	s10 =	sadd.s32 s4, s16  }
0x1a: {  	s26 =	simm.s32 $0x50;
	[dreg:$0x6] =	wrdreg s10;
	s10 =	sadd.s32 s4, s18  }
0x1b: {  	s18 =	sadd.s32 s13, s22;
	s22 =	sadd.s32 s13, s25;
	s25 =	simm.s32 $0x2780  }
0x1c: {  	[dreg:$0x7] =	wrdreg s10;
	s10 =	sadd.s32 s4, s21;
	s21 =	sadd.s32 s13, s24  }
0x1d: {  	s24 =	simm.s32 $0x5;
	[dreg:$0x9] =	wrdreg s10;
	s10 =	simm.s32 $0x4  }
.LBB2_1:
0x1e: {  	s13 =	sshll.u32 @p0 s1, $0x6  }
0x1f: {  	s14 =	sshrl.u32 @p0 s6, $0x3;
	s13 =	sor.u32 @p0 $0x1C05, s13  }
0x20: {  	[spmem:s14], [sflag:s13] =	dma.local @p0 [hbm:s5], $0x800  }
0x21: {  	s14 =	simm.s32 @p0 $0x5  }
0x22: {  	_ =	swait.ge @p0 [sflag:s14], $0x800  }
0x23: {  	[sflag:s14] =	ssyncset.done @p0 $0x0  }
0x24: {  	s15 =	sshrl.u32 @p0 s7, $0x3;
	[sflag:s14] =	ssyncadd.s32 @p0 $0xFFFFF800  }
0x25: {  	[spmem:s15], [sflag:s13] =	dma.local @p0 [hbm:s5], $0x800  }
0x26: {  	_ =	swait.ge @p0 [sflag:s14], $0x800  }
0x27: {  	[sflag:s14] =	ssyncset.done @p0 $0x0  }
0x28: {  	s15 =	sshrl.u32 @p0 s8, $0x3;
	[sflag:s14] =	ssyncadd.s32 @p0 $0xFFFFF800  }
0x29: {  	[spmem:s15], [sflag:s13] =	dma.local @p0 [hbm:s5], $0x800  }
0x2a: {  	_ =	swait.ge @p0 [sflag:s14], $0x800  }
0x2b: {  	[sflag:s14] =	ssyncset.done @p0 $0x0  }
0x2c: {  	s15 =	sshrl.u32 @p0 s9, $0x3;
	[sflag:s14] =	ssyncadd.s32 @p0 $0xFFFFF800  }
0x2d: {  	[spmem:s15], [sflag:s13] =	dma.local @p0 [hbm:s5], $0x800  }
0x2e: {  	_ =	swait.ge @p0 [sflag:s14], $0x800  }
0x2f: {  	[sflag:s14] =	ssyncset.done @p0 $0x0  }
0x30: {  	[sflag:s14] =	ssyncadd.s32 @p0 $0xFFFFF800;
	s14 =	sshrl.u32 @p0 s11, $0x3  }
0x31: {  	[spmem:s14], [sflag:s13] =	dma.local @p0 [hbm:s5], $0x800  }
0x32: {  	s13 =	sshll.u32 @!p0 s1, $0x6  }
0x33: {  	s14 =	sshrl.u32 @!p0 s6, $0x3;
	s13 =	sor.u32 @!p0 $0x1C05, s13;
	s15 =	rddreg [dreg:$0x5]  }
0x34: {  	[spmem:s14], [sflag:s13] =	dma.local @!p0 [hbm:s15], $0x800  }
0x35: {  	s14 =	simm.s32 @!p0 $0x5  }
0x36: {  	_ =	swait.ge @!p0 [sflag:s14], $0x800  }
0x37: {  	[sflag:s14] =	ssyncset.done @!p0 $0x0  }
0x38: {  	s15 =	sshrl.u32 @!p0 s7, $0x3;
	s16 =	rddreg [dreg:$0x6];
	[sflag:s14] =	ssyncadd.s32 @!p0 $0xFFFFF800  }
0x39: {  	[spmem:s15], [sflag:s13] =	dma.local @!p0 [hbm:s16], $0x800  }
0x3a: {  	_ =	swait.ge @!p0 [sflag:s14], $0x800  }
0x3b: {  	[sflag:s14] =	ssyncset.done @!p0 $0x0  }
0x3c: {  	s15 =	sshrl.u32 @!p0 s8, $0x3;
	s16 =	rddreg [dreg:$0x7];
	[sflag:s14] =	ssyncadd.s32 @!p0 $0xFFFFF800  }
0x3d: {  	[spmem:s15], [sflag:s13] =	dma.local @!p0 [hbm:s16], $0x800  }
0x3e: {  	_ =	swait.ge @!p0 [sflag:s14], $0x800  }
0x3f: {  	[sflag:s14] =	ssyncset.done @!p0 $0x0  }
0x40: {  	s15 =	sshrl.u32 @!p0 s9, $0x3;
	s16 =	rddreg [dreg:$0x8];
	[sflag:s14] =	ssyncadd.s32 @!p0 $0xFFFFF800  }
0x41: {  	[spmem:s15], [sflag:s13] =	dma.local @!p0 [hbm:s16], $0x800  }
0x42: {  	_ =	swait.ge @!p0 [sflag:s14], $0x800  }
0x43: {  	[sflag:s14] =	ssyncset.done @!p0 $0x0  }
0x44: {  	s15 =	rddreg [dreg:$0x9];
	[sflag:s14] =	ssyncadd.s32 @!p0 $0xFFFFF800;
	s14 =	sshrl.u32 @!p0 s11, $0x3  }
0x45: {  	[spmem:s14], [sflag:s13] =	dma.local @!p0 [hbm:s15], $0x800  }
0x46: {  	_ =	swait.ge [sflag:s24], $0x800  }
0x47: {  	[sflag:s24] =	ssyncset.done $0x0  }
0x48: {  	[sflag:s24] =	ssyncadd.s32 $0xFFFFF800  }
0x49: {  	[tilespmem:s3], [sflag:$0x5] =	stream.linear.gather [hbm4b:s17+s3], $0x2710, $0x38;
	[tilespmem:$0x1F780] =	vst v63  }
0x4a: {  	_ =	swait.ge [sflag:s24], $0x2710  }
0x4b: {  	[sflag:s24] =	ssyncset.done $0x0  }
0x4c: {  	s16 =	rddreg [dreg:$0x4];
	[sflag:s24] =	ssyncadd.s32 $0xFFFFD8F0  }
0x4d: {  	[tilespmem:s25], [sflag:$0x5] =	stream.linear.gather [hbm4b:s16+s3], $0x3E80, $0x38;
	[tilespmem:$0x1F780] =	vst v63  }
0x4e: {  	_ =	swait.ge [sflag:s24], $0x3E80  }
0x4f: {  	[sflag:s24] =	ssyncset.done $0x0  }
0x50: {  	[sflag:s24] =	ssyncadd.s32 $0xFFFFC180  }
0x51: {  	[bflag:$0x0] =	sbarrier.arrive $0xFFFF  }
0x52: {  	[tilespmem:s28], [sflag:$0x1] =	stream.indirect.gather [hbm4b:s4+s26], $0x80, s3, s26, $0xb8;
	[tilespmem:$0x1F780] =	vst v63  }
0x53: {  	_ =	swait.ge [sflag:s29], $0x2800  }
0x54: {  	[sflag:s29] =	ssyncset.done $0x0  }
0x55: {  	[sflag:s29] =	ssyncadd.s32 $0xFFFFD800  }
0x56: {  	[spmem:s2] =	stream.indirect.scatter.add.f32 [tilespmem:s28], [sflag:$0x3], $0x80, s25, s26, $0xb8;
	[tilespmem:$0x1F780] =	vst v63  }
0x57: {  	_ = 	snop  }
0x58: {  	[tilespmem:s30], [sflag:$0x2] =	stream.indirect.gather [hbm4b:s4+s26], $0x80, s26, s26, $0xb8;
	[tilespmem:$0x1F780] =	vst v63  }
0x59: {  	_ =	swait.ge [sflag:s31], $0x2800  }
0x5a: {  	[sflag:s31] =	ssyncset.done $0x0  }
0x5b: {  	s14 =	simm.s32 $0x2800;
	[sflag:s31] =	ssyncadd.s32 $0xFFFFD800  }
0x5c: {  	[spmem:s2] =	stream.indirect.scatter.add.f32 [tilespmem:s30], [sflag:$0x4], $0x80, s14, s26, $0xb8;
	[tilespmem:$0x1F780] =	vst v63  }
0x5d: {  	_ =	swait.ge [sflag:s0], $0x2800  }
0x5e: {  	[sflag:s0] =	ssyncset.done $0x0  }
0x5f: {  	s15 =	simm.s32 $0xA0;
	[sflag:s0] =	ssyncadd.s32 $0xFFFFD800  }
0x60: {  	[tilespmem:s28], [sflag:$0x1] =	stream.indirect.gather [hbm4b:s4+s26], $0x80, s15, s26, $0xb8;
	[tilespmem:$0x1F780] =	vst v63  }
0x61: {  	_ =	swait.ge [sflag:s29], $0x2800  }
0x62: {  	[sflag:s29] =	ssyncset.done $0x0  }
0x63: {  	s16 =	simm.s32 $0x2880;
	[sflag:s29] =	ssyncadd.s32 $0xFFFFD800  }
0x64: {  	[spmem:s2] =	stream.indirect.scatter.add.f32 [tilespmem:s28], [sflag:$0x3], $0x80, s16, s26, $0xb8;
	[tilespmem:$0x1F780] =	vst v63  }
0x65: {  	_ =	swait.ge [sflag:s10], $0x2800  }
0x66: {  	s13 =	simm.s32 $0xFFFF6A00;
	[sflag:s10] =	ssyncset.done $0x0  }
0x67: {  	s14 =	simm.s32 $0x2900;
	s15 =	simm.s32 $0xF0;
	[sflag:s10] =	ssyncadd.s32 $0xFFFFD800  }
.LBB2_2:
0x68: {  	[tilespmem:s30], [sflag:$0x2] =	stream.indirect.gather [hbm4b:s4+s26], $0x80, s15, s26, $0xb8;
	[tilespmem:$0x1F780] =	vst v63  }
0x69: {  	s15 =	smov.u32 s13  }
0x6a: {  	p1 =	sne.s32 s13, $0xFFFFFD80;
	s13 =	sadd.s32 $0x280, s13;
	_ =	swait.ge [sflag:s31], $0x2800  }
0x6b: {  	[sflag:s31] =	ssyncset.done $0x0  }
0x6c: {  	[sflag:s31] =	ssyncadd.s32 $0xFFFFD800  }
0x6d: {  	[spmem:s2] =	stream.indirect.scatter.add.f32 [tilespmem:s30], [sflag:$0x4], $0x80, s14, s26, $0xb8;
	[tilespmem:$0x1F780] =	vst v63  }
0x6e: {  	_ =	swait.ge [sflag:s0], $0x2800  }
0x6f: {  	s15 =	sshra.s32 s15, $0x2;
	[sflag:s0] =	ssyncset.done $0x0  }
0x70: {  	s16 =	sadd.s32 $0x26C0, s15;
	[sflag:s0] =	ssyncadd.s32 $0xFFFFD800  }
0x71: {  	[tilespmem:s28], [sflag:$0x1] =	stream.indirect.gather [hbm4b:s4+s26], $0x80, s16, s26, $0xb8;
	[tilespmem:$0x1F780] =	vst v63  }
0x72: {  	_ =	swait.ge [sflag:s29], $0x2800  }
0x73: {  	[sflag:s29] =	ssyncset.done $0x0  }
.Ltmp0:
0x74: {  	s16 =	sadd.s32 $0x80, s14;
	[sflag:s29] =	ssyncadd.s32 $0xFFFFD800;
	(pc) =	sbr.rel @p1 .LBB2_2-.Ltmp0, $4  }
0x75: {  	[spmem:s2] =	stream.indirect.scatter.add.f32 [tilespmem:s28], [sflag:$0x3], $0x80, s16, s26, $0xb8;
	[tilespmem:$0x1F780] =	vst v63  }
0x76: {  	_ =	swait.ge [sflag:s10], $0x2800  }
0x77: {  	[sflag:s10] =	ssyncset.done $0x0  }
0x78: {  	s15 =	sadd.s32 $0x2710, s15;
	s14 =	sadd.s32 $0x100, s14;
	[sflag:s10] =	ssyncadd.s32 $0xFFFFD800  }
0x79: {  	[tilespmem:s30], [sflag:$0x2] =	stream.indirect.gather [hbm4b:s4+s26], $0x80, s15, s26, $0xb8;
	[tilespmem:$0x1F780] =	vst v63  }
0x7a: {  	_ =	swait.ge [sflag:s31], $0x2800  }
0x7b: {  	[sflag:s31] =	ssyncset.done $0x0  }
0x7c: {  	s13 =	simm.s32 $0x6500;
	[sflag:s31] =	ssyncadd.s32 $0xFFFFD800  }
0x7d: {  	[spmem:s2] =	stream.indirect.scatter.add.f32 [tilespmem:s30], [sflag:$0x4], $0x80, s13, s26, $0xb8;
	[tilespmem:$0x1F780] =	vst v63  }
0x7e: {  	_ =	swait.ge [sflag:s0], $0x2800  }
0x7f: {  	[sflag:s0] =	ssyncset.done $0x0  }
0x80: {  	s15 =	simm.s32 $0x26C0;
	[sflag:s0] =	ssyncadd.s32 $0xFFFFD800  }
0x81: {  	[tilespmem:s28], [sflag:$0x1] =	stream.indirect.gather [hbm4b:s4+s26], $0x80, s15, s26, $0xb8;
	[tilespmem:$0x1F780] =	vst v63  }
0x82: {  	_ =	swait.ge [sflag:s29], $0x2800  }
0x83: {  	[sflag:s29] =	ssyncset.done $0x0  }
0x84: {  	s16 =	simm.s32 $0x6580;
	[sflag:s29] =	ssyncadd.s32 $0xFFFFD800  }
0x85: {  	[spmem:s2] =	stream.indirect.scatter.add.f32 [tilespmem:s28], [sflag:$0x3], $0x80, s16, s26, $0xb8;
	[tilespmem:$0x1F780] =	vst v63  }
0x86: {  	_ =	swait.ge [sflag:s10], $0x2800  }
0x87: {  	[sflag:s10] =	ssyncset.done $0x0  }
0x88: {  	[sflag:s10] =	ssyncadd.s32 $0xFFFFD800  }
0x89: {  	_ =	swait.ge [sflag:s0], $0x2800  }
0x8a: {  	[sflag:s0] =	ssyncset.done $0x0  }
0x8b: {  	s14 =	sshll.u32 s1, $0x6;
	[sflag:s0] =	ssyncadd.s32 $0xFFFFD800  }
0x8c: {  	s13 =	sor.u32 $0x1C05, s14;
	s14 =	sshrl.u32 s6, $0x3;
	[bflag:$0x0] =	sbarrier.arrive $0xFFFF  }
0x8d: {  	[hbm:s18], [sflag:s13] =	dma.local [spmem:s14], $0x800  }
0x8e: {  	_ =	swait.ge [sflag:s24], $0x800  }
0x8f: {  	[sflag:s24] =	ssyncset.done $0x0  }
0x90: {  	s15 =	sshrl.u32 s7, $0x3;
	[sflag:s24] =	ssyncadd.s32 $0xFFFFF800  }
0x91: {  	[hbm:s20], [sflag:s13] =	dma.local [spmem:s15], $0x800  }
0x92: {  	_ =	swait.ge [sflag:s24], $0x800  }
0x93: {  	[sflag:s24] =	ssyncset.done $0x0  }
0x94: {  	s16 =	sshrl.u32 s8, $0x3;
	[sflag:s24] =	ssyncadd.s32 $0xFFFFF800  }
0x95: {  	[hbm:s21], [sflag:s13] =	dma.local [spmem:s16], $0x800  }
0x96: {  	_ =	swait.ge [sflag:s24], $0x800  }
0x97: {  	[sflag:s24] =	ssyncset.done $0x0  }
0x98: {  	s15 =	sshrl.u32 s9, $0x3;
	[sflag:s24] =	ssyncadd.s32 $0xFFFFF800  }
0x99: {  	[hbm:s22], [sflag:s13] =	dma.local [spmem:s15], $0x800  }
0x9a: {  	s12 =	sadd.s32 $0x1, s12;
	_ =	swait.ge [sflag:s24], $0x800  }
0x9b: {  	p1 =	sne.s32 s12, s19;
	[sflag:s24] =	ssyncset.done $0x0  }
.Ltmp1:
0x9c: {  	s16 =	sshrl.u32 s11, $0x3;
	[sflag:s24] =	ssyncadd.s32 $0xFFFFF800;
	(pc) =	sbr.rel @p1 .LBB2_1-.Ltmp1, $4  }
0x9d: {  	[hbm:s23], [sflag:s13] =	dma.local [spmem:s16], $0x800  }
0x9e: {  	_ =	swait.ge [sflag:s24], $0x800  }
0x9f: {  	[sflag:s24] =	ssyncset.done $0x0  }
0xa0: {  	[sflag:s24] =	ssyncadd.s32 $0xFFFFF800  }
0xa1: {  	_ =	sfence.sel $0x180000  }
0xa2: {  	[bflag:$0x0] =	sbarrier.arrive $0xFFFF  }
0xa3: {  	_ =	strace $0x9000004A  }
0xa4: {  	[bflag:$0x2] =	sbarrier.arrive $0xFFFF  }
0xa5: {  	p0 =	sne.s32 s1, $0x0;
	s0 =	rddreg [dreg:$0x3]  }
0xa6: {  	s0 =	sadd.s32 @!p0 $0x100000, s0  }
0xa7: {  	[sflag:s0] =	ssyncadd.tile.s32 @!p0 $0x1;
	_ =	shalt  }
.Lfunc_end2:
_tile_overlayer_lowered:
.L_overlay_start_2:
0xa8: {  	(tag) =	ssettag $0x2  }
0xa9: {  	s0 =	rddreg [dreg:$0x0];
	s2 =	stileid.u32  }
0xaa: {  	s1 =	rddreg [dreg:$0x1];
	p0 =	sne.s32 s2, $0x0  }
0xab: {  	s3 =	rddreg [dreg:$0x2];
	[bflag:$0x3] =	sbarrier.arrive $0xFFFF;
	s2 =	simm.s32 @!p0 $0x1C05  }
0xac: {  	[timem:s3], [sflag:s2] =	dma.local @!p0 [hbm:s0], s1  }
0xad: {  	s0 =	simm.s32 @!p0 $0x5  }
0xae: {  	_ =	swait.ge @!p0 [sflag:s0], s1  }
0xaf: {  	s1 =	ssub.s32 @!p0 $0x0, s1;
	[sflag:s0] =	ssyncset.done @!p0 $0x0  }
0xb0: {  	[sflag:s0] =	ssyncadd.s32 @!p0 s1  }
0xb1: {  	[bflag:$0x3] =	sbarrier.arrive $0xFFFF  }
0xb2: {  	_ =	shalt  }

// kernel: kernel.14.cloned.1.call-start
scs
__scs_entry_jumppad:
0x0: {  	(pc) =	sbr.rel $0x88, $3  }
0x1: {  	(tag) =	ssettag $0x0;
	lr =	simm.s32 $0x1  }
0x2: {  	[smem:$0x3F9B] =	sst lr;
	_ =	strace $0xD0000000  }
0x3: {  	_ = 	snop  }
0x4: {  	_ = 	snop  }
0x5: {  	_ = 	snop  }
0x6: {  	_ = 	snop  }
0x7: {  	_ = 	snop  }
__scs_overlays_trampoline_lowered:
0x8: {  	[smem:$0x3FAA] =	sst s0  }
0x9: {  	[smem:$0x3FAB] =	sst s1  }
0xa: {  	[smem:$0x3FAC] =	sst s2  }
0xb: {  	[smem:$0x3FAD] =	sst s3  }
0xc: {  	[smem:$0x3FAE] =	sst s4  }
0xd: {  	[smem:$0x3FAF] =	sst s5  }
0xe: {  	[smem:$0x3FB0] =	sst s6  }
0xf: {  	[smem:$0x3FB1] =	sst s7  }
0x10: {  	[smem:$0x3FB2] =	sst s8  }
0x11: {  	[smem:$0x3FB3] =	sst s9;
	s0 =	simm.s32 @!p0 $0x0  }
0x12: {  	s1 =	sld [smem:$0x3F99];
	s0 =	simm.s32 @p0 $0x1  }
0x13: {  	[smem:$0x3FB4] =	sst s0;
	s0 =	simm.s32 @!p1 $0x0  }
0x14: {  	s2 =	sld [smem:$0x3F98];
	s0 =	simm.s32 @p1 $0x1  }
0x15: {  	[smem:$0x3FB5] =	sst s0;
	s0 =	simm.s32 @!p2 $0x0  }
0x16: {  	s3 =	sld [smem:$0x3FDB];
	s0 =	simm.s32 @p2 $0x1  }
0x17: {  	s4 =	simm.s32 $0x1BF5;
	[smem:$0x3FB7] =	sst s0  }
0x18: {  	s0 =	sld [smem:$0x3F9A];
	_ =	swait.ge [sflag:s4], $0x0  }
0x19: {  	s7 =	sld [smem:$0x3F9B]  }
0x1a: {  	s8 =	sadd.s32 $0xFFFFE003, lr  }
0x1b: {  	s9 =	sadd.s32 $0xFFFFFEF7, lr;
	s5 =	simm.s32 $0xFFFFFFFF;
	p2 =	slt.u32 s8, $0xFFFFF086  }
0x1c: {  	p1 =	slt.u32 s9, $0xF7A;
	s5 =	simm.s32 @!p2 $0x0  }
0x1d: {  	s5 =	simm.s32 @p1 $0x1;
	p0 =	seq.s32 s7, s2  }
0x1e: {  	s7 =	smul.u32 @!p0 $0xF7A, s2;
	p2 =	seq.s32 @!p0 s5, $0x0  }
0x1f: {  	s9 =	smul.u32 $0xF7A, s1;
	s8 =	simm.s32 @!p0 $0x1BF5;
	p2 =	por !p2, p0  }
0x20: {  	[sflag:s8] =	ssyncset.s32 @!p0 $0xFFFFF086;
	s6 =	sadd.s32 @!p0 s3, s7;
	s7 =	simm.s32 @!p0 $0x108  }
0x21: {  	s3 =	sadd.s32 s3, s9;
	s6 =	sadd.s32 @!p0 $0x88, s6;
	s7 =	simm.s32 @p2 $0x1082  }
0x22: {  	[simem:s7], [sflag:s8] =	dma.local @!p0 [hbm:s6], $0xF7A  }
0x23: {  	s9 =	sor.u32 $0xD0000000, s2;
	s6 =	simm.s32 $0x108;
	_ =	swait.ge @!p0 [sflag:s8], $0x0  }
0x24: {  	s3 =	sadd.s32 $0x88, s3;
	s6 =	simm.s32 @!p1 $0x1082;
	[sflag:s4] =	ssyncset.s32 $0xFFFFF086  }
0x25: {  	[simem:s6], [sflag:s4] =	dma.local [hbm:s3], $0xF7A  }
0x26: {  	[smem:$0x3F9B] =	sst s1;
	(tag) =	ssettag s2;
	_ =	strace s9  }
0x27: {  	s1 =	sld [smem:$0x3FAB]  }
0x28: {  	s2 =	sld [smem:$0x3FAC]  }
0x29: {  	s4 =	sld [smem:$0x3FAE]  }
0x2a: {  	p0 =	seq.s32 s5, $0x0;
	s5 =	sld [smem:$0x3FAF]  }
0x2b: {  	s6 =	sld [smem:$0x3FB0]  }
0x2c: {  	s7 =	sld [smem:$0x3FB1]  }
0x2d: {  	s3 =	simm.s32 $0x108;
	s8 =	sld [smem:$0x3FB2]  }
0x2e: {  	s3 =	simm.s32 @!p0 $0x1082;
	s9 =	sld [smem:$0x3FB3]  }
0x2f: {  	lr =	sadd.s32 s0, s3;
	s0 =	sld [smem:$0x3FAA]  }
0x30: {  	s3 =	sld [smem:$0x3FAD]  }
0x31: {  	[smem:$0x3FB6] =	sst s10  }
0x32: {  	s10 =	sld [smem:$0x3FB4];
	_ =	sdelay $0x3  }
0x33: {  	p0 =	seq.s32 s10, $0x1;
	s10 =	sld [smem:$0x3FB6];
	_ =	sdelay $0x3  }
0x34: {  	[smem:$0x3FB6] =	sst s10  }
0x35: {  	s10 =	sld [smem:$0x3FB5];
	_ =	sdelay $0x3  }
0x36: {  	p1 =	seq.s32 s10, $0x1;
	s10 =	sld [smem:$0x3FB6];
	_ =	sdelay $0x3  }
0x37: {  	[smem:$0x3FB6] =	sst s10  }
0x38: {  	s10 =	sld [smem:$0x3FB7]  }
0x39: {  	_ = 	snop;
	(pc) =	sbr.ind lr, $3  }
0x3a: {  	_ = 	snop  }
0x3b: {  	_ = 	snop  }
0x3c: {  	p2 =	seq.s32 s10, $0x1;
	s10 =	sld [smem:$0x3FB6]  }
0x3d: {  	_ =	shalt  }
0x3e: {  	_ =	shalt  }
0x3f: {  	_ =	shalt  }
0x40: {  	_ =	shalt  }
0x41: {  	_ =	shalt  }
0x42: {  	_ =	shalt  }
0x43: {  	_ =	shalt  }
0x44: {  	_ =	shalt  }
0x45: {  	_ =	shalt  }
0x46: {  	_ =	shalt  }
0x47: {  	_ =	shalt  }
0x48: {  	_ =	shalt  }
0x49: {  	_ =	shalt  }
0x4a: {  	_ =	shalt  }
0x4b: {  	_ =	shalt  }
0x4c: {  	_ =	shalt  }
0x4d: {  	_ =	shalt  }
0x4e: {  	_ =	shalt  }
0x4f: {  	_ =	shalt  }
0x50: {  	_ =	shalt  }
0x51: {  	_ =	shalt  }
0x52: {  	_ =	shalt  }
0x53: {  	_ =	shalt  }
0x54: {  	_ =	shalt  }
0x55: {  	_ =	shalt  }
0x56: {  	_ =	shalt  }
0x57: {  	_ =	shalt  }
0x58: {  	_ =	shalt  }
0x59: {  	_ =	shalt  }
0x5a: {  	_ =	shalt  }
0x5b: {  	_ =	shalt  }
0x5c: {  	_ =	shalt  }
0x5d: {  	_ =	shalt  }
0x5e: {  	_ =	shalt  }
0x5f: {  	_ =	shalt  }
0x60: {  	_ =	shalt  }
0x61: {  	_ =	shalt  }
0x62: {  	_ =	shalt  }
0x63: {  	_ =	shalt  }
0x64: {  	_ =	shalt  }
0x65: {  	_ =	shalt  }
0x66: {  	_ =	shalt  }
0x67: {  	_ =	shalt  }
0x68: {  	_ =	shalt  }
0x69: {  	_ =	shalt  }
0x6a: {  	_ =	shalt  }
0x6b: {  	_ =	shalt  }
0x6c: {  	_ =	shalt  }
0x6d: {  	_ =	shalt  }
0x6e: {  	_ =	shalt  }
0x6f: {  	_ =	shalt  }
0x70: {  	_ =	shalt  }
0x71: {  	_ =	shalt  }
0x72: {  	_ =	shalt  }
0x73: {  	_ =	shalt  }
0x74: {  	_ =	shalt  }
0x75: {  	_ =	shalt  }
0x76: {  	_ =	shalt  }
0x77: {  	_ =	shalt  }
0x78: {  	_ =	shalt  }
0x79: {  	_ =	shalt  }
0x7a: {  	_ =	shalt  }
0x7b: {  	_ =	shalt  }
0x7c: {  	_ =	shalt  }
0x7d: {  	_ =	shalt  }
0x7e: {  	_ =	shalt  }
0x7f: {  	_ =	shalt  }
0x80: {  	_ =	shalt  }
0x81: {  	_ =	shalt  }
0x82: {  	_ =	shalt  }
0x83: {  	_ =	shalt  }
0x84: {  	_ =	shalt  }
0x85: {  	_ =	shalt  }
0x86: {  	_ =	shalt  }
0x87: {  	_ =	shalt  }
.Lfunc_end0:
.L_simem_size_0:
called_computation.2_lowered:
.L_overlay_start_0:
0x88: {  	s2 =	sld [smem:$0x3FD9]  }
0x89: {  	s3 =	sld [smem:$0x3FFE];
	_ =	sdelay $0x1  }
0x8a: {  	s1 =	srdreg.scid  }
0x8b: {  	s0 =	sand.u32 $0x1, s1  }
0x8c: {  	s17 =	sshll.u32 s0, $0xA;
	s2 =	sadd.s32 s3, s2  }
0x8d: {  	s2 =	sadd.s32 s2, s17  }
0x8e: {  	[smem:$0x3FC2] =	sst s2  }
0x8f: {  	_ = 	snop  }
0x90: {  	s2 =	sld [smem:$0x3FD0];
	(tm) =	ssettm $0x1  }
0x91: {  	s18 =	sld [smem:$0x3FFB];
	_ =	sdelay $0x3  }
0x92: {  	_ =	strace s18  }
0x93: {  	s3 =	sld [smem:$0x3FFC];
	_ =	sdelay $0x3  }
0x94: {  	_ =	strace s3  }
0x95: {  	s3 =	sld [smem:$0x3FFD];
	_ =	sdelay $0x3  }
0x96: {  	_ =	strace s3  }
0x97: {  	_ =	strace $0x8FFFFFFF  }
0x98: {  	s19 =	sld [smem:$0x3FDB];
	_ =	sdelay $0x1  }
0x99: {  	s4 =	simm.s32 $_scs_section_size  }
0x9a: {  	s5 =	simm.s32 $_size__tile_overlayer_lowered;
	s6 =	simm.s32 $_tile_overlayer_lowered  }
0x9b: {  	s22 =	simm.s32 $0x1BFF;
	s21 =	sshll.u32 s6, $0x1;
	s3 =	sadd.s32 s4, s19  }
0x9c: {  	s7 =	simm.s32 $0x0;
	s20 =	sshll.u32 s5, $0x1;
	s5 =	sadd.s32 s21, s3  }
0x9d: {  	[timem:s7], [sflag:s22] =	dma.local [hbm:s5], s20  }
0x9e: {  	_ =	swait.ge [sflag:s22], s20  }
0x9f: {  	s4 =	ssub.s32 $0x0, s20;
	[sflag:s22] =	ssyncset.done $0x0  }
0xa0: {  	[sflag:s22] =	ssyncadd.s32 s4;
	_ =	sdelay $0x1  }
0xa1: {  	s23 =	simm.s32 $0x1B8B  }
0xa2: {  	_ =	swait.ge [sflag:s23], $0x1  }
0xa3: {  	[sflag:s23] =	ssyncset.done $0x0  }
0xa4: {  	s25 =	simm.s32 $0x1B8E;
	s24 =	sld [smem:$0x3FFE];
	[sflag:s23] =	ssyncadd.s32 $0xFFFFFFFF  }
0xa5: {  	s26 =	simm.s32 $execute0_lowered;
	[smem:$0x3FD2] =	sst s25  }
0xa6: {  	s5 =	sshll.u32 s26, $0x1;
	_ =	strace $0x8000004C;
	[dreg:$0x1] =	wrdreg $0xFFFFFFFF  }
0xa7: {  	s28 =	simm.s32 $_size_execute0_lowered;
	s3 =	sadd.s32 s3, s5;
	[dreg:$0x0] =	wrdreg $0x0  }
0xa8: {  	s5 =	sshll.u32 s28, $0x1;
	[dreg:$0x2] =	wrdreg s3  }
0xa9: {  	[dreg:$0x3] =	wrdreg s5  }
0xaa: {  	[dreg:$0x4] =	wrdreg $0xC0  }
0xab: {  	_ =	task [dreg:s7], $0x5FFFF  }
0xac: {  	[dreg:$0x1] =	wrdreg $0xFFFFFFFF  }
0xad: {  	[dreg:$0x0] =	wrdreg $0x60  }
0xae: {  	[dreg:$0x2] =	wrdreg s24  }
0xaf: {  	[dreg:$0x3] =	wrdreg s2  }
0xb0: {  	[dreg:$0x4] =	wrdreg $0xB7800  }
0xb1: {  	[dreg:$0x5] =	wrdreg $0x9  }
0xb2: {  	_ =	task.clear_ibuf [dreg:s7], $0x6FFFF;
	_ =	strace $0x9000004C  }
0xb3: {  	s29 =	simm.s32 $0x9;
	_ =	strace $0x8000004E  }
0xb4: {  	_ =	swait.ge [sflag:s29], $0x1  }
0xb5: {  	[sflag:s29] =	ssyncadd.s32 $0xFFFFFFFF  }
0xb6: {  	_ =	strace $0x9000004E  }
0xb7: {  	_ =	sfence  }
0xb8: {  	s30 =	sld [smem:$0x0];
	_ =	sdelay $0x2  }
0xb9: {  	s31 =	sshll.u32 s1, $0xD;
	s1 =	sshrl.u32 s1, $0x2  }
0xba: {  	s3 =	sand.u32 $0x4000, s31;
	s1 =	sadd.s32 s1, s30  }
0xbb: {  	s0 =	sor.u32 s3, s0;
	s1 =	sshll.u32 s1, $0x11  }
0xbc: {  	s0 =	sor.u32 s1, s0  }
0xbd: {  	s0 =	sadd.s32 $0x8F2B, s0  }
0xbe: {  	[sflag:s0] =	ssyncadd.remote.s32 $0x1  }
0xbf: {  	_ =	sfence.sel $0xFFFF  }
0xc0: {  	[dreg:$0x0] =	wrdreg $0xFFFFFFFF;
	(pc) =	sbr.abs _section_cstart, $3  }
0xc1: {  	[dreg:$0x1] =	wrdreg $0xFFFFFFFF  }
0xc2: {  	_ =	task.clear_ibuf [dreg:s7], $0x2FFFF;
	_ =	strace $0x9FFFFFFF  }
0xc3: {  	(tm) =	ssettm $0x7FFFFFFF  }
tec
execute0_lowered:
.L_overlay_start_1:
0x0: {  	(tag) =	ssettag $0x1  }
0x1: {  	s6 =	rddreg [dreg:$0x0]  }
0x2: {  	s0 =	srdreg.scid;
	s10 =	rddreg [dreg:$0x1]  }
0x3: {  	s2 =	rddreg [dreg:$0x2];
	s1 =	stileid.u32  }
0x4: {  	s3 =	simm.s32 $0x0;
	s30 =	simm.s32 $0x8F80;
	s11 =	smul.u32 $0x280, s1  }
0x5: {  	s31 =	simm.s32 $0x2;
	s0 =	sand.u32 $0x1, s0;
	s8 =	smul.u32 $0x50000, s1  }
0x6: {  	[smem:$0x7FF] =	sst s3;
	s13 =	sadd.s32 $0x34200, s6;
	s23 =	smul.u32 $0x14000, s1  }
0x7: {  	s4 =	sshll.u32 s0, $0x4;
	_ =	strace $0x8000004D;
	s7 =	ssub.s32 $0x2, s0  }
0x8: {  	s21 =	smul.u32 $0x140000, s0;
	p0 =	sne.s32 s0, $0x0;
	s0 =	simm.s32 $0x3  }
0x9: {  	s9 =	sor.u32 s1, s4;
	s4 =	sadd.s32 $0xBA00, s6;
	s24 =	sshrl.u32 s7, $0x1  }
0xa: {  	s25 =	sshrl.u32 s8, $0x2;
	s15 =	sadd.s32 $0x80, s11;
	s17 =	sadd.s32 $0x100, s11  }
0xb: {  	s19 =	sadd.s32 $0x180, s11;
	s22 =	sadd.s32 $0x200, s11;
	s5 =	smul.u32 $0x4E2, s9  }
0xc: {  	s14 =	ssub.s32 s7, s24;
	s16 =	sshll.u32 s15, $0x7;
	s18 =	sshll.u32 s17, $0x7  }
0xd: {  	s20 =	sshll.u32 s19, $0x7;
	s26 =	sshll.u32 s9, $0xB;
	s24 =	sshll.u32 s22, $0x7  }
0xe: {  	s23 =	sadd.s32 s23, s21;
	s19 =	sshll.u32 s19, $0x4;
	s7 =	sadd.s32 s16, s2  }
0xf: {  	s8 =	sadd.s32 s18, s2;
	s9 =	sadd.s32 s20, s2;
	s10 =	sadd.s32 s10, s26  }
0x10: {  	s26 =	sadd.s32 s21, s18;
	s28 =	sadd.s32 s21, s20;
	s29 =	sadd.s32 s21, s24  }
0x11: {  	s11 =	sadd.s32 s24, s2;
	s18 =	sshll.u32 s17, $0x4;
	s20 =	sadd.s32 s4, s19  }
0x12: {  	s19 =	smax.u32 s14, $0x1;
	s12 =	sadd.s32 s5, s6;
	s5 =	sadd.s32 $0x33A00, s6  }
0x13: {  	s6 =	sadd.s32 s25, s2;
	[dreg:$0x4] =	wrdreg s10;
	s10 =	smul.u32 $0x2800, s1  }
0x14: {  	s25 =	sadd.s32 s21, s16;
	s16 =	sshll.u32 s15, $0x4;
	[dreg:$0x8] =	wrdreg s20  }
0x15: {  	s21 =	sshll.u32 s22, $0x4;
	s22 =	sshrl.u32 s23, $0x3;
	s24 =	sshrl.u32 s26, $0x3  }
0x16: {  	s26 =	sshrl.u32 s29, $0x3;
	s29 =	simm.s32 $0x1;
	s17 =	sadd.s32 $0x1C00, s12  }
0x17: {  	s23 =	sshrl.u32 s25, $0x3;
	s25 =	sshrl.u32 s28, $0x3;
	s28 =	simm.s32 $0x6780  }
0x18: {  	s12 =	simm.s32 $0x0;
	s10 =	sadd.s32 s4, s10;
	s20 =	sadd.s32 s13, s23  }
0x19: {  	s23 =	sadd.s32 s13, s26;
	[dreg:$0x5] =	wrdreg s10;
	s10 =	sadd.s32 s4, s16  }
0x1a: {  	s26 =	simm.s32 $0x50;
	[dreg:$0x6] =	wrdreg s10;
	s10 =	sadd.s32 s4, s18  }
0x1b: {  	s18 =	sadd.s32 s13, s22;
	s22 =	sadd.s32 s13, s25;
	s25 =	simm.s32 $0x2780  }
0x1c: {  	[dreg:$0x7] =	wrdreg s10;
	s10 =	sadd.s32 s4, s21;
	s21 =	sadd.s32 s13, s24  }
0x1d: {  	s24 =	simm.s32 $0x5;
	[dreg:$0x9] =	wrdreg s10;
	s10 =	simm.s32 $0x4  }
.LBB2_1:
0x1e: {  	s13 =	sshll.u32 @p0 s1, $0x6  }
0x1f: {  	s14 =	sshrl.u32 @p0 s6, $0x3;
	s13 =	sor.u32 @p0 $0x1C05, s13  }
0x20: {  	[spmem:s14], [sflag:s13] =	dma.local @p0 [hbm:s5], $0x800  }
0x21: {  	s14 =	simm.s32 @p0 $0x5  }
0x22: {  	_ =	swait.ge @p0 [sflag:s14], $0x800  }
0x23: {  	[sflag:s14] =	ssyncset.done @p0 $0x0  }
0x24: {  	s15 =	sshrl.u32 @p0 s7, $0x3;
	[sflag:s14] =	ssyncadd.s32 @p0 $0xFFFFF800  }
0x25: {  	[spmem:s15], [sflag:s13] =	dma.local @p0 [hbm:s5], $0x800  }
0x26: {  	_ =	swait.ge @p0 [sflag:s14], $0x800  }
0x27: {  	[sflag:s14] =	ssyncset.done @p0 $0x0  }
0x28: {  	s15 =	sshrl.u32 @p0 s8, $0x3;
	[sflag:s14] =	ssyncadd.s32 @p0 $0xFFFFF800  }
0x29: {  	[spmem:s15], [sflag:s13] =	dma.local @p0 [hbm:s5], $0x800  }
0x2a: {  	_ =	swait.ge @p0 [sflag:s14], $0x800  }
0x2b: {  	[sflag:s14] =	ssyncset.done @p0 $0x0  }
0x2c: {  	s15 =	sshrl.u32 @p0 s9, $0x3;
	[sflag:s14] =	ssyncadd.s32 @p0 $0xFFFFF800  }
0x2d: {  	[spmem:s15], [sflag:s13] =	dma.local @p0 [hbm:s5], $0x800  }
0x2e: {  	_ =	swait.ge @p0 [sflag:s14], $0x800  }
0x2f: {  	[sflag:s14] =	ssyncset.done @p0 $0x0  }
0x30: {  	[sflag:s14] =	ssyncadd.s32 @p0 $0xFFFFF800;
	s14 =	sshrl.u32 @p0 s11, $0x3  }
0x31: {  	[spmem:s14], [sflag:s13] =	dma.local @p0 [hbm:s5], $0x800  }
0x32: {  	s13 =	sshll.u32 @!p0 s1, $0x6  }
0x33: {  	s14 =	sshrl.u32 @!p0 s6, $0x3;
	s13 =	sor.u32 @!p0 $0x1C05, s13;
	s15 =	rddreg [dreg:$0x5]  }
0x34: {  	[spmem:s14], [sflag:s13] =	dma.local @!p0 [hbm:s15], $0x800  }
0x35: {  	s14 =	simm.s32 @!p0 $0x5  }
0x36: {  	_ =	swait.ge @!p0 [sflag:s14], $0x800  }
0x37: {  	[sflag:s14] =	ssyncset.done @!p0 $0x0  }
0x38: {  	s15 =	sshrl.u32 @!p0 s7, $0x3;
	s16 =	rddreg [dreg:$0x6];
	[sflag:s14] =	ssyncadd.s32 @!p0 $0xFFFFF800  }
0x39: {  	[spmem:s15], [sflag:s13] =	dma.local @!p0 [hbm:s16], $0x800  }
0x3a: {  	_ =	swait.ge @!p0 [sflag:s14], $0x800  }
0x3b: {  	[sflag:s14] =	ssyncset.done @!p0 $0x0  }
0x3c: {  	s15 =	sshrl.u32 @!p0 s8, $0x3;
	s16 =	rddreg [dreg:$0x7];
	[sflag:s14] =	ssyncadd.s32 @!p0 $0xFFFFF800  }
0x3d: {  	[spmem:s15], [sflag:s13] =	dma.local @!p0 [hbm:s16], $0x800  }
0x3e: {  	_ =	swait.ge @!p0 [sflag:s14], $0x800  }
0x3f: {  	[sflag:s14] =	ssyncset.done @!p0 $0x0  }
0x40: {  	s15 =	sshrl.u32 @!p0 s9, $0x3;
	s16 =	rddreg [dreg:$0x8];
	[sflag:s14] =	ssyncadd.s32 @!p0 $0xFFFFF800  }
0x41: {  	[spmem:s15], [sflag:s13] =	dma.local @!p0 [hbm:s16], $0x800  }
0x42: {  	_ =	swait.ge @!p0 [sflag:s14], $0x800  }
0x43: {  	[sflag:s14] =	ssyncset.done @!p0 $0x0  }
0x44: {  	s15 =	rddreg [dreg:$0x9];
	[sflag:s14] =	ssyncadd.s32 @!p0 $0xFFFFF800;
	s14 =	sshrl.u32 @!p0 s11, $0x3  }
0x45: {  	[spmem:s14], [sflag:s13] =	dma.local @!p0 [hbm:s15], $0x800  }
0x46: {  	_ =	swait.ge [sflag:s24], $0x800  }
0x47: {  	[sflag:s24] =	ssyncset.done $0x0  }
0x48: {  	[sflag:s24] =	ssyncadd.s32 $0xFFFFF800  }
0x49: {  	[tilespmem:s3], [sflag:$0x5] =	stream.linear.gather [hbm4b:s17+s3], $0x2710, $0x38;
	[tilespmem:$0x1F780] =	vst v63  }
0x4a: {  	_ =	swait.ge [sflag:s24], $0x2710  }
0x4b: {  	[sflag:s24] =	ssyncset.done $0x0  }
0x4c: {  	s16 =	rddreg [dreg:$0x4];
	[sflag:s24] =	ssyncadd.s32 $0xFFFFD8F0  }
0x4d: {  	[tilespmem:s25], [sflag:$0x5] =	stream.linear.gather [hbm4b:s16+s3], $0x3E80, $0x38;
	[tilespmem:$0x1F780] =	vst v63  }
0x4e: {  	_ =	swait.ge [sflag:s24], $0x3E80  }
0x4f: {  	[sflag:s24] =	ssyncset.done $0x0  }
0x50: {  	[sflag:s24] =	ssyncadd.s32 $0xFFFFC180  }
0x51: {  	[bflag:$0x0] =	sbarrier.arrive $0xFFFF  }
0x52: {  	[tilespmem:s28], [sflag:$0x1] =	stream.indirect.gather [hbm4b:s4+s26], $0x80, s3, s26, $0xb8;
	[tilespmem:$0x1F780] =	vst v63  }
0x53: {  	_ =	swait.ge [sflag:s29], $0x2800  }
0x54: {  	[sflag:s29] =	ssyncset.done $0x0  }
0x55: {  	[sflag:s29] =	ssyncadd.s32 $0xFFFFD800  }
0x56: {  	[spmem:s2] =	stream.indirect.scatter.add.f32 [tilespmem:s28], [sflag:$0x3], $0x80, s25, s26, $0xb8;
	[tilespmem:$0x1F780] =	vst v63  }
0x57: {  	_ = 	snop  }
0x58: {  	[tilespmem:s30], [sflag:$0x2] =	stream.indirect.gather [hbm4b:s4+s26], $0x80, s26, s26, $0xb8;
	[tilespmem:$0x1F780] =	vst v63  }
0x59: {  	_ =	swait.ge [sflag:s31], $0x2800  }
0x5a: {  	[sflag:s31] =	ssyncset.done $0x0  }
0x5b: {  	s14 =	simm.s32 $0x2800;
	[sflag:s31] =	ssyncadd.s32 $0xFFFFD800  }
0x5c: {  	[spmem:s2] =	stream.indirect.scatter.add.f32 [tilespmem:s30], [sflag:$0x4], $0x80, s14, s26, $0xb8;
	[tilespmem:$0x1F780] =	vst v63  }
0x5d: {  	_ =	swait.ge [sflag:s0], $0x2800  }
0x5e: {  	[sflag:s0] =	ssyncset.done $0x0  }
0x5f: {  	s15 =	simm.s32 $0xA0;
	[sflag:s0] =	ssyncadd.s32 $0xFFFFD800  }
0x60: {  	[tilespmem:s28], [sflag:$0x1] =	stream.indirect.gather [hbm4b:s4+s26], $0x80, s15, s26, $0xb8;
	[tilespmem:$0x1F780] =	vst v63  }
0x61: {  	_ =	swait.ge [sflag:s29], $0x2800  }
0x62: {  	[sflag:s29] =	ssyncset.done $0x0  }
0x63: {  	s16 =	simm.s32 $0x2880;
	[sflag:s29] =	ssyncadd.s32 $0xFFFFD800  }
0x64: {  	[spmem:s2] =	stream.indirect.scatter.add.f32 [tilespmem:s28], [sflag:$0x3], $0x80, s16, s26, $0xb8;
	[tilespmem:$0x1F780] =	vst v63  }
0x65: {  	_ =	swait.ge [sflag:s10], $0x2800  }
0x66: {  	s13 =	simm.s32 $0xFFFF6A00;
	[sflag:s10] =	ssyncset.done $0x0  }
0x67: {  	s14 =	simm.s32 $0x2900;
	s15 =	simm.s32 $0xF0;
	[sflag:s10] =	ssyncadd.s32 $0xFFFFD800  }
.LBB2_2:
0x68: {  	[tilespmem:s30], [sflag:$0x2] =	stream.indirect.gather [hbm4b:s4+s26], $0x80, s15, s26, $0xb8;
	[tilespmem:$0x1F780] =	vst v63  }
0x69: {  	s15 =	smov.u32 s13  }
0x6a: {  	p1 =	sne.s32 s13, $0xFFFFFD80;
	s13 =	sadd.s32 $0x280, s13;
	_ =	swait.ge [sflag:s31], $0x2800  }
0x6b: {  	[sflag:s31] =	ssyncset.done $0x0  }
0x6c: {  	[sflag:s31] =	ssyncadd.s32 $0xFFFFD800  }
0x6d: {  	[spmem:s2] =	stream.indirect.scatter.add.f32 [tilespmem:s30], [sflag:$0x4], $0x80, s14, s26, $0xb8;
	[tilespmem:$0x1F780] =	vst v63  }
0x6e: {  	_ =	swait.ge [sflag:s0], $0x2800  }
0x6f: {  	s15 =	sshra.s32 s15, $0x2;
	[sflag:s0] =	ssyncset.done $0x0  }
0x70: {  	s16 =	sadd.s32 $0x26C0, s15;
	[sflag:s0] =	ssyncadd.s32 $0xFFFFD800  }
0x71: {  	[tilespmem:s28], [sflag:$0x1] =	stream.indirect.gather [hbm4b:s4+s26], $0x80, s16, s26, $0xb8;
	[tilespmem:$0x1F780] =	vst v63  }
0x72: {  	_ =	swait.ge [sflag:s29], $0x2800  }
0x73: {  	[sflag:s29] =	ssyncset.done $0x0  }
.Ltmp0:
0x74: {  	s16 =	sadd.s32 $0x80, s14;
	[sflag:s29] =	ssyncadd.s32 $0xFFFFD800;
	(pc) =	sbr.rel @p1 .LBB2_2-.Ltmp0, $4  }
0x75: {  	[spmem:s2] =	stream.indirect.scatter.add.f32 [tilespmem:s28], [sflag:$0x3], $0x80, s16, s26, $0xb8;
	[tilespmem:$0x1F780] =	vst v63  }
0x76: {  	_ =	swait.ge [sflag:s10], $0x2800  }
0x77: {  	[sflag:s10] =	ssyncset.done $0x0  }
0x78: {  	s15 =	sadd.s32 $0x2710, s15;
	s14 =	sadd.s32 $0x100, s14;
	[sflag:s10] =	ssyncadd.s32 $0xFFFFD800  }
0x79: {  	[tilespmem:s30], [sflag:$0x2] =	stream.indirect.gather [hbm4b:s4+s26], $0x80, s15, s26, $0xb8;
	[tilespmem:$0x1F780] =	vst v63  }
0x7a: {  	_ =	swait.ge [sflag:s31], $0x2800  }
0x7b: {  	[sflag:s31] =	ssyncset.done $0x0  }
0x7c: {  	s13 =	simm.s32 $0x6500;
	[sflag:s31] =	ssyncadd.s32 $0xFFFFD800  }
0x7d: {  	[spmem:s2] =	stream.indirect.scatter.add.f32 [tilespmem:s30], [sflag:$0x4], $0x80, s13, s26, $0xb8;
	[tilespmem:$0x1F780] =	vst v63  }
0x7e: {  	_ =	swait.ge [sflag:s0], $0x2800  }
0x7f: {  	[sflag:s0] =	ssyncset.done $0x0  }
0x80: {  	s15 =	simm.s32 $0x26C0;
	[sflag:s0] =	ssyncadd.s32 $0xFFFFD800  }
0x81: {  	[tilespmem:s28], [sflag:$0x1] =	stream.indirect.gather [hbm4b:s4+s26], $0x80, s15, s26, $0xb8;
	[tilespmem:$0x1F780] =	vst v63  }
0x82: {  	_ =	swait.ge [sflag:s29], $0x2800  }
0x83: {  	[sflag:s29] =	ssyncset.done $0x0  }
0x84: {  	s16 =	simm.s32 $0x6580;
	[sflag:s29] =	ssyncadd.s32 $0xFFFFD800  }
0x85: {  	[spmem:s2] =	stream.indirect.scatter.add.f32 [tilespmem:s28], [sflag:$0x3], $0x80, s16, s26, $0xb8;
	[tilespmem:$0x1F780] =	vst v63  }
0x86: {  	_ =	swait.ge [sflag:s10], $0x2800  }
0x87: {  	[sflag:s10] =	ssyncset.done $0x0  }
0x88: {  	[sflag:s10] =	ssyncadd.s32 $0xFFFFD800  }
0x89: {  	_ =	swait.ge [sflag:s0], $0x2800  }
0x8a: {  	[sflag:s0] =	ssyncset.done $0x0  }
0x8b: {  	s14 =	sshll.u32 s1, $0x6;
	[sflag:s0] =	ssyncadd.s32 $0xFFFFD800  }
0x8c: {  	s13 =	sor.u32 $0x1C05, s14;
	s14 =	sshrl.u32 s6, $0x3;
	[bflag:$0x0] =	sbarrier.arrive $0xFFFF  }
0x8d: {  	[hbm:s18], [sflag:s13] =	dma.local [spmem:s14], $0x800  }
0x8e: {  	_ =	swait.ge [sflag:s24], $0x800  }
0x8f: {  	[sflag:s24] =	ssyncset.done $0x0  }
0x90: {  	s15 =	sshrl.u32 s7, $0x3;
	[sflag:s24] =	ssyncadd.s32 $0xFFFFF800  }
0x91: {  	[hbm:s20], [sflag:s13] =	dma.local [spmem:s15], $0x800  }
0x92: {  	_ =	swait.ge [sflag:s24], $0x800  }
0x93: {  	[sflag:s24] =	ssyncset.done $0x0  }
0x94: {  	s16 =	sshrl.u32 s8, $0x3;
	[sflag:s24] =	ssyncadd.s32 $0xFFFFF800  }
0x95: {  	[hbm:s21], [sflag:s13] =	dma.local [spmem:s16], $0x800  }
0x96: {  	_ =	swait.ge [sflag:s24], $0x800  }
0x97: {  	[sflag:s24] =	ssyncset.done $0x0  }
0x98: {  	s15 =	sshrl.u32 s9, $0x3;
	[sflag:s24] =	ssyncadd.s32 $0xFFFFF800  }
0x99: {  	[hbm:s22], [sflag:s13] =	dma.local [spmem:s15], $0x800  }
0x9a: {  	s12 =	sadd.s32 $0x1, s12;
	_ =	swait.ge [sflag:s24], $0x800  }
0x9b: {  	p1 =	sne.s32 s12, s19;
	[sflag:s24] =	ssyncset.done $0x0  }
.Ltmp1:
0x9c: {  	s16 =	sshrl.u32 s11, $0x3;
	[sflag:s24] =	ssyncadd.s32 $0xFFFFF800;
	(pc) =	sbr.rel @p1 .LBB2_1-.Ltmp1, $4  }
0x9d: {  	[hbm:s23], [sflag:s13] =	dma.local [spmem:s16], $0x800  }
0x9e: {  	_ =	swait.ge [sflag:s24], $0x800  }
0x9f: {  	[sflag:s24] =	ssyncset.done $0x0  }
0xa0: {  	[sflag:s24] =	ssyncadd.s32 $0xFFFFF800  }
0xa1: {  	_ =	sfence.sel $0x180000  }
0xa2: {  	[bflag:$0x0] =	sbarrier.arrive $0xFFFF  }
0xa3: {  	_ =	strace $0x9000004D  }
0xa4: {  	[bflag:$0x2] =	sbarrier.arrive $0xFFFF  }
0xa5: {  	p0 =	sne.s32 s1, $0x0;
	s0 =	rddreg [dreg:$0x3]  }
0xa6: {  	s0 =	sadd.s32 @!p0 $0x100000, s0  }
0xa7: {  	[sflag:s0] =	ssyncadd.tile.s32 @!p0 $0x1;
	_ =	shalt  }
.Lfunc_end2:
_tile_overlayer_lowered:
.L_overlay_start_2:
0xa8: {  	(tag) =	ssettag $0x2  }
0xa9: {  	s0 =	rddreg [dreg:$0x0];
	s2 =	stileid.u32  }
0xaa: {  	s1 =	rddreg [dreg:$0x1];
	p0 =	sne.s32 s2, $0x0  }
0xab: {  	s3 =	rddreg [dreg:$0x2];
	[bflag:$0x3] =	sbarrier.arrive $0xFFFF;
	s2 =	simm.s32 @!p0 $0x1C05  }
0xac: {  	[timem:s3], [sflag:s2] =	dma.local @!p0 [hbm:s0], s1  }
0xad: {  	s0 =	simm.s32 @!p0 $0x5  }
0xae: {  	_ =	swait.ge @!p0 [sflag:s0], s1  }
0xaf: {  	s1 =	ssub.s32 @!p0 $0x0, s1;
	[sflag:s0] =	ssyncset.done @!p0 $0x0  }
0xb0: {  	[sflag:s0] =	ssyncadd.s32 @!p0 s1  }
0xb1: {  	[bflag:$0x3] =	sbarrier.arrive $0xFFFF  }
0xb2: {  	_ =	shalt  }

// kernel: kernel.8.cloned.1.call-start
scs
__scs_entry_jumppad:
0x0: {  	(pc) =	sbr.rel $0x88, $3  }
0x1: {  	(tag) =	ssettag $0x0;
	lr =	simm.s32 $0x1  }
0x2: {  	[smem:$0x3F9B] =	sst lr;
	_ =	strace $0xD0000000  }
0x3: {  	_ = 	snop  }
0x4: {  	_ = 	snop  }
0x5: {  	_ = 	snop  }
0x6: {  	_ = 	snop  }
0x7: {  	_ = 	snop  }
__scs_overlays_trampoline_lowered:
0x8: {  	[smem:$0x3FAA] =	sst s0  }
0x9: {  	[smem:$0x3FAB] =	sst s1  }
0xa: {  	[smem:$0x3FAC] =	sst s2  }
0xb: {  	[smem:$0x3FAD] =	sst s3  }
0xc: {  	[smem:$0x3FAE] =	sst s4  }
0xd: {  	[smem:$0x3FAF] =	sst s5  }
0xe: {  	[smem:$0x3FB0] =	sst s6  }
0xf: {  	[smem:$0x3FB1] =	sst s7  }
0x10: {  	[smem:$0x3FB2] =	sst s8  }
0x11: {  	[smem:$0x3FB3] =	sst s9;
	s0 =	simm.s32 @!p0 $0x0  }
0x12: {  	s1 =	sld [smem:$0x3F99];
	s0 =	simm.s32 @p0 $0x1  }
0x13: {  	[smem:$0x3FB4] =	sst s0;
	s0 =	simm.s32 @!p1 $0x0  }
0x14: {  	s2 =	sld [smem:$0x3F98];
	s0 =	simm.s32 @p1 $0x1  }
0x15: {  	[smem:$0x3FB5] =	sst s0;
	s0 =	simm.s32 @!p2 $0x0  }
0x16: {  	s3 =	sld [smem:$0x3FDB];
	s0 =	simm.s32 @p2 $0x1  }
0x17: {  	s4 =	simm.s32 $0x1BF5;
	[smem:$0x3FB7] =	sst s0  }
0x18: {  	s0 =	sld [smem:$0x3F9A];
	_ =	swait.ge [sflag:s4], $0x0  }
0x19: {  	s7 =	sld [smem:$0x3F9B]  }
0x1a: {  	s8 =	sadd.s32 $0xFFFFE003, lr  }
0x1b: {  	s9 =	sadd.s32 $0xFFFFFEF7, lr;
	s5 =	simm.s32 $0xFFFFFFFF;
	p2 =	slt.u32 s8, $0xFFFFF086  }
0x1c: {  	p1 =	slt.u32 s9, $0xF7A;
	s5 =	simm.s32 @!p2 $0x0  }
0x1d: {  	s5 =	simm.s32 @p1 $0x1;
	p0 =	seq.s32 s7, s2  }
0x1e: {  	s7 =	smul.u32 @!p0 $0xF7A, s2;
	p2 =	seq.s32 @!p0 s5, $0x0  }
0x1f: {  	s9 =	smul.u32 $0xF7A, s1;
	s8 =	simm.s32 @!p0 $0x1BF5;
	p2 =	por !p2, p0  }
0x20: {  	[sflag:s8] =	ssyncset.s32 @!p0 $0xFFFFF086;
	s6 =	sadd.s32 @!p0 s3, s7;
	s7 =	simm.s32 @!p0 $0x108  }
0x21: {  	s3 =	sadd.s32 s3, s9;
	s6 =	sadd.s32 @!p0 $0x88, s6;
	s7 =	simm.s32 @p2 $0x1082  }
0x22: {  	[simem:s7], [sflag:s8] =	dma.local @!p0 [hbm:s6], $0xF7A  }
0x23: {  	s9 =	sor.u32 $0xD0000000, s2;
	s6 =	simm.s32 $0x108;
	_ =	swait.ge @!p0 [sflag:s8], $0x0  }
0x24: {  	s3 =	sadd.s32 $0x88, s3;
	s6 =	simm.s32 @!p1 $0x1082;
	[sflag:s4] =	ssyncset.s32 $0xFFFFF086  }
0x25: {  	[simem:s6], [sflag:s4] =	dma.local [hbm:s3], $0xF7A  }
0x26: {  	[smem:$0x3F9B] =	sst s1;
	(tag) =	ssettag s2;
	_ =	strace s9  }
0x27: {  	s1 =	sld [smem:$0x3FAB]  }
0x28: {  	s2 =	sld [smem:$0x3FAC]  }
0x29: {  	s4 =	sld [smem:$0x3FAE]  }
0x2a: {  	p0 =	seq.s32 s5, $0x0;
	s5 =	sld [smem:$0x3FAF]  }
0x2b: {  	s6 =	sld [smem:$0x3FB0]  }
0x2c: {  	s7 =	sld [smem:$0x3FB1]  }
0x2d: {  	s3 =	simm.s32 $0x108;
	s8 =	sld [smem:$0x3FB2]  }
0x2e: {  	s3 =	simm.s32 @!p0 $0x1082;
	s9 =	sld [smem:$0x3FB3]  }
0x2f: {  	lr =	sadd.s32 s0, s3;
	s0 =	sld [smem:$0x3FAA]  }
0x30: {  	s3 =	sld [smem:$0x3FAD]  }
0x31: {  	[smem:$0x3FB6] =	sst s10  }
0x32: {  	s10 =	sld [smem:$0x3FB4];
	_ =	sdelay $0x3  }
0x33: {  	p0 =	seq.s32 s10, $0x1;
	s10 =	sld [smem:$0x3FB6];
	_ =	sdelay $0x3  }
0x34: {  	[smem:$0x3FB6] =	sst s10  }
0x35: {  	s10 =	sld [smem:$0x3FB5];
	_ =	sdelay $0x3  }
0x36: {  	p1 =	seq.s32 s10, $0x1;
	s10 =	sld [smem:$0x3FB6];
	_ =	sdelay $0x3  }
0x37: {  	[smem:$0x3FB6] =	sst s10  }
0x38: {  	s10 =	sld [smem:$0x3FB7]  }
0x39: {  	_ = 	snop;
	(pc) =	sbr.ind lr, $3  }
0x3a: {  	_ = 	snop  }
0x3b: {  	_ = 	snop  }
0x3c: {  	p2 =	seq.s32 s10, $0x1;
	s10 =	sld [smem:$0x3FB6]  }
0x3d: {  	_ =	shalt  }
0x3e: {  	_ =	shalt  }
0x3f: {  	_ =	shalt  }
0x40: {  	_ =	shalt  }
0x41: {  	_ =	shalt  }
0x42: {  	_ =	shalt  }
0x43: {  	_ =	shalt  }
0x44: {  	_ =	shalt  }
0x45: {  	_ =	shalt  }
0x46: {  	_ =	shalt  }
0x47: {  	_ =	shalt  }
0x48: {  	_ =	shalt  }
0x49: {  	_ =	shalt  }
0x4a: {  	_ =	shalt  }
0x4b: {  	_ =	shalt  }
0x4c: {  	_ =	shalt  }
0x4d: {  	_ =	shalt  }
0x4e: {  	_ =	shalt  }
0x4f: {  	_ =	shalt  }
0x50: {  	_ =	shalt  }
0x51: {  	_ =	shalt  }
0x52: {  	_ =	shalt  }
0x53: {  	_ =	shalt  }
0x54: {  	_ =	shalt  }
0x55: {  	_ =	shalt  }
0x56: {  	_ =	shalt  }
0x57: {  	_ =	shalt  }
0x58: {  	_ =	shalt  }
0x59: {  	_ =	shalt  }
0x5a: {  	_ =	shalt  }
0x5b: {  	_ =	shalt  }
0x5c: {  	_ =	shalt  }
0x5d: {  	_ =	shalt  }
0x5e: {  	_ =	shalt  }
0x5f: {  	_ =	shalt  }
0x60: {  	_ =	shalt  }
0x61: {  	_ =	shalt  }
0x62: {  	_ =	shalt  }
0x63: {  	_ =	shalt  }
0x64: {  	_ =	shalt  }
0x65: {  	_ =	shalt  }
0x66: {  	_ =	shalt  }
0x67: {  	_ =	shalt  }
0x68: {  	_ =	shalt  }
0x69: {  	_ =	shalt  }
0x6a: {  	_ =	shalt  }
0x6b: {  	_ =	shalt  }
0x6c: {  	_ =	shalt  }
0x6d: {  	_ =	shalt  }
0x6e: {  	_ =	shalt  }
0x6f: {  	_ =	shalt  }
0x70: {  	_ =	shalt  }
0x71: {  	_ =	shalt  }
0x72: {  	_ =	shalt  }
0x73: {  	_ =	shalt  }
0x74: {  	_ =	shalt  }
0x75: {  	_ =	shalt  }
0x76: {  	_ =	shalt  }
0x77: {  	_ =	shalt  }
0x78: {  	_ =	shalt  }
0x79: {  	_ =	shalt  }
0x7a: {  	_ =	shalt  }
0x7b: {  	_ =	shalt  }
0x7c: {  	_ =	shalt  }
0x7d: {  	_ =	shalt  }
0x7e: {  	_ =	shalt  }
0x7f: {  	_ =	shalt  }
0x80: {  	_ =	shalt  }
0x81: {  	_ =	shalt  }
0x82: {  	_ =	shalt  }
0x83: {  	_ =	shalt  }
0x84: {  	_ =	shalt  }
0x85: {  	_ =	shalt  }
0x86: {  	_ =	shalt  }
0x87: {  	_ =	shalt  }
.Lfunc_end0:
.L_simem_size_0:
called_computation_lowered:
.L_overlay_start_0:
0x88: {  	s2 =	sld [smem:$0x3FD9]  }
0x89: {  	s3 =	sld [smem:$0x3FFE];
	_ =	sdelay $0x1  }
0x8a: {  	s1 =	srdreg.scid  }
0x8b: {  	s0 =	sand.u32 $0x1, s1  }
0x8c: {  	s17 =	sshll.u32 s0, $0xA;
	s2 =	sadd.s32 s3, s2  }
0x8d: {  	s2 =	sadd.s32 s2, s17  }
0x8e: {  	[smem:$0x3FC2] =	sst s2  }
0x8f: {  	_ = 	snop  }
0x90: {  	s2 =	sld [smem:$0x3FD0];
	(tm) =	ssettm $0x1  }
0x91: {  	s18 =	sld [smem:$0x3FFB];
	_ =	sdelay $0x3  }
0x92: {  	_ =	strace s18  }
0x93: {  	s3 =	sld [smem:$0x3FFC];
	_ =	sdelay $0x3  }
0x94: {  	_ =	strace s3  }
0x95: {  	s3 =	sld [smem:$0x3FFD];
	_ =	sdelay $0x3  }
0x96: {  	_ =	strace s3  }
0x97: {  	_ =	strace $0x8FFFFFFF  }
0x98: {  	s19 =	sld [smem:$0x3FDB];
	_ =	sdelay $0x1  }
0x99: {  	s4 =	simm.s32 $_scs_section_size  }
0x9a: {  	s5 =	simm.s32 $_size__tile_overlayer_lowered;
	s6 =	simm.s32 $_tile_overlayer_lowered  }
0x9b: {  	s22 =	simm.s32 $0x1BFF;
	s21 =	sshll.u32 s6, $0x1;
	s3 =	sadd.s32 s4, s19  }
0x9c: {  	s7 =	simm.s32 $0x0;
	s20 =	sshll.u32 s5, $0x1;
	s5 =	sadd.s32 s21, s3  }
0x9d: {  	[timem:s7], [sflag:s22] =	dma.local [hbm:s5], s20  }
0x9e: {  	_ =	swait.ge [sflag:s22], s20  }
0x9f: {  	s4 =	ssub.s32 $0x0, s20;
	[sflag:s22] =	ssyncset.done $0x0  }
0xa0: {  	[sflag:s22] =	ssyncadd.s32 s4;
	_ =	sdelay $0x1  }
0xa1: {  	s23 =	simm.s32 $0x1B8B  }
0xa2: {  	_ =	swait.ge [sflag:s23], $0x1  }
0xa3: {  	[sflag:s23] =	ssyncset.done $0x0  }
0xa4: {  	s25 =	simm.s32 $0x1B8E;
	s24 =	sld [smem:$0x3FFE];
	[sflag:s23] =	ssyncadd.s32 $0xFFFFFFFF  }
0xa5: {  	s26 =	simm.s32 $execute0_lowered;
	[smem:$0x3FD2] =	sst s25  }
0xa6: {  	s5 =	sshll.u32 s26, $0x1;
	_ =	strace $0x80000046;
	[dreg:$0x1] =	wrdreg $0xFFFFFFFF  }
0xa7: {  	s28 =	simm.s32 $_size_execute0_lowered;
	s3 =	sadd.s32 s3, s5;
	[dreg:$0x0] =	wrdreg $0x0  }
0xa8: {  	s5 =	sshll.u32 s28, $0x1;
	[dreg:$0x2] =	wrdreg s3  }
0xa9: {  	[dreg:$0x3] =	wrdreg s5  }
0xaa: {  	[dreg:$0x4] =	wrdreg $0xC0  }
0xab: {  	_ =	task [dreg:s7], $0x5FFFF  }
0xac: {  	[dreg:$0x1] =	wrdreg $0xFFFFFFFF  }
0xad: {  	[dreg:$0x0] =	wrdreg $0x60  }
0xae: {  	[dreg:$0x2] =	wrdreg s2  }
0xaf: {  	[dreg:$0x3] =	wrdreg s24  }
0xb0: {  	[dreg:$0x4] =	wrdreg $0x43000  }
0xb1: {  	[dreg:$0x5] =	wrdreg $0x9  }
0xb2: {  	_ =	task.clear_ibuf [dreg:s7], $0x6FFFF;
	_ =	strace $0x90000046  }
0xb3: {  	s29 =	simm.s32 $0x9;
	_ =	strace $0x80000048  }
0xb4: {  	_ =	swait.ge [sflag:s29], $0x1  }
0xb5: {  	[sflag:s29] =	ssyncadd.s32 $0xFFFFFFFF  }
0xb6: {  	_ =	strace $0x90000048  }
0xb7: {  	_ =	sfence  }
0xb8: {  	s30 =	sld [smem:$0x0];
	_ =	sdelay $0x2  }
0xb9: {  	s31 =	sshll.u32 s1, $0xD;
	s1 =	sshrl.u32 s1, $0x2  }
0xba: {  	s3 =	sand.u32 $0x4000, s31;
	s1 =	sadd.s32 s1, s30  }
0xbb: {  	s0 =	sor.u32 s3, s0;
	s1 =	sshll.u32 s1, $0x11  }
0xbc: {  	s0 =	sor.u32 s1, s0  }
0xbd: {  	s0 =	sadd.s32 $0x8F2B, s0  }
0xbe: {  	[sflag:s0] =	ssyncadd.remote.s32 $0x1  }
0xbf: {  	_ =	sfence.sel $0xFFFF  }
0xc0: {  	[dreg:$0x0] =	wrdreg $0xFFFFFFFF;
	(pc) =	sbr.abs _section_cstart, $3  }
0xc1: {  	[dreg:$0x1] =	wrdreg $0xFFFFFFFF  }
0xc2: {  	_ =	task.clear_ibuf [dreg:s7], $0x2FFFF;
	_ =	strace $0x9FFFFFFF  }
0xc3: {  	(tm) =	ssettm $0x7FFFFFFF  }
tec
execute0_lowered:
.L_overlay_start_1:
0x0: {  	(tag) =	ssettag $0x1  }
0x1: {  	s4 =	rddreg [dreg:$0x0]  }
0x2: {  	s5 =	rddreg [dreg:$0x1]  }
0x3: {  	s2 =	rddreg [dreg:$0x2]  }
0x4: {  	s0 =	rddreg [dreg:$0x3];
	s6 =	srdreg.scid  }
0x5: {  	s1 =	stileid.u32;
	s3 =	simm.s32 $0x0;
	s11 =	simm.s32 $0x4000  }
0x6: {  	s12 =	simm.s32 $0x1;
	s15 =	simm.s32 $0x20;
	s16 =	simm.s32 $0x10  }
0x7: {  	s17 =	simm.s32 $0x0;
	s6 =	sand.u32 $0x1, s6;
	s7 =	smul.u32 $0x500, s1  }
0x8: {  	[smem:$0x7FF] =	sst s3;
	s10 =	smul.u32 $0xA00, s1;
	s30 =	sshll.u32 s1, $0xB  }
0x9: {  	s13 =	sshll.u32 s1, $0x6;
	s8 =	sshll.u32 s6, $0x7;
	_ =	strace $0x80000047  }
0xa: {  	s29 =	ssub.s32 $0x2, s6;
	s6 =	sshll.u32 s6, $0xF;
	s13 =	sor.u32 $0x1C02, s13  }
0xb: {  	s7 =	sor.u32 s8, s7;
	s9 =	sshrl.u32 s29, $0x1;
	s31 =	sshrl.u32 s10, $0x2  }
0xc: {  	s10 =	simm.s32 $0x50;
	s7 =	sshrl.u32 s7, $0x3;
	s8 =	ssub.s32 s29, s9  }
0xd: {  	s9 =	simm.s32 $0x2;
	s7 =	sadd.s32 s7, s5;
	s5 =	sadd.s32 s4, s30  }
0xe: {  	s4 =	sadd.s32 s31, s2;
	s5 =	sadd.s32 s6, s5;
	s6 =	sadd.s32 $0xBA00, s7  }
0xf: {  	v0 =	vimm.f32 $1.000000000e+00;
	v1 =	vimm.f32 $0.0e+00;
	s7 =	smax.u32 s8, $0x1;
	s8 =	simm.s32 $0x4080;
	s14 =	sshrl.u32 s4, $0x3  }
.LBB2_1:
0x10: {  	[tilespmem:$0x4000] =	vst v0  }
0x11: {  	[tilespmem:$0x4010] =	vst v0  }
0x12: {  	[tilespmem:$0x4020] =	vst v0  }
0x13: {  	[tilespmem:$0x4030] =	vst v0  }
0x14: {  	[tilespmem:$0x4040] =	vst v0  }
0x15: {  	[tilespmem:$0x4080] =	vst v1  }
0x16: {  	[tilespmem:$0x4090] =	vst v1  }
0x17: {  	[tilespmem:$0x40A0] =	vst v1  }
0x18: {  	[tilespmem:$0x40B0] =	vst v1  }
0x19: {  	[tilespmem:$0x40C0] =	vst v1  }
0x1a: {  	[tilespmem:$0x40D0] =	vst v1  }
0x1b: {  	[tilespmem:$0x40E0] =	vst v1  }
0x1c: {  	[tilespmem:$0x40F0] =	vst v1  }
0x1d: {  	[tilespmem:$0x4100] =	vst v1  }
0x1e: {  	[tilespmem:$0x4110] =	vst v1  }
0x1f: {  	[tilespmem:$0x4120] =	vst v1  }
0x20: {  	[tilespmem:$0x4130] =	vst v1  }
0x21: {  	[tilespmem:$0x4140] =	vst v1  }
0x22: {  	[tilespmem:$0x4150] =	vst v1  }
0x23: {  	[tilespmem:$0x4160] =	vst v1  }
0x24: {  	[tilespmem:$0x4170] =	vst v1  }
0x25: {  	[tilespmem:$0x4180] =	vst v1  }
0x26: {  	[tilespmem:$0x4190] =	vst v1  }
0x27: {  	[tilespmem:$0x41A0] =	vst v1  }
0x28: {  	[tilespmem:$0x41B0] =	vst v1  }
0x29: {  	[tilespmem:$0x41C0] =	vst v1  }
0x2a: {  	[tilespmem:$0x41D0] =	vst v1  }
0x2b: {  	[tilespmem:$0x41E0] =	vst v1  }
0x2c: {  	[tilespmem:$0x41F0] =	vst v1  }
0x2d: {  	[tilespmem:$0x4200] =	vst v1  }
0x2e: {  	[tilespmem:$0x4210] =	vst v1  }
0x2f: {  	[tilespmem:$0x4220] =	vst v1  }
0x30: {  	[tilespmem:$0x4230] =	vst v1  }
0x31: {  	[tilespmem:$0x4240] =	vst v1  }
0x32: {  	[tilespmem:$0x4250] =	vst v1  }
0x33: {  	[tilespmem:$0x4260] =	vst v1  }
0x34: {  	[tilespmem:$0x4270] =	vst v1  }
0x35: {  	[tilespmem:$0x4280] =	vst v1  }
0x36: {  	[tilespmem:$0x4290] =	vst v1  }
0x37: {  	[tilespmem:$0x42A0] =	vst v1  }
0x38: {  	[tilespmem:$0x42B0] =	vst v1  }
0x39: {  	[tilespmem:$0x42C0] =	vst v1  }
0x3a: {  	[tilespmem:$0x42D0] =	vst v1  }
0x3b: {  	[tilespmem:$0x42E0] =	vst v1  }
0x3c: {  	[tilespmem:$0x42F0] =	vst v1  }
0x3d: {  	[spmem:s4] =	stream.linear.scatter [tilespmem:s8], [sflag:$0x2], $0x280, $0x38;
	[tilespmem:$0x4580] =	vst v63  }
0x3e: {  	_ =	swait.ge [sflag:s9], $0x280  }
0x3f: {  	[sflag:s9] =	ssyncset.done $0x0  }
0x40: {  	[sflag:s9] =	ssyncadd.s32 $0xFFFFFD80  }
0x41: {  	[tilespmem:s3], [sflag:$0x2] =	stream.linear.gather [hbm4b:s5+s3], $0x3E80, $0x38;
	[tilespmem:$0x4580] =	vst v63  }
0x42: {  	_ =	swait.ge [sflag:s9], $0x3E80  }
0x43: {  	[sflag:s9] =	ssyncset.done $0x0  }
0x44: {  	[sflag:s9] =	ssyncadd.s32 $0xFFFFC180  }
0x45: {  	s18 =	simm.s32 $0x0;
	[bflag:$0x0] =	sbarrier.arrive $0xFFFF  }
.LBB2_2:
0x46: {  	p0 =	sne.s32 s18, $0xF800  }
.Ltmp0:
0x47: {  	_ = 	snop;
	(pc) =	sbr.rel @p0 .LBB2_2-.Ltmp0, $3  }
0x48: {  	_ =	sdelay $0x1  }
0x49: {  	s19 =	sshra.s32 s18, $0x2;
	s18 =	sadd.s32 $0x200, s18  }
0x4a: {  	[spmem:s2] =	stream.indirect.scatter.add.f32 [tilespmem:s11], [sflag:$0x1], $0x1, s19, s10, $0xb8;
	[tilespmem:$0x4580] =	vst v63  }
0x4b: {  	_ =	swait.ge [sflag:s12], $0x50  }
0x4c: {  	s18 =	simm.s32 $0x7C;
	[sflag:s12] =	ssyncset.done $0x0  }
.LBB2_4:
0x4d: {  	p0 =	sne.s32 s18, $0x1;
	s18 =	sadd.s32 $0xFFFFFFFF, s18;
	[sflag:s12] =	ssyncadd.s32 $0xFFFFFFB0  }
.Ltmp1:
0x4e: {  	(pc) =	sbr.rel @p0 .LBB2_4-.Ltmp1, $3  }
0x4f: {  	_ =	sdelay $0x1  }
0x50: {  	_ =	swait.ge [sflag:s12], $0x50  }
0x51: {  	[sflag:s12] =	ssyncset.done $0x0  }
0x52: {  	s17 =	sadd.s32 $0x1, s17  }
0x53: {  	[sflag:s12] =	ssyncadd.s32 $0xFFFFFFB0;
	p0 =	sne.s32 s17, s7  }
.Ltmp2:
0x54: {  	[bflag:$0x0] =	sbarrier.arrive $0xFFFF;
	(pc) =	sbr.rel @p0 .LBB2_1-.Ltmp2, $4  }
0x55: {  	[hbm:s6@s15], [sflag:s13] =	dma.strided [spmem:s14@s16], $0x50, s12, $0x10   }
0x56: {  	_ =	swait.ge [sflag:s9], $0x50  }
0x57: {  	[sflag:s9] =	ssyncset.done $0x0  }
0x58: {  	[sflag:s9] =	ssyncadd.s32 $0xFFFFFFB0  }
0x59: {  	_ =	sfence.sel $0x180000  }
0x5a: {  	[bflag:$0x0] =	sbarrier.arrive $0xFFFF  }
0x5b: {  	p0 =	sne.s32 s1, $0x0;
	_ =	strace $0x90000047  }
0x5c: {  	s0 =	sadd.s32 @!p0 $0x100000, s0;
	[bflag:$0x2] =	sbarrier.arrive $0xFFFF  }
0x5d: {  	[sflag:s0] =	ssyncadd.tile.s32 @!p0 $0x1;
	_ =	shalt  }
.Lfunc_end2:
_tile_overlayer_lowered:
.L_overlay_start_2:
0x5e: {  	(tag) =	ssettag $0x2  }
0x5f: {  	s0 =	rddreg [dreg:$0x0];
	s2 =	stileid.u32  }
0x60: {  	s1 =	rddreg [dreg:$0x1];
	p0 =	sne.s32 s2, $0x0  }
0x61: {  	s3 =	rddreg [dreg:$0x2];
	[bflag:$0x3] =	sbarrier.arrive $0xFFFF;
	s2 =	simm.s32 @!p0 $0x1C02  }
0x62: {  	[timem:s3], [sflag:s2] =	dma.local @!p0 [hbm:s0], s1  }
0x63: {  	s0 =	simm.s32 @!p0 $0x2  }
0x64: {  	_ =	swait.ge @!p0 [sflag:s0], s1  }
0x65: {  	s1 =	ssub.s32 @!p0 $0x0, s1;
	[sflag:s0] =	ssyncset.done @!p0 $0x0  }
0x66: {  	[sflag:s0] =	ssyncadd.s32 @!p0 s1  }
0x67: {  	[bflag:$0x3] =	sbarrier.arrive $0xFFFF  }
0x68: {  	_ =	shalt  }

</sc_bundles>
